<compile_context>
chip_gen: v7x
topology: tpu7x:2x2x1
jax: 0.10.2.dev20260603
libtpu: 0.0.44.dev20260713+nightly
codegen_flags: <defaults>
</compile_context>

<pallas_src>
import jax
import jax.numpy as jnp
from jax import lax
from jax.experimental import pallas as pl
from jax.experimental.pallas import tpu as pltpu
from jax.experimental.pallas import tpu_sc as plsc

N = 2048
E = 4096
NC = 2
NS = 16
NW = NC * NS
DPW = N // NW
TAB = 101 * 101
TABP = 10208
THRESHOLD = 10.0
CHUNK = 4


def _sc_body(exi_hbm, eyi_hbm, cc_hbm, t0_hbm, t1_hbm, tn_hbm,
             s0_hbm, s1_hbm, dec_hbm,
             exi_v, eyi_v, ex_v, ey_v, t0_v, t1_v, tn_v, ccl_v,
             o0_v, o1_v, od_v):
    cid = lax.axis_index("c")
    sid = lax.axis_index("s")
    wid = sid * NC + cid
    base = wid * DPW

    pltpu.sync_copy(exi_hbm, exi_v)
    pltpu.sync_copy(eyi_hbm, eyi_v)
    pltpu.sync_copy(t0_hbm, t0_v)
    pltpu.sync_copy(t1_hbm, t1_v)
    pltpu.sync_copy(tn_hbm, tn_v)
    pltpu.sync_copy(cc_hbm.at[pl.ds(base, DPW), :], ccl_v)

    @plsc.parallel_loop(0, E // 16)
    def cvt_step(i):
        ex_v[pl.ds(i * 16, 16)] = exi_v[pl.ds(i * 16, 16)].astype(jnp.float32)
        ey_v[pl.ds(i * 16, 16)] = eyi_v[pl.ds(i * 16, 16)].astype(jnp.float32)

    lanes = lax.broadcasted_iota(jnp.int32, (16,), 0)
    ones = jnp.ones((16,), jnp.int32)
    zeros = jnp.zeros((16,), jnp.int32)

    for g in range(DPW // 16):
        rows = lanes + (g * 16)
        cxv = plsc.load_gather(ccl_v, [rows, ones])
        cyv = plsc.load_gather(ccl_v, [rows, zeros])

        z = jnp.zeros((16,), jnp.float32)

        @plsc.parallel_loop(0, E // CHUNK, carry=(z, z, z), unroll=2)
        def chunk_step(c, carry, cxv=cxv, cyv=cyv):
            s0, s1, cn = carry
            ebase = jnp.zeros((16,), jnp.int32) + c * CHUNK
            for j in range(CHUNK):
                idx = ebase + j
                exs = plsc.load_gather(ex_v, [idx])
                eys = plsc.load_gather(ey_v, [idx])
                dxf = jnp.clip(exs - cxv, -50.0, 50.0)
                dyf = jnp.clip(eys - cyv, -50.0, 50.0)
                dxi = dxf.astype(jnp.int32)
                dyi = dyf.astype(jnp.int32)
                f = dxi * 101 + (dyi + (50 * 101 + 50))
                s0 = s0 + plsc.load_gather(t0_v, [f])
                s1 = s1 + plsc.load_gather(t1_v, [f])
                cn = cn + plsc.load_gather(tn_v, [f])
            return (s0, s1, cn)

        s0, s1, cn = chunk_step
        o0_v[pl.ds(g * 16, 16)] = s0
        o1_v[pl.ds(g * 16, 16)] = s1
        od_v[pl.ds(g * 16, 16)] = jnp.where(cn >= THRESHOLD, 1.0, 0.0).astype(jnp.float32)

    pltpu.sync_copy(o0_v, s0_hbm.at[pl.ds(base, DPW)])
    pltpu.sync_copy(o1_v, s1_hbm.at[pl.ds(base, DPW)])
    pltpu.sync_copy(od_v, dec_hbm.at[pl.ds(base, DPW)])


_sc_gather = pl.kernel(
    _sc_body,
    out_type=(
        jax.ShapeDtypeStruct((N,), jnp.float32),
        jax.ShapeDtypeStruct((N,), jnp.float32),
        jax.ShapeDtypeStruct((N,), jnp.float32),
    ),
    mesh=plsc.VectorSubcoreMesh(core_axis_name="c", subcore_axis_name="s"),
    compiler_params=pltpu.CompilerParams(needs_layout_passes=False),
    scratch_types=[
        pltpu.VMEM((E,), jnp.int32),
        pltpu.VMEM((E,), jnp.int32),
        pltpu.VMEM((E,), jnp.float32),
        pltpu.VMEM((E,), jnp.float32),
        pltpu.VMEM((TABP,), jnp.float32),
        pltpu.VMEM((TABP,), jnp.float32),
        pltpu.VMEM((TABP,), jnp.float32),
        pltpu.VMEM((DPW, 2), jnp.float32),
        pltpu.VMEM((DPW,), jnp.float32),
        pltpu.VMEM((DPW,), jnp.float32),
        pltpu.VMEM((DPW,), jnp.float32),
    ],
)

BR = 256


def _tc_pair_body(cc, ccf, corr, mask, pd, cdx, cdy):
    cyrow = cc[:, 0:1]
    cxrow = cc[:, 1:2]
    cxr = jnp.transpose(ccf[:, 1:2])
    cyr = jnp.transpose(ccf[:, 0:1])
    dxc = cxr - cxrow
    dyc = cyr - cyrow
    m = mask[...]
    sdx = dxc * m
    sdy = dyc * m
    p = pd[...]
    radi = sdx * sdx + sdy * sdy - p * p
    stx = jnp.sum(4.0 * dxc * radi, axis=1, keepdims=True)
    sty = jnp.sum(4.0 * dyc * radi, axis=1, keepdims=True)
    cdx[...] = jnp.transpose(corr[...] * stx)
    cdy[...] = jnp.transpose(corr[...] * sty)


_tc_pair = pl.pallas_call(
    _tc_pair_body,
    grid=(N // BR,),
    in_specs=[
        pl.BlockSpec((BR, 2), lambda i: (i, 0)),
        pl.BlockSpec((N, 2), lambda i: (0, 0)),
        pl.BlockSpec((BR, 1), lambda i: (i, 0)),
        pl.BlockSpec((BR, N), lambda i: (i, 0)),
        pl.BlockSpec((BR, N), lambda i: (i, 0)),
    ],
    out_specs=[
        pl.BlockSpec((1, BR), lambda i: (0, i)),
        pl.BlockSpec((1, BR), lambda i: (0, i)),
    ],
    out_shape=[
        jax.ShapeDtypeStruct((1, N), jnp.float32),
        jax.ShapeDtypeStruct((1, N), jnp.float32),
    ],
)


def _tc_combine_body(ccf, s0, s1, dec, cdx, cdy, out):
    cxl = jnp.transpose(ccf[:, 1:2])
    cyl = jnp.transpose(ccf[:, 0:1])
    d = dec[...].reshape(1, N)
    ux = jnp.clip(s0[...].reshape(1, N), -400.0, 400.0)
    uy = jnp.clip(s1[...].reshape(1, N), -400.0, 400.0)
    nx = cxl - 200 * 1.5e-05 * d * (ux - 1.0 * 2.5e-07 * cdx[...])
    ny = cyl - 200 * 1.5e-05 * d * (uy - 1.0 * 2.5e-07 * cdy[...])
    out[...] = jnp.transpose(jnp.concatenate([ny, nx], axis=0))


_tc_combine = pl.pallas_call(
    _tc_combine_body,
    out_shape=jax.ShapeDtypeStruct((N, 2), jnp.float32),
)


@jax.jit
def kernel(events_x, events_y, calib_center, precompute_grid,
           pairwise_dists_mask, pairwise_dists, correction):
    g0 = precompute_grid[:, :, 0].reshape(-1)
    g1 = precompute_grid[:, :, 1].reshape(-1)
    gn = (g0 != 0).astype(jnp.float32) + (g1 != 0).astype(jnp.float32)
    pad = TABP - TAB
    t0 = jnp.pad(g0, (0, pad))
    t1 = jnp.pad(g1, (0, pad))
    tn = jnp.pad(gn, (0, pad))
    s0, s1, dec = _sc_gather(events_x.astype(jnp.int32),
                             events_y.astype(jnp.int32),
                             calib_center, t0, t1, tn)
    cdx, cdy = _tc_pair(calib_center, calib_center,
                        correction.reshape(N, 1),
                        pairwise_dists_mask, pairwise_dists)
    return _tc_combine(calib_center, s0, s1, dec, cdx, cdy)

# --- scband reference (transcript-rebuilt; emitter-appended) ---
"""Pipeline reference for scband-dot-tracking-onnx-model-filter-13322988552665 (READ-ONLY COPY).

The authoritative reference and input builder live on the scoring server;
editing this copy changes nothing except your own understanding.
"""

import jax, jax.numpy as jnp
import numpy as np

N = 2048
E = 4096


def setup_inputs(seed: int = 0) -> dict:
    key = jax.random.key(seed)
    k1, k2, k3, k4, k5, k6, k7 = jax.random.split(key, 7)
    events_x = jax.random.randint(k1, (E,), 0, 640)
    events_y = jax.random.randint(k2, (E,), 0, 480)
    calib_center = jax.random.uniform(k3, (N, 2), dtype=jnp.float32) * jnp.array([480.0, 640.0], dtype=jnp.float32)
    precompute_grid = jax.random.normal(k4, (101, 101, 2), dtype=jnp.float32)
    pairwise_dists_mask = (jax.random.uniform(k5, (N, N)) < 0.1).astype(jnp.float32)
    pairwise_dists = jax.random.uniform(k6, (N, N), dtype=jnp.float32) * 100.0
    correction = jax.random.uniform(k7, (N,), dtype=jnp.float32) * 0.001
    return {
        "events_x": events_x,
        "events_y": events_y,
        "calib_center": calib_center,
        "precompute_grid": precompute_grid,
        "pairwise_dists_mask": pairwise_dists_mask,
        "pairwise_dists": pairwise_dists,
        "correction": correction,
    }


def reference(events_x, events_y, calib_center, precompute_grid, pairwise_dists_mask, pairwise_dists, correction):
    threshold_update = 10  # 10 + 3 * (downsample_factor_internally - 1), downsample=1
    dot_regularization_factor = 1.0
    # torch: sub(long, float).long() -> float sub then truncate toward zero
    dx = (events_x[None, :].astype(jnp.float32) - calib_center[:, 1][:, None]).astype(jnp.int32)
    dy = (events_y[None, :].astype(jnp.float32) - calib_center[:, 0][:, None]).astype(jnp.int32)
    test = precompute_grid[jnp.clip(dx, -50, 50) + 50, jnp.clip(dy, -50, 50) + 50, :]  # [N, E, 2]
    decider = (jnp.sum(jnp.sum((test != 0).astype(jnp.int32), axis=2), axis=1) >= threshold_update).astype(jnp.float32)
    update_dx_fast = jnp.sum(test[:, :, 0], axis=1)
    update_dy_fast = jnp.sum(test[:, :, 1], axis=1)
    # regularize_tracking = True branch
    dx_centers = calib_center[:, 1][None, :] - calib_center[:, 1][:, None]  # [N, N], elem[i,j] = c_x[j] - c_x[i]
    dy_centers = calib_center[:, 0][None, :] - calib_center[:, 0][:, None]
    selected_dxs = dx_centers * pairwise_dists_mask
    selected_dys = dy_centers * pairwise_dists_mask
    radi = selected_dxs ** 2 + selected_dys ** 2 - pairwise_dists ** 2
    dtx_centers = 4.0 * dx_centers * radi
    dty_centers = 4.0 * dy_centers * radi
    center_dx_update = correction * jnp.sum(dtx_centers, axis=1)
    center_dy_update = correction * jnp.sum(dty_centers, axis=1)
    new_x = calib_center[:, 1] - 200 * 1.5e-05 * decider * (jnp.clip(update_dx_fast, -400.0, 400.0) - dot_regularization_factor * 2.5e-07 * center_dx_update)
    new_y = calib_center[:, 0] - 200 * 1.5e-05 * decider * (jnp.clip(update_dy_fast, -400.0, 400.0) - dot_regularization_factor * 2.5e-07 * center_dy_update)
    return jnp.stack([new_y, new_x], axis=1)

if __name__ == "__main__":
    import jax
    _d = setup_inputs()
    print(jax.jit(kernel)(*tuple(_d.values())))

</pallas_src>

<mosaic_0001>
#map = affine_map<(d0, d1) -> (0)>
#map1 = affine_map<(d0, d1) -> (0, 0)>
module attributes {stable_mosaic.version = 14 : i64} {
  func.func @_sc_body(%arg0: i32, %arg1: i32, %arg2: memref<4096xi32, #tpu.memory_space<hbm>>, %arg3: memref<4096xi32, #tpu.memory_space<hbm>>, %arg4: memref<2048x2xf32, #tpu.memory_space<hbm>>, %arg5: memref<10208xf32, #tpu.memory_space<hbm>>, %arg6: memref<10208xf32, #tpu.memory_space<hbm>>, %arg7: memref<10208xf32, #tpu.memory_space<hbm>>, %arg8: memref<2048xf32, #tpu.memory_space<hbm>>, %arg9: memref<2048xf32, #tpu.memory_space<hbm>>, %arg10: memref<2048xf32, #tpu.memory_space<hbm>>, %arg11: memref<4096xi32, #tpu.memory_space<vmem>>, %arg12: memref<4096xi32, #tpu.memory_space<vmem>>, %arg13: memref<4096xf32, #tpu.memory_space<vmem>>, %arg14: memref<4096xf32, #tpu.memory_space<vmem>>, %arg15: memref<10208xf32, #tpu.memory_space<vmem>>, %arg16: memref<10208xf32, #tpu.memory_space<vmem>>, %arg17: memref<10208xf32, #tpu.memory_space<vmem>>, %arg18: memref<64x2xf32, #tpu.memory_space<vmem>>, %arg19: memref<64xf32, #tpu.memory_space<vmem>>, %arg20: memref<64xf32, #tpu.memory_space<vmem>>, %arg21: memref<64xf32, #tpu.memory_space<vmem>>) attributes {dimension_semantics = [#tpu.dimension_semantics<core_parallel>, #tpu.dimension_semantics<subcore_parallel>], iteration_bounds = array<i64: 2, 16>, scalar_prefetch = 0 : i64, scratch_operands = 11 : i64, tpu.core_type = #tpu.core_type<sc_vector_subcore>, window_params = [{transform_indices = #map}, {transform_indices = #map}, {transform_indices = #map1}, {transform_indices = #map}, {transform_indices = #map}, {transform_indices = #map}, {transform_indices = #map}, {transform_indices = #map}, {transform_indices = #map}]} {
    %mul3A = arith.constant 2 : i32
    %mul3A_0 = arith.muli %arg1, %mul3A : i32
    %add3A = arith.addi %mul3A_0, %arg0 : i32
    %mul3A_1 = arith.constant 64 : i32
    %mul3A_2 = arith.muli %add3A, %mul3A_1 : i32
    "tpu.region"() ({
      %run_scoped3A = tpu.sem_alloc : memref<!tpu.dma_semaphore, #tpu.memory_space<semaphore_mem>>
      tpu.enqueue_dma source(%arg2 : memref<4096xi32, #tpu.memory_space<hbm>>) target(%arg11 : memref<4096xi32, #tpu.memory_space<vmem>>) target_semaphore(%run_scoped3A : memref<!tpu.dma_semaphore, #tpu.memory_space<semaphore_mem>>)
      tpu.wait_dma2 semaphore(%run_scoped3A : memref<!tpu.dma_semaphore, #tpu.memory_space<semaphore_mem>>) src(%arg2 : memref<4096xi32, #tpu.memory_space<hbm>>) dst(%arg11 : memref<4096xi32, #tpu.memory_space<vmem>>)
      tpu.yield
    }) : () -> ()
    "tpu.region"() ({
      %run_scoped3A = tpu.sem_alloc : memref<!tpu.dma_semaphore, #tpu.memory_space<semaphore_mem>>
      tpu.enqueue_dma source(%arg3 : memref<4096xi32, #tpu.memory_space<hbm>>) target(%arg12 : memref<4096xi32, #tpu.memory_space<vmem>>) target_semaphore(%run_scoped3A : memref<!tpu.dma_semaphore, #tpu.memory_space<semaphore_mem>>)
      tpu.wait_dma2 semaphore(%run_scoped3A : memref<!tpu.dma_semaphore, #tpu.memory_space<semaphore_mem>>) src(%arg3 : memref<4096xi32, #tpu.memory_space<hbm>>) dst(%arg12 : memref<4096xi32, #tpu.memory_space<vmem>>)
      tpu.yield
    }) : () -> ()
    "tpu.region"() ({
      %run_scoped3A = tpu.sem_alloc : memref<!tpu.dma_semaphore, #tpu.memory_space<semaphore_mem>>
      tpu.enqueue_dma source(%arg5 : memref<10208xf32, #tpu.memory_space<hbm>>) target(%arg15 : memref<10208xf32, #tpu.memory_space<vmem>>) target_semaphore(%run_scoped3A : memref<!tpu.dma_semaphore, #tpu.memory_space<semaphore_mem>>)
      tpu.wait_dma2 semaphore(%run_scoped3A : memref<!tpu.dma_semaphore, #tpu.memory_space<semaphore_mem>>) src(%arg5 : memref<10208xf32, #tpu.memory_space<hbm>>) dst(%arg15 : memref<10208xf32, #tpu.memory_space<vmem>>)
      tpu.yield
    }) : () -> ()
    "tpu.region"() ({
      %run_scoped3A = tpu.sem_alloc : memref<!tpu.dma_semaphore, #tpu.memory_space<semaphore_mem>>
      tpu.enqueue_dma source(%arg6 : memref<10208xf32, #tpu.memory_space<hbm>>) target(%arg16 : memref<10208xf32, #tpu.memory_space<vmem>>) target_semaphore(%run_scoped3A : memref<!tpu.dma_semaphore, #tpu.memory_space<semaphore_mem>>)
      tpu.wait_dma2 semaphore(%run_scoped3A : memref<!tpu.dma_semaphore, #tpu.memory_space<semaphore_mem>>) src(%arg6 : memref<10208xf32, #tpu.memory_space<hbm>>) dst(%arg16 : memref<10208xf32, #tpu.memory_space<vmem>>)
      tpu.yield
    }) : () -> ()
    "tpu.region"() ({
      %run_scoped3A = tpu.sem_alloc : memref<!tpu.dma_semaphore, #tpu.memory_space<semaphore_mem>>
      tpu.enqueue_dma source(%arg7 : memref<10208xf32, #tpu.memory_space<hbm>>) target(%arg17 : memref<10208xf32, #tpu.memory_space<vmem>>) target_semaphore(%run_scoped3A : memref<!tpu.dma_semaphore, #tpu.memory_space<semaphore_mem>>)
      tpu.wait_dma2 semaphore(%run_scoped3A : memref<!tpu.dma_semaphore, #tpu.memory_space<semaphore_mem>>) src(%arg7 : memref<10208xf32, #tpu.memory_space<hbm>>) dst(%arg17 : memref<10208xf32, #tpu.memory_space<vmem>>)
      tpu.yield
    }) : () -> ()
    "tpu.region"() ({
      %run_scoped3A = tpu.sem_alloc : memref<!tpu.dma_semaphore, #tpu.memory_space<semaphore_mem>>
      %dma_start3A = arith.constant 0 : i32
      %dma_start3A_103 = tpu.memref_slice %arg4[%mul3A_2, %dma_start3A] : memref<2048x2xf32, #tpu.memory_space<hbm>> -> memref<64x2xf32, #tpu.memory_space<hbm>>
      %dma_start3A_104 = arith.constant 0 : i32
      %dma_start3A_105 = tpu.memref_slice %arg4[%mul3A_2, %dma_start3A_104] : memref<2048x2xf32, #tpu.memory_space<hbm>> -> memref<64x2xf32, #tpu.memory_space<hbm>>
      tpu.enqueue_dma source(%dma_start3A_105 : memref<64x2xf32, #tpu.memory_space<hbm>>) target(%arg18 : memref<64x2xf32, #tpu.memory_space<vmem>>) target_semaphore(%run_scoped3A : memref<!tpu.dma_semaphore, #tpu.memory_space<semaphore_mem>>)
      %dma_wait3A = arith.constant 0 : i32
      %dma_wait3A_106 = tpu.memref_slice %arg4[%mul3A_2, %dma_wait3A] : memref<2048x2xf32, #tpu.memory_space<hbm>> -> memref<64x2xf32, #tpu.memory_space<hbm>>
      %dma_wait3A_107 = arith.constant 0 : i32
      %dma_wait3A_108 = tpu.memref_slice %arg4[%mul3A_2, %dma_wait3A_107] : memref<2048x2xf32, #tpu.memory_space<hbm>> -> memref<64x2xf32, #tpu.memory_space<hbm>>
      tpu.wait_dma2 semaphore(%run_scoped3A : memref<!tpu.dma_semaphore, #tpu.memory_space<semaphore_mem>>) src(%dma_wait3A_108 : memref<64x2xf32, #tpu.memory_space<hbm>>) dst(%arg18 : memref<64x2xf32, #tpu.memory_space<vmem>>)
      tpu.yield
    }) : () -> ()
    %parallel_loop3A = arith.constant 0 : i32
    %parallel_loop3A_3 = arith.constant 256 : i32
    %parallel_loop3A_4 = arith.constant 1 : i32
    scf.for %parallel_loop3A_103 = %parallel_loop3A to %parallel_loop3A_3 step %parallel_loop3A_4  : i32 {
      %parallel_loop3A_104 = arith.constant 16 : i32
      %parallel_loop3A_105 = arith.muli %parallel_loop3A_103, %parallel_loop3A_104 : i32
      %parallel_loop3A_106 = arith.index_cast %parallel_loop3A_105 : i32 to index
      %parallel_loop3A_107 = tpu.vector_load %arg11[%parallel_loop3A_106] {strides = array<i32>} : memref<4096xi32, #tpu.memory_space<vmem>>, vector<16xi32>,
      %parallel_loop3A_108 = arith.sitofp %parallel_loop3A_107 : vector<16xi32> to vector<16xf32>
      %parallel_loop3A_109 = arith.constant 16 : i32
      %parallel_loop3A_110 = arith.muli %parallel_loop3A_103, %parallel_loop3A_109 : i32
      %parallel_loop3A_111 = arith.index_cast %parallel_loop3A_110 : i32 to index
      %parallel_loop3A_112 = tpu.vector_load %arg13[%parallel_loop3A_111] {strides = array<i32>} : memref<4096xf32, #tpu.memory_space<vmem>>, vector<16xf32>,
      tpu.vector_store %arg13[%parallel_loop3A_111], %parallel_loop3A_108 {strides = array<i32>} : memref<4096xf32, #tpu.memory_space<vmem>>, vector<16xf32>,
      %parallel_loop3A_113 = arith.constant 16 : i32
      %parallel_loop3A_114 = arith.muli %parallel_loop3A_103, %parallel_loop3A_113 : i32
      %parallel_loop3A_115 = arith.index_cast %parallel_loop3A_114 : i32 to index
      %parallel_loop3A_116 = tpu.vector_load %arg12[%parallel_loop3A_115] {strides = array<i32>} : memref<4096xi32, #tpu.memory_space<vmem>>, vector<16xi32>,
      %parallel_loop3A_117 = arith.sitofp %parallel_loop3A_116 : vector<16xi32> to vector<16xf32>
      %parallel_loop3A_118 = arith.constant 16 : i32
      %parallel_loop3A_119 = arith.muli %parallel_loop3A_103, %parallel_loop3A_118 : i32
      %parallel_loop3A_120 = arith.index_cast %parallel_loop3A_119 : i32 to index
      %parallel_loop3A_121 = tpu.vector_load %arg14[%parallel_loop3A_120] {strides = array<i32>} : memref<4096xf32, #tpu.memory_space<vmem>>, vector<16xf32>,
      tpu.vector_store %arg14[%parallel_loop3A_120], %parallel_loop3A_117 {strides = array<i32>} : memref<4096xf32, #tpu.memory_space<vmem>>, vector<16xf32>,
    } {sc.loop_unroll_factor = 1 : i64, sc.parallel_access}
    %iota3A = tpu.iota {dimensions = array<i32: 0>} : vector<16xi32>
    %broadcast_in_dim3A = arith.constant 1 : i32
    %broadcast_in_dim3A_5 = vector.broadcast %broadcast_in_dim3A : i32 to vector<16xi32>
    %broadcast_in_dim3A_6 = arith.constant 0 : i32
    %broadcast_in_dim3A_7 = vector.broadcast %broadcast_in_dim3A_6 : i32 to vector<16xi32>
    %add3A_8 = arith.constant 0 : i32
    %add3A_9 = vector.broadcast %add3A_8 : i32 to vector<16xi32>
    %add3A_10 = arith.addi %iota3A, %add3A_9 : vector<16xi32>
    %gather3A = tpu.vector_load_idx %arg18[%add3A_10, %broadcast_in_dim3A_5] : memref<64x2xf32, #tpu.memory_space<vmem>>[vector<16xi32>, vector<16xi32>], vector<16xf32>,
    %gather3A_11 = tpu.vector_load_idx %arg18[%add3A_10, %broadcast_in_dim3A_7] : memref<64x2xf32, #tpu.memory_space<vmem>>[vector<16xi32>, vector<16xi32>], vector<16xf32>,
    %broadcast_in_dim3A_12 = arith.constant 0.000000e+00 : f32
    %broadcast_in_dim3A_13 = vector.broadcast %broadcast_in_dim3A_12 : f32 to vector<16xf32>
    %parallel_loop3A_14 = arith.constant 0 : i32
    %parallel_loop3A_15 = arith.constant 1024 : i32
    %parallel_loop3A_16 = arith.constant 1 : i32
    %parallel_loop3A_17:3 = scf.for %parallel_loop3A_103 = %parallel_loop3A_14 to %parallel_loop3A_15 step %parallel_loop3A_16 iter_args(%parallel_loop3A_104 = %broadcast_in_dim3A_13, %parallel_loop3A_105 = %broadcast_in_dim3A_13, %parallel_loop3A_106 = %broadcast_in_dim3A_13) -> (vector<16xf32>, vector<16xf32>, vector<16xf32>)  : i32 {
      %parallel_loop3A_107 = arith.constant 0 : i32
      %parallel_loop3A_108 = vector.broadcast %parallel_loop3A_107 : i32 to vector<16xi32>
      %parallel_loop3A_109 = arith.constant 4 : i32
      %parallel_loop3A_110 = arith.muli %parallel_loop3A_103, %parallel_loop3A_109 : i32
      %parallel_loop3A_111 = vector.broadcast %parallel_loop3A_110 : i32 to vector<16xi32>
      %parallel_loop3A_112 = arith.addi %parallel_loop3A_108, %parallel_loop3A_111 : vector<16xi32>
      %parallel_loop3A_113 = arith.constant 0 : i32
      %parallel_loop3A_114 = vector.broadcast %parallel_loop3A_113 : i32 to vector<16xi32>
      %parallel_loop3A_115 = arith.addi %parallel_loop3A_112, %parallel_loop3A_114 : vector<16xi32>
      %parallel_loop3A_116 = tpu.vector_load_idx %arg13[%parallel_loop3A_115] : memref<4096xf32, #tpu.memory_space<vmem>>[vector<16xi32>], vector<16xf32>,
      %parallel_loop3A_117 = tpu.vector_load_idx %arg14[%parallel_loop3A_115] : memref<4096xf32, #tpu.memory_space<vmem>>[vector<16xi32>], vector<16xf32>,
      %parallel_loop3A_118 = arith.subf %parallel_loop3A_116, %gather3A : vector<16xf32>
      %parallel_loop3A_119 = arith.constant -5.000000e+01 : f32
      %parallel_loop3A_120 = arith.constant 5.000000e+01 : f32
      %parallel_loop3A_121 = vector.broadcast %parallel_loop3A_119 : f32 to vector<16xf32>
      %parallel_loop3A_122 = arith.maximumf %parallel_loop3A_121, %parallel_loop3A_118 : vector<16xf32>
      %parallel_loop3A_123 = vector.broadcast %parallel_loop3A_120 : f32 to vector<16xf32>
      %parallel_loop3A_124 = arith.minimumf %parallel_loop3A_123, %parallel_loop3A_122 : vector<16xf32>
      %parallel_loop3A_125 = arith.subf %parallel_loop3A_117, %gather3A_11 : vector<16xf32>
      %parallel_loop3A_126 = arith.constant -5.000000e+01 : f32
      %parallel_loop3A_127 = arith.constant 5.000000e+01 : f32
      %parallel_loop3A_128 = vector.broadcast %parallel_loop3A_126 : f32 to vector<16xf32>
      %parallel_loop3A_129 = arith.maximumf %parallel_loop3A_128, %parallel_loop3A_125 : vector<16xf32>
      %parallel_loop3A_130 = vector.broadcast %parallel_loop3A_127 : f32 to vector<16xf32>
      %parallel_loop3A_131 = arith.minimumf %parallel_loop3A_130, %parallel_loop3A_129 : vector<16xf32>
      %parallel_loop3A_132 = arith.fptosi %parallel_loop3A_124 : vector<16xf32> to vector<16xi32>
      %parallel_loop3A_133 = arith.fptosi %parallel_loop3A_131 : vector<16xf32> to vector<16xi32>
      %parallel_loop3A_134 = arith.constant 101 : i32
      %parallel_loop3A_135 = vector.broadcast %parallel_loop3A_134 : i32 to vector<16xi32>
      %parallel_loop3A_136 = arith.muli %parallel_loop3A_132, %parallel_loop3A_135 : vector<16xi32>
      %parallel_loop3A_137 = arith.constant 5100 : i32
      %parallel_loop3A_138 = vector.broadcast %parallel_loop3A_137 : i32 to vector<16xi32>
      %parallel_loop3A_139 = arith.addi %parallel_loop3A_133, %parallel_loop3A_138 : vector<16xi32>
      %parallel_loop3A_140 = arith.addi %parallel_loop3A_136, %parallel_loop3A_139 : vector<16xi32>
      %parallel_loop3A_141 = tpu.vector_load_idx %arg15[%parallel_loop3A_140] : memref<10208xf32, #tpu.memory_space<vmem>>[vector<16xi32>], vector<16xf32>,
      %parallel_loop3A_142 = arith.addf %parallel_loop3A_104, %parallel_loop3A_141 : vector<16xf32>
      %parallel_loop3A_143 = tpu.vector_load_idx %arg16[%parallel_loop3A_140] : memref<10208xf32, #tpu.memory_space<vmem>>[vector<16xi32>], vector<16xf32>,
      %parallel_loop3A_144 = arith.addf %parallel_loop3A_105, %parallel_loop3A_143 : vector<16xf32>
      %parallel_loop3A_145 = tpu.vector_load_idx %arg17[%parallel_loop3A_140] : memref<10208xf32, #tpu.memory_space<vmem>>[vector<16xi32>], vector<16xf32>,
      %parallel_loop3A_146 = arith.addf %parallel_loop3A_106, %parallel_loop3A_145 : vector<16xf32>
      %parallel_loop3A_147 = arith.constant 1 : i32
      %parallel_loop3A_148 = vector.broadcast %parallel_loop3A_147 : i32 to vector<16xi32>
      %parallel_loop3A_149 = arith.addi %parallel_loop3A_112, %parallel_loop3A_148 : vector<16xi32>
      %parallel_loop3A_150 = tpu.vector_load_idx %arg13[%parallel_loop3A_149] : memref<4096xf32, #tpu.memory_space<vmem>>[vector<16xi32>], vector<16xf32>,
      %parallel_loop3A_151 = tpu.vector_load_idx %arg14[%parallel_loop3A_149] : memref<4096xf32, #tpu.memory_space<vmem>>[vector<16xi32>], vector<16xf32>,
      %parallel_loop3A_152 = arith.subf %parallel_loop3A_150, %gather3A : vector<16xf32>
      %parallel_loop3A_153 = arith.constant -5.000000e+01 : f32
      %parallel_loop3A_154 = arith.constant 5.000000e+01 : f32
      %parallel_loop3A_155 = vector.broadcast %parallel_loop3A_153 : f32 to vector<16xf32>
      %parallel_loop3A_156 = arith.maximumf %parallel_loop3A_155, %parallel_loop3A_152 : vector<16xf32>
      %parallel_loop3A_157 = vector.broadcast %parallel_loop3A_154 : f32 to vector<16xf32>
      %parallel_loop3A_158 = arith.minimumf %parallel_loop3A_157, %parallel_loop3A_156 : vector<16xf32>
      %parallel_loop3A_159 = arith.subf %parallel_loop3A_151, %gather3A_11 : vector<16xf32>
      %parallel_loop3A_160 = arith.constant -5.000000e+01 : f32
      %parallel_loop3A_161 = arith.constant 5.000000e+01 : f32
      %parallel_loop3A_162 = vector.broadcast %parallel_loop3A_160 : f32 to vector<16xf32>
      %parallel_loop3A_163 = arith.maximumf %parallel_loop3A_162, %parallel_loop3A_159 : vector<16xf32>
      %parallel_loop3A_164 = vector.broadcast %parallel_loop3A_161 : f32 to vector<16xf32>
      %parallel_loop3A_165 = arith.minimumf %parallel_loop3A_164, %parallel_loop3A_163 : vector<16xf32>
      %parallel_loop3A_166 = arith.fptosi %parallel_loop3A_158 : vector<16xf32> to vector<16xi32>
      %parallel_loop3A_167 = arith.fptosi %parallel_loop3A_165 : vector<16xf32> to vector<16xi32>
      %parallel_loop3A_168 = arith.constant 101 : i32
      %parallel_loop3A_169 = vector.broadcast %parallel_loop3A_168 : i32 to vector<16xi32>
      %parallel_loop3A_170 = arith.muli %parallel_loop3A_166, %parallel_loop3A_169 : vector<16xi32>
      %parallel_loop3A_171 = arith.constant 5100 : i32
      %parallel_loop3A_172 = vector.broadcast %parallel_loop3A_171 : i32 to vector<16xi32>
      %parallel_loop3A_173 = arith.addi %parallel_loop3A_167, %parallel_loop3A_172 : vector<16xi32>
      %parallel_loop3A_174 = arith.addi %parallel_loop3A_170, %parallel_loop3A_173 : vector<16xi32>
      %parallel_loop3A_175 = tpu.vector_load_idx %arg15[%parallel_loop3A_174] : memref<10208xf32, #tpu.memory_space<vmem>>[vector<16xi32>], vector<16xf32>,
      %parallel_loop3A_176 = arith.addf %parallel_loop3A_142, %parallel_loop3A_175 : vector<16xf32>
      %parallel_loop3A_177 = tpu.vector_load_idx %arg16[%parallel_loop3A_174] : memref<10208xf32, #tpu.memory_space<vmem>>[vector<16xi32>], vector<16xf32>,
      %parallel_loop3A_178 = arith.addf %parallel_loop3A_144, %parallel_loop3A_177 : vector<16xf32>
      %parallel_loop3A_179 = tpu.vector_load_idx %arg17[%parallel_loop3A_174] : memref<10208xf32, #tpu.memory_space<vmem>>[vector<16xi32>], vector<16xf32>,
      %parallel_loop3A_180 = arith.addf %parallel_loop3A_146, %parallel_loop3A_179 : vector<16xf32>
      %parallel_loop3A_181 = arith.constant 2 : i32
      %parallel_loop3A_182 = vector.broadcast %parallel_loop3A_181 : i32 to vector<16xi32>
      %parallel_loop3A_183 = arith.addi %parallel_loop3A_112, %parallel_loop3A_182 : vector<16xi32>
      %parallel_loop3A_184 = tpu.vector_load_idx %arg13[%parallel_loop3A_183] : memref<4096xf32, #tpu.memory_space<vmem>>[vector<16xi32>], vector<16xf32>,
      %parallel_loop3A_185 = tpu.vector_load_idx %arg14[%parallel_loop3A_183] : memref<4096xf32, #tpu.memory_space<vmem>>[vector<16xi32>], vector<16xf32>,
      %parallel_loop3A_186 = arith.subf %parallel_loop3A_184, %gather3A : vector<16xf32>
      %parallel_loop3A_187 = arith.constant -5.000000e+01 : f32
      %parallel_loop3A_188 = arith.constant 5.000000e+01 : f32
      %parallel_loop3A_189 = vector.broadcast %parallel_loop3A_187 : f32 to vector<16xf32>
      %parallel_loop3A_190 = arith.maximumf %parallel_loop3A_189, %parallel_loop3A_186 : vector<16xf32>
      %parallel_loop3A_191 = vector.broadcast %parallel_loop3A_188 : f32 to vector<16xf32>
      %parallel_loop3A_192 = arith.minimumf %parallel_loop3A_191, %parallel_loop3A_190 : vector<16xf32>
      %parallel_loop3A_193 = arith.subf %parallel_loop3A_185, %gather3A_11 : vector<16xf32>
      %parallel_loop3A_194 = arith.constant -5.000000e+01 : f32
      %parallel_loop3A_195 = arith.constant 5.000000e+01 : f32
      %parallel_loop3A_196 = vector.broadcast %parallel_loop3A_194 : f32 to vector<16xf32>
      %parallel_loop3A_197 = arith.maximumf %parallel_loop3A_196, %parallel_loop3A_193 : vector<16xf32>
      %parallel_loop3A_198 = vector.broadcast %parallel_loop3A_195 : f32 to vector<16xf32>
      %parallel_loop3A_199 = arith.minimumf %parallel_loop3A_198, %parallel_loop3A_197 : vector<16xf32>
      %parallel_loop3A_200 = arith.fptosi %parallel_loop3A_192 : vector<16xf32> to vector<16xi32>
      %parallel_loop3A_201 = arith.fptosi %parallel_loop3A_199 : vector<16xf32> to vector<16xi32>
      %parallel_loop3A_202 = arith.constant 101 : i32
      %parallel_loop3A_203 = vector.broadcast %parallel_loop3A_202 : i32 to vector<16xi32>
      %parallel_loop3A_204 = arith.muli %parallel_loop3A_200, %parallel_loop3A_203 : vector<16xi32>
      %parallel_loop3A_205 = arith.constant 5100 : i32
      %parallel_loop3A_206 = vector.broadcast %parallel_loop3A_205 : i32 to vector<16xi32>
      %parallel_loop3A_207 = arith.addi %parallel_loop3A_201, %parallel_loop3A_206 : vector<16xi32>
      %parallel_loop3A_208 = arith.addi %parallel_loop3A_204, %parallel_loop3A_207 : vector<16xi32>
      %parallel_loop3A_209 = tpu.vector_load_idx %arg15[%parallel_loop3A_208] : memref<10208xf32, #tpu.memory_space<vmem>>[vector<16xi32>], vector<16xf32>,
      %parallel_loop3A_210 = arith.addf %parallel_loop3A_176, %parallel_loop3A_209 : vector<16xf32>
      %parallel_loop3A_211 = tpu.vector_load_idx %arg16[%parallel_loop3A_208] : memref<10208xf32, #tpu.memory_space<vmem>>[vector<16xi32>], vector<16xf32>,
      %parallel_loop3A_212 = arith.addf %parallel_loop3A_178, %parallel_loop3A_211 : vector<16xf32>
      %parallel_loop3A_213 = tpu.vector_load_idx %arg17[%parallel_loop3A_208] : memref<10208xf32, #tpu.memory_space<vmem>>[vector<16xi32>], vector<16xf32>,
      %parallel_loop3A_214 = arith.addf %parallel_loop3A_180, %parallel_loop3A_213 : vector<16xf32>
      %parallel_loop3A_215 = arith.constant 3 : i32
      %parallel_loop3A_216 = vector.broadcast %parallel_loop3A_215 : i32 to vector<16xi32>
      %parallel_loop3A_217 = arith.addi %parallel_loop3A_112, %parallel_loop3A_216 : vector<16xi32>
      %parallel_loop3A_218 = tpu.vector_load_idx %arg13[%parallel_loop3A_217] : memref<4096xf32, #tpu.memory_space<vmem>>[vector<16xi32>], vector<16xf32>,
      %parallel_loop3A_219 = tpu.vector_load_idx %arg14[%parallel_loop3A_217] : memref<4096xf32, #tpu.memory_space<vmem>>[vector<16xi32>], vector<16xf32>,
      %parallel_loop3A_220 = arith.subf %parallel_loop3A_218, %gather3A : vector<16xf32>
      %parallel_loop3A_221 = arith.constant -5.000000e+01 : f32
      %parallel_loop3A_222 = arith.constant 5.000000e+01 : f32
      %parallel_loop3A_223 = vector.broadcast %parallel_loop3A_221 : f32 to vector<16xf32>
      %parallel_loop3A_224 = arith.maximumf %parallel_loop3A_223, %parallel_loop3A_220 : vector<16xf32>
      %parallel_loop3A_225 = vector.broadcast %parallel_loop3A_222 : f32 to vector<16xf32>
      %parallel_loop3A_226 = arith.minimumf %parallel_loop3A_225, %parallel_loop3A_224 : vector<16xf32>
      %parallel_loop3A_227 = arith.subf %parallel_loop3A_219, %gather3A_11 : vector<16xf32>
      %parallel_loop3A_228 = arith.constant -5.000000e+01 : f32
      %parallel_loop3A_229 = arith.constant 5.000000e+01 : f32
      %parallel_loop3A_230 = vector.broadcast %parallel_loop3A_228 : f32 to vector<16xf32>
      %parallel_loop3A_231 = arith.maximumf %parallel_loop3A_230, %parallel_loop3A_227 : vector<16xf32>
      %parallel_loop3A_232 = vector.broadcast %parallel_loop3A_229 : f32 to vector<16xf32>
      %parallel_loop3A_233 = arith.minimumf %parallel_loop3A_232, %parallel_loop3A_231 : vector<16xf32>
      %parallel_loop3A_234 = arith.fptosi %parallel_loop3A_226 : vector<16xf32> to vector<16xi32>
      %parallel_loop3A_235 = arith.fptosi %parallel_loop3A_233 : vector<16xf32> to vector<16xi32>
      %parallel_loop3A_236 = arith.constant 101 : i32
      %parallel_loop3A_237 = vector.broadcast %parallel_loop3A_236 : i32 to vector<16xi32>
      %parallel_loop3A_238 = arith.muli %parallel_loop3A_234, %parallel_loop3A_237 : vector<16xi32>
      %parallel_loop3A_239 = arith.constant 5100 : i32
      %parallel_loop3A_240 = vector.broadcast %parallel_loop3A_239 : i32 to vector<16xi32>
      %parallel_loop3A_241 = arith.addi %parallel_loop3A_235, %parallel_loop3A_240 : vector<16xi32>
      %parallel_loop3A_242 = arith.addi %parallel_loop3A_238, %parallel_loop3A_241 : vector<16xi32>
      %parallel_loop3A_243 = tpu.vector_load_idx %arg15[%parallel_loop3A_242] : memref<10208xf32, #tpu.memory_space<vmem>>[vector<16xi32>], vector<16xf32>,
      %parallel_loop3A_244 = arith.addf %parallel_loop3A_210, %parallel_loop3A_243 : vector<16xf32>
      %parallel_loop3A_245 = tpu.vector_load_idx %arg16[%parallel_loop3A_242] : memref<10208xf32, #tpu.memory_space<vmem>>[vector<16xi32>], vector<16xf32>,
      %parallel_loop3A_246 = arith.addf %parallel_loop3A_212, %parallel_loop3A_245 : vector<16xf32>
      %parallel_loop3A_247 = tpu.vector_load_idx %arg17[%parallel_loop3A_242] : memref<10208xf32, #tpu.memory_space<vmem>>[vector<16xi32>], vector<16xf32>,
      %parallel_loop3A_248 = arith.addf %parallel_loop3A_214, %parallel_loop3A_247 : vector<16xf32>
      scf.yield %parallel_loop3A_244, %parallel_loop3A_246, %parallel_loop3A_248 : vector<16xf32>, vector<16xf32>, vector<16xf32>
    } {sc.loop_unroll_factor = 2 : i64, sc.parallel_access}
    %swap3A = arith.constant 0 : index
    %swap3A_18 = tpu.vector_load %arg19[%swap3A] {strides = array<i32>} : memref<64xf32, #tpu.memory_space<vmem>>, vector<16xf32>,
    tpu.vector_store %arg19[%swap3A], %parallel_loop3A_17#0 {strides = array<i32>} : memref<64xf32, #tpu.memory_space<vmem>>, vector<16xf32>,
    %swap3A_19 = arith.constant 0 : index
    %swap3A_20 = tpu.vector_load %arg20[%swap3A_19] {strides = array<i32>} : memref<64xf32, #tpu.memory_space<vmem>>, vector<16xf32>,
    tpu.vector_store %arg20[%swap3A_19], %parallel_loop3A_17#1 {strides = array<i32>} : memref<64xf32, #tpu.memory_space<vmem>>, vector<16xf32>,
    %ge3A = arith.constant 1.000000e+01 : f32
    %ge3A_21 = vector.broadcast %ge3A : f32 to vector<16xf32>
    %ge3A_22 = arith.cmpf oge, %parallel_loop3A_17#2, %ge3A_21 : vector<16xf32>
    %jit3A = arith.constant 1.000000e+00 : f32
    %jit3A_23 = arith.constant 0.000000e+00 : f32
    %broadcast_in_dim3A_24 = vector.broadcast %jit3A : f32 to vector<16xf32>
    %broadcast_in_dim3A_25 = vector.broadcast %jit3A_23 : f32 to vector<16xf32>
    %select_n3A = arith.select %ge3A_22, %broadcast_in_dim3A_24, %broadcast_in_dim3A_25 : vector<16xi1>, vector<16xf32>
    %swap3A_26 = arith.constant 0 : index
    %swap3A_27 = tpu.vector_load %arg21[%swap3A_26] {strides = array<i32>} : memref<64xf32, #tpu.memory_space<vmem>>, vector<16xf32>,
    tpu.vector_store %arg21[%swap3A_26], %select_n3A {strides = array<i32>} : memref<64xf32, #tpu.memory_space<vmem>>, vector<16xf32>,
    %add3A_28 = arith.constant 16 : i32
    %add3A_29 = vector.broadcast %add3A_28 : i32 to vector<16xi32>
    %add3A_30 = arith.addi %iota3A, %add3A_29 : vector<16xi32>
    %gather3A_31 = tpu.vector_load_idx %arg18[%add3A_30, %broadcast_in_dim3A_5] : memref<64x2xf32, #tpu.memory_space<vmem>>[vector<16xi32>, vector<16xi32>], vector<16xf32>,
    %gather3A_32 = tpu.vector_load_idx %arg18[%add3A_30, %broadcast_in_dim3A_7] : memref<64x2xf32, #tpu.memory_space<vmem>>[vector<16xi32>, vector<16xi32>], vector<16xf32>,
    %broadcast_in_dim3A_33 = arith.constant 0.000000e+00 : f32
    %broadcast_in_dim3A_34 = vector.broadcast %broadcast_in_dim3A_33 : f32 to vector<16xf32>
    %parallel_loop3A_35 = arith.constant 0 : i32
    %parallel_loop3A_36 = arith.constant 1024 : i32
    %parallel_loop3A_37 = arith.constant 1 : i32
    %parallel_loop3A_38:3 = scf.for %parallel_loop3A_103 = %parallel_loop3A_35 to %parallel_loop3A_36 step %parallel_loop3A_37 iter_args(%parallel_loop3A_104 = %broadcast_in_dim3A_34, %parallel_loop3A_105 = %broadcast_in_dim3A_34, %parallel_loop3A_106 = %broadcast_in_dim3A_34) -> (vector<16xf32>, vector<16xf32>, vector<16xf32>)  : i32 {
      %parallel_loop3A_107 = arith.constant 0 : i32
      %parallel_loop3A_108 = vector.broadcast %parallel_loop3A_107 : i32 to vector<16xi32>
      %parallel_loop3A_109 = arith.constant 4 : i32
      %parallel_loop3A_110 = arith.muli %parallel_loop3A_103, %parallel_loop3A_109 : i32
      %parallel_loop3A_111 = vector.broadcast %parallel_loop3A_110 : i32 to vector<16xi32>
      %parallel_loop3A_112 = arith.addi %parallel_loop3A_108, %parallel_loop3A_111 : vector<16xi32>
      %parallel_loop3A_113 = arith.constant 0 : i32
      %parallel_loop3A_114 = vector.broadcast %parallel_loop3A_113 : i32 to vector<16xi32>
      %parallel_loop3A_115 = arith.addi %parallel_loop3A_112, %parallel_loop3A_114 : vector<16xi32>
      %parallel_loop3A_116 = tpu.vector_load_idx %arg13[%parallel_loop3A_115] : memref<4096xf32, #tpu.memory_space<vmem>>[vector<16xi32>], vector<16xf32>,
      %parallel_loop3A_117 = tpu.vector_load_idx %arg14[%parallel_loop3A_115] : memref<4096xf32, #tpu.memory_space<vmem>>[vector<16xi32>], vector<16xf32>,
      %parallel_loop3A_118 = arith.subf %parallel_loop3A_116, %gather3A_31 : vector<16xf32>
      %parallel_loop3A_119 = arith.constant -5.000000e+01 : f32
      %parallel_loop3A_120 = arith.constant 5.000000e+01 : f32
      %parallel_loop3A_121 = vector.broadcast %parallel_loop3A_119 : f32 to vector<16xf32>
      %parallel_loop3A_122 = arith.maximumf %parallel_loop3A_121, %parallel_loop3A_118 : vector<16xf32>
      %parallel_loop3A_123 = vector.broadcast %parallel_loop3A_120 : f32 to vector<16xf32>
      %parallel_loop3A_124 = arith.minimumf %parallel_loop3A_123, %parallel_loop3A_122 : vector<16xf32>
      %parallel_loop3A_125 = arith.subf %parallel_loop3A_117, %gather3A_32 : vector<16xf32>
      %parallel_loop3A_126 = arith.constant -5.000000e+01 : f32
      %parallel_loop3A_127 = arith.constant 5.000000e+01 : f32
      %parallel_loop3A_128 = vector.broadcast %parallel_loop3A_126 : f32 to vector<16xf32>
      %parallel_loop3A_129 = arith.maximumf %parallel_loop3A_128, %parallel_loop3A_125 : vector<16xf32>
      %parallel_loop3A_130 = vector.broadcast %parallel_loop3A_127 : f32 to vector<16xf32>
      %parallel_loop3A_131 = arith.minimumf %parallel_loop3A_130, %parallel_loop3A_129 : vector<16xf32>
      %parallel_loop3A_132 = arith.fptosi %parallel_loop3A_124 : vector<16xf32> to vector<16xi32>
      %parallel_loop3A_133 = arith.fptosi %parallel_loop3A_131 : vector<16xf32> to vector<16xi32>
      %parallel_loop3A_134 = arith.constant 101 : i32
      %parallel_loop3A_135 = vector.broadcast %parallel_loop3A_134 : i32 to vector<16xi32>
      %parallel_loop3A_136 = arith.muli %parallel_loop3A_132, %parallel_loop3A_135 : vector<16xi32>
      %parallel_loop3A_137 = arith.constant 5100 : i32
      %parallel_loop3A_138 = vector.broadcast %parallel_loop3A_137 : i32 to vector<16xi32>
      %parallel_loop3A_139 = arith.addi %parallel_loop3A_133, %parallel_loop3A_138 : vector<16xi32>
      %parallel_loop3A_140 = arith.addi %parallel_loop3A_136, %parallel_loop3A_139 : vector<16xi32>
      %parallel_loop3A_141 = tpu.vector_load_idx %arg15[%parallel_loop3A_140] : memref<10208xf32, #tpu.memory_space<vmem>>[vector<16xi32>], vector<16xf32>,
      %parallel_loop3A_142 = arith.addf %parallel_loop3A_104, %parallel_loop3A_141 : vector<16xf32>
      %parallel_loop3A_143 = tpu.vector_load_idx %arg16[%parallel_loop3A_140] : memref<10208xf32, #tpu.memory_space<vmem>>[vector<16xi32>], vector<16xf32>,
      %parallel_loop3A_144 = arith.addf %parallel_loop3A_105, %parallel_loop3A_143 : vector<16xf32>
      %parallel_loop3A_145 = tpu.vector_load_idx %arg17[%parallel_loop3A_140] : memref<10208xf32, #tpu.memory_space<vmem>>[vector<16xi32>], vector<16xf32>,
      %parallel_loop3A_146 = arith.addf %parallel_loop3A_106, %parallel_loop3A_145 : vector<16xf32>
      %parallel_loop3A_147 = arith.constant 1 : i32
      %parallel_loop3A_148 = vector.broadcast %parallel_loop3A_147 : i32 to vector<16xi32>
      %parallel_loop3A_149 = arith.addi %parallel_loop3A_112, %parallel_loop3A_148 : vector<16xi32>
      %parallel_loop3A_150 = tpu.vector_load_idx %arg13[%parallel_loop3A_149] : memref<4096xf32, #tpu.memory_space<vmem>>[vector<16xi32>], vector<16xf32>,
      %parallel_loop3A_151 = tpu.vector_load_idx %arg14[%parallel_loop3A_149] : memref<4096xf32, #tpu.memory_space<vmem>>[vector<16xi32>], vector<16xf32>,
      %parallel_loop3A_152 = arith.subf %parallel_loop3A_150, %gather3A_31 : vector<16xf32>
      %parallel_loop3A_153 = arith.constant -5.000000e+01 : f32
      %parallel_loop3A_154 = arith.constant 5.000000e+01 : f32
      %parallel_loop3A_155 = vector.broadcast %parallel_loop3A_153 : f32 to vector<16xf32>
      %parallel_loop3A_156 = arith.maximumf %parallel_loop3A_155, %parallel_loop3A_152 : vector<16xf32>
      %parallel_loop3A_157 = vector.broadcast %parallel_loop3A_154 : f32 to vector<16xf32>
      %parallel_loop3A_158 = arith.minimumf %parallel_loop3A_157, %parallel_loop3A_156 : vector<16xf32>
      %parallel_loop3A_159 = arith.subf %parallel_loop3A_151, %gather3A_32 : vector<16xf32>
      %parallel_loop3A_160 = arith.constant -5.000000e+01 : f32
      %parallel_loop3A_161 = arith.constant 5.000000e+01 : f32
      %parallel_loop3A_162 = vector.broadcast %parallel_loop3A_160 : f32 to vector<16xf32>
      %parallel_loop3A_163 = arith.maximumf %parallel_loop3A_162, %parallel_loop3A_159 : vector<16xf32>
      %parallel_loop3A_164 = vector.broadcast %parallel_loop3A_161 : f32 to vector<16xf32>
      %parallel_loop3A_165 = arith.minimumf %parallel_loop3A_164, %parallel_loop3A_163 : vector<16xf32>
      %parallel_loop3A_166 = arith.fptosi %parallel_loop3A_158 : vector<16xf32> to vector<16xi32>
      %parallel_loop3A_167 = arith.fptosi %parallel_loop3A_165 : vector<16xf32> to vector<16xi32>
      %parallel_loop3A_168 = arith.constant 101 : i32
      %parallel_loop3A_169 = vector.broadcast %parallel_loop3A_168 : i32 to vector<16xi32>
      %parallel_loop3A_170 = arith.muli %parallel_loop3A_166, %parallel_loop3A_169 : vector<16xi32>
      %parallel_loop3A_171 = arith.constant 5100 : i32
      %parallel_loop3A_172 = vector.broadcast %parallel_loop3A_171 : i32 to vector<16xi32>
      %parallel_loop3A_173 = arith.addi %parallel_loop3A_167, %parallel_loop3A_172 : vector<16xi32>
      %parallel_loop3A_174 = arith.addi %parallel_loop3A_170, %parallel_loop3A_173 : vector<16xi32>
      %parallel_loop3A_175 = tpu.vector_load_idx %arg15[%parallel_loop3A_174] : memref<10208xf32, #tpu.memory_space<vmem>>[vector<16xi32>], vector<16xf32>,
      %parallel_loop3A_176 = arith.addf %parallel_loop3A_142, %parallel_loop3A_175 : vector<16xf32>
      %parallel_loop3A_177 = tpu.vector_load_idx %arg16[%parallel_loop3A_174] : memref<10208xf32, #tpu.memory_space<vmem>>[vector<16xi32>], vector<16xf32>,
      %parallel_loop3A_178 = arith.addf %parallel_loop3A_144, %parallel_loop3A_177 : vector<16xf32>
      %parallel_loop3A_179 = tpu.vector_load_idx %arg17[%parallel_loop3A_174] : memref<10208xf32, #tpu.memory_space<vmem>>[vector<16xi32>], vector<16xf32>,
      %parallel_loop3A_180 = arith.addf %parallel_loop3A_146, %parallel_loop3A_179 : vector<16xf32>
      %parallel_loop3A_181 = arith.constant 2 : i32
      %parallel_loop3A_182 = vector.broadcast %parallel_loop3A_181 : i32 to vector<16xi32>
      %parallel_loop3A_183 = arith.addi %parallel_loop3A_112, %parallel_loop3A_182 : vector<16xi32>
      %parallel_loop3A_184 = tpu.vector_load_idx %arg13[%parallel_loop3A_183] : memref<4096xf32, #tpu.memory_space<vmem>>[vector<16xi32>], vector<16xf32>,
      %parallel_loop3A_185 = tpu.vector_load_idx %arg14[%parallel_loop3A_183] : memref<4096xf32, #tpu.memory_space<vmem>>[vector<16xi32>], vector<16xf32>,
      %parallel_loop3A_186 = arith.subf %parallel_loop3A_184, %gather3A_31 : vector<16xf32>
      %parallel_loop3A_187 = arith.constant -5.000000e+01 : f32
      %parallel_loop3A_188 = arith.constant 5.000000e+01 : f32
      %parallel_loop3A_189 = vector.broadcast %parallel_loop3A_187 : f32 to vector<16xf32>
      %parallel_loop3A_190 = arith.maximumf %parallel_loop3A_189, %parallel_loop3A_186 : vector<16xf32>
      %parallel_loop3A_191 = vector.broadcast %parallel_loop3A_188 : f32 to vector<16xf32>
      %parallel_loop3A_192 = arith.minimumf %parallel_loop3A_191, %parallel_loop3A_190 : vector<16xf32>
      %parallel_loop3A_193 = arith.subf %parallel_loop3A_185, %gather3A_32 : vector<16xf32>
      %parallel_loop3A_194 = arith.constant -5.000000e+01 : f32
      %parallel_loop3A_195 = arith.constant 5.000000e+01 : f32
      %parallel_loop3A_196 = vector.broadcast %parallel_loop3A_194 : f32 to vector<16xf32>
      %parallel_loop3A_197 = arith.maximumf %parallel_loop3A_196, %parallel_loop3A_193 : vector<16xf32>
      %parallel_loop3A_198 = vector.broadcast %parallel_loop3A_195 : f32 to vector<16xf32>
      %parallel_loop3A_199 = arith.minimumf %parallel_loop3A_198, %parallel_loop3A_197 : vector<16xf32>
      %parallel_loop3A_200 = arith.fptosi %parallel_loop3A_192 : vector<16xf32> to vector<16xi32>
      %parallel_loop3A_201 = arith.fptosi %parallel_loop3A_199 : vector<16xf32> to vector<16xi32>
      %parallel_loop3A_202 = arith.constant 101 : i32
      %parallel_loop3A_203 = vector.broadcast %parallel_loop3A_202 : i32 to vector<16xi32>
      %parallel_loop3A_204 = arith.muli %parallel_loop3A_200, %parallel_loop3A_203 : vector<16xi32>
      %parallel_loop3A_205 = arith.constant 5100 : i32
      %parallel_loop3A_206 = vector.broadcast %parallel_loop3A_205 : i32 to vector<16xi32>
      %parallel_loop3A_207 = arith.addi %parallel_loop3A_201, %parallel_loop3A_206 : vector<16xi32>
      %parallel_loop3A_208 = arith.addi %parallel_loop3A_204, %parallel_loop3A_207 : vector<16xi32>
      %parallel_loop3A_209 = tpu.vector_load_idx %arg15[%parallel_loop3A_208] : memref<10208xf32, #tpu.memory_space<vmem>>[vector<16xi32>], vector<16xf32>,
      %parallel_loop3A_210 = arith.addf %parallel_loop3A_176, %parallel_loop3A_209 : vector<16xf32>
      %parallel_loop3A_211 = tpu.vector_load_idx %arg16[%parallel_loop3A_208] : memref<10208xf32, #tpu.memory_space<vmem>>[vector<16xi32>], vector<16xf32>,
      %parallel_loop3A_212 = arith.addf %parallel_loop3A_178, %parallel_loop3A_211 : vector<16xf32>
      %parallel_loop3A_213 = tpu.vector_load_idx %arg17[%parallel_loop3A_208] : memref<10208xf32, #tpu.memory_space<vmem>>[vector<16xi32>], vector<16xf32>,
      %parallel_loop3A_214 = arith.addf %parallel_loop3A_180, %parallel_loop3A_213 : vector<16xf32>
      %parallel_loop3A_215 = arith.constant 3 : i32
      %parallel_loop3A_216 = vector.broadcast %parallel_loop3A_215 : i32 to vector<16xi32>
      %parallel_loop3A_217 = arith.addi %parallel_loop3A_112, %parallel_loop3A_216 : vector<16xi32>
      %parallel_loop3A_218 = tpu.vector_load_idx %arg13[%parallel_loop3A_217] : memref<4096xf32, #tpu.memory_space<vmem>>[vector<16xi32>], vector<16xf32>,
      %parallel_loop3A_219 = tpu.vector_load_idx %arg14[%parallel_loop3A_217] : memref<4096xf32, #tpu.memory_space<vmem>>[vector<16xi32>], vector<16xf32>,
      %parallel_loop3A_220 = arith.subf %parallel_loop3A_218, %gather3A_31 : vector<16xf32>
      %parallel_loop3A_221 = arith.constant -5.000000e+01 : f32
      %parallel_loop3A_222 = arith.constant 5.000000e+01 : f32
      %parallel_loop3A_223 = vector.broadcast %parallel_loop3A_221 : f32 to vector<16xf32>
      %parallel_loop3A_224 = arith.maximumf %parallel_loop3A_223, %parallel_loop3A_220 : vector<16xf32>
      %parallel_loop3A_225 = vector.broadcast %parallel_loop3A_222 : f32 to vector<16xf32>
      %parallel_loop3A_226 = arith.minimumf %parallel_loop3A_225, %parallel_loop3A_224 : vector<16xf32>
      %parallel_loop3A_227 = arith.subf %parallel_loop3A_219, %gather3A_32 : vector<16xf32>
      %parallel_loop3A_228 = arith.constant -5.000000e+01 : f32
      %parallel_loop3A_229 = arith.constant 5.000000e+01 : f32
      %parallel_loop3A_230 = vector.broadcast %parallel_loop3A_228 : f32 to vector<16xf32>
      %parallel_loop3A_231 = arith.maximumf %parallel_loop3A_230, %parallel_loop3A_227 : vector<16xf32>
      %parallel_loop3A_232 = vector.broadcast %parallel_loop3A_229 : f32 to vector<16xf32>
      %parallel_loop3A_233 = arith.minimumf %parallel_loop3A_232, %parallel_loop3A_231 : vector<16xf32>
      %parallel_loop3A_234 = arith.fptosi %parallel_loop3A_226 : vector<16xf32> to vector<16xi32>
      %parallel_loop3A_235 = arith.fptosi %parallel_loop3A_233 : vector<16xf32> to vector<16xi32>
      %parallel_loop3A_236 = arith.constant 101 : i32
      %parallel_loop3A_237 = vector.broadcast %parallel_loop3A_236 : i32 to vector<16xi32>
      %parallel_loop3A_238 = arith.muli %parallel_loop3A_234, %parallel_loop3A_237 : vector<16xi32>
      %parallel_loop3A_239 = arith.constant 5100 : i32
      %parallel_loop3A_240 = vector.broadcast %parallel_loop3A_239 : i32 to vector<16xi32>
      %parallel_loop3A_241 = arith.addi %parallel_loop3A_235, %parallel_loop3A_240 : vector<16xi32>
      %parallel_loop3A_242 = arith.addi %parallel_loop3A_238, %parallel_loop3A_241 : vector<16xi32>
      %parallel_loop3A_243 = tpu.vector_load_idx %arg15[%parallel_loop3A_242] : memref<10208xf32, #tpu.memory_space<vmem>>[vector<16xi32>], vector<16xf32>,
      %parallel_loop3A_244 = arith.addf %parallel_loop3A_210, %parallel_loop3A_243 : vector<16xf32>
      %parallel_loop3A_245 = tpu.vector_load_idx %arg16[%parallel_loop3A_242] : memref<10208xf32, #tpu.memory_space<vmem>>[vector<16xi32>], vector<16xf32>,
      %parallel_loop3A_246 = arith.addf %parallel_loop3A_212, %parallel_loop3A_245 : vector<16xf32>
      %parallel_loop3A_247 = tpu.vector_load_idx %arg17[%parallel_loop3A_242] : memref<10208xf32, #tpu.memory_space<vmem>>[vector<16xi32>], vector<16xf32>,
      %parallel_loop3A_248 = arith.addf %parallel_loop3A_214, %parallel_loop3A_247 : vector<16xf32>
      scf.yield %parallel_loop3A_244, %parallel_loop3A_246, %parallel_loop3A_248 : vector<16xf32>, vector<16xf32>, vector<16xf32>
    } {sc.loop_unroll_factor = 2 : i64, sc.parallel_access}
    %swap3A_39 = arith.constant 16 : index
    %swap3A_40 = tpu.vector_load %arg19[%swap3A_39] {strides = array<i32>} : memref<64xf32, #tpu.memory_space<vmem>>, vector<16xf32>,
    tpu.vector_store %arg19[%swap3A_39], %parallel_loop3A_38#0 {strides = array<i32>} : memref<64xf32, #tpu.memory_space<vmem>>, vector<16xf32>,
    %swap3A_41 = arith.constant 16 : index
    %swap3A_42 = tpu.vector_load %arg20[%swap3A_41] {strides = array<i32>} : memref<64xf32, #tpu.memory_space<vmem>>, vector<16xf32>,
    tpu.vector_store %arg20[%swap3A_41], %parallel_loop3A_38#1 {strides = array<i32>} : memref<64xf32, #tpu.memory_space<vmem>>, vector<16xf32>,
    %ge3A_43 = arith.constant 1.000000e+01 : f32
    %ge3A_44 = vector.broadcast %ge3A_43 : f32 to vector<16xf32>
    %ge3A_45 = arith.cmpf oge, %parallel_loop3A_38#2, %ge3A_44 : vector<16xf32>
    %jit3A_46 = arith.constant 1.000000e+00 : f32
    %jit3A_47 = arith.constant 0.000000e+00 : f32
    %broadcast_in_dim3A_48 = vector.broadcast %jit3A_46 : f32 to vector<16xf32>
    %broadcast_in_dim3A_49 = vector.broadcast %jit3A_47 : f32 to vector<16xf32>
    %select_n3A_50 = arith.select %ge3A_45, %broadcast_in_dim3A_48, %broadcast_in_dim3A_49 : vector<16xi1>, vector<16xf32>
    %swap3A_51 = arith.constant 16 : index
    %swap3A_52 = tpu.vector_load %arg21[%swap3A_51] {strides = array<i32>} : memref<64xf32, #tpu.memory_space<vmem>>, vector<16xf32>,
    tpu.vector_store %arg21[%swap3A_51], %select_n3A_50 {strides = array<i32>} : memref<64xf32, #tpu.memory_space<vmem>>, vector<16xf32>,
    %add3A_53 = arith.constant 32 : i32
    %add3A_54 = vector.broadcast %add3A_53 : i32 to vector<16xi32>
    %add3A_55 = arith.addi %iota3A, %add3A_54 : vector<16xi32>
    %gather3A_56 = tpu.vector_load_idx %arg18[%add3A_55, %broadcast_in_dim3A_5] : memref<64x2xf32, #tpu.memory_space<vmem>>[vector<16xi32>, vector<16xi32>], vector<16xf32>,
    %gather3A_57 = tpu.vector_load_idx %arg18[%add3A_55, %broadcast_in_dim3A_7] : memref<64x2xf32, #tpu.memory_space<vmem>>[vector<16xi32>, vector<16xi32>], vector<16xf32>,
    %broadcast_in_dim3A_58 = arith.constant 0.000000e+00 : f32
    %broadcast_in_dim3A_59 = vector.broadcast %broadcast_in_dim3A_58 : f32 to vector<16xf32>
    %parallel_loop3A_60 = arith.constant 0 : i32
    %parallel_loop3A_61 = arith.constant 1024 : i32
    %parallel_loop3A_62 = arith.constant 1 : i32
    %parallel_loop3A_63:3 = scf.for %parallel_loop3A_103 = %parallel_loop3A_60 to %parallel_loop3A_61 step %parallel_loop3A_62 iter_args(%parallel_loop3A_104 = %broadcast_in_dim3A_59, %parallel_loop3A_105 = %broadcast_in_dim3A_59, %parallel_loop3A_106 = %broadcast_in_dim3A_59) -> (vector<16xf32>, vector<16xf32>, vector<16xf32>)  : i32 {
      %parallel_loop3A_107 = arith.constant 0 : i32
      %parallel_loop3A_108 = vector.broadcast %parallel_loop3A_107 : i32 to vector<16xi32>
      %parallel_loop3A_109 = arith.constant 4 : i32
      %parallel_loop3A_110 = arith.muli %parallel_loop3A_103, %parallel_loop3A_109 : i32
      %parallel_loop3A_111 = vector.broadcast %parallel_loop3A_110 : i32 to vector<16xi32>
      %parallel_loop3A_112 = arith.addi %parallel_loop3A_108, %parallel_loop3A_111 : vector<16xi32>
      %parallel_loop3A_113 = arith.constant 0 : i32
      %parallel_loop3A_114 = vector.broadcast %parallel_loop3A_113 : i32 to vector<16xi32>
      %parallel_loop3A_115 = arith.addi %parallel_loop3A_112, %parallel_loop3A_114 : vector<16xi32>
      %parallel_loop3A_116 = tpu.vector_load_idx %arg13[%parallel_loop3A_115] : memref<4096xf32, #tpu.memory_space<vmem>>[vector<16xi32>], vector<16xf32>,
      %parallel_loop3A_117 = tpu.vector_load_idx %arg14[%parallel_loop3A_115] : memref<4096xf32, #tpu.memory_space<vmem>>[vector<16xi32>], vector<16xf32>,
      %parallel_loop3A_118 = arith.subf %parallel_loop3A_116, %gather3A_56 : vector<16xf32>
      %parallel_loop3A_119 = arith.constant -5.000000e+01 : f32
      %parallel_loop3A_120 = arith.constant 5.000000e+01 : f32
      %parallel_loop3A_121 = vector.broadcast %parallel_loop3A_119 : f32 to vector<16xf32>
      %parallel_loop3A_122 = arith.maximumf %parallel_loop3A_121, %parallel_loop3A_118 : vector<16xf32>
      %parallel_loop3A_123 = vector.broadcast %parallel_loop3A_120 : f32 to vector<16xf32>
      %parallel_loop3A_124 = arith.minimumf %parallel_loop3A_123, %parallel_loop3A_122 : vector<16xf32>
      %parallel_loop3A_125 = arith.subf %parallel_loop3A_117, %gather3A_57 : vector<16xf32>
      %parallel_loop3A_126 = arith.constant -5.000000e+01 : f32
      %parallel_loop3A_127 = arith.constant 5.000000e+01 : f32
      %parallel_loop3A_128 = vector.broadcast %parallel_loop3A_126 : f32 to vector<16xf32>
      %parallel_loop3A_129 = arith.maximumf %parallel_loop3A_128, %parallel_loop3A_125 : vector<16xf32>
      %parallel_loop3A_130 = vector.broadcast %parallel_loop3A_127 : f32 to vector<16xf32>
      %parallel_loop3A_131 = arith.minimumf %parallel_loop3A_130, %parallel_loop3A_129 : vector<16xf32>
      %parallel_loop3A_132 = arith.fptosi %parallel_loop3A_124 : vector<16xf32> to vector<16xi32>
      %parallel_loop3A_133 = arith.fptosi %parallel_loop3A_131 : vector<16xf32> to vector<16xi32>
      %parallel_loop3A_134 = arith.constant 101 : i32
      %parallel_loop3A_135 = vector.broadcast %parallel_loop3A_134 : i32 to vector<16xi32>
      %parallel_loop3A_136 = arith.muli %parallel_loop3A_132, %parallel_loop3A_135 : vector<16xi32>
      %parallel_loop3A_137 = arith.constant 5100 : i32
      %parallel_loop3A_138 = vector.broadcast %parallel_loop3A_137 : i32 to vector<16xi32>
      %parallel_loop3A_139 = arith.addi %parallel_loop3A_133, %parallel_loop3A_138 : vector<16xi32>
      %parallel_loop3A_140 = arith.addi %parallel_loop3A_136, %parallel_loop3A_139 : vector<16xi32>
      %parallel_loop3A_141 = tpu.vector_load_idx %arg15[%parallel_loop3A_140] : memref<10208xf32, #tpu.memory_space<vmem>>[vector<16xi32>], vector<16xf32>,
      %parallel_loop3A_142 = arith.addf %parallel_loop3A_104, %parallel_loop3A_141 : vector<16xf32>
      %parallel_loop3A_143 = tpu.vector_load_idx %arg16[%parallel_loop3A_140] : memref<10208xf32, #tpu.memory_space<vmem>>[vector<16xi32>], vector<16xf32>,
      %parallel_loop3A_144 = arith.addf %parallel_loop3A_105, %parallel_loop3A_143 : vector<16xf32>
      %parallel_loop3A_145 = tpu.vector_load_idx %arg17[%parallel_loop3A_140] : memref<10208xf32, #tpu.memory_space<vmem>>[vector<16xi32>], vector<16xf32>,
      %parallel_loop3A_146 = arith.addf %parallel_loop3A_106, %parallel_loop3A_145 : vector<16xf32>
      %parallel_loop3A_147 = arith.constant 1 : i32
      %parallel_loop3A_148 = vector.broadcast %parallel_loop3A_147 : i32 to vector<16xi32>
      %parallel_loop3A_149 = arith.addi %parallel_loop3A_112, %parallel_loop3A_148 : vector<16xi32>
      %parallel_loop3A_150 = tpu.vector_load_idx %arg13[%parallel_loop3A_149] : memref<4096xf32, #tpu.memory_space<vmem>>[vector<16xi32>], vector<16xf32>,
      %parallel_loop3A_151 = tpu.vector_load_idx %arg14[%parallel_loop3A_149] : memref<4096xf32, #tpu.memory_space<vmem>>[vector<16xi32>], vector<16xf32>,
      %parallel_loop3A_152 = arith.subf %parallel_loop3A_150, %gather3A_56 : vector<16xf32>
      %parallel_loop3A_153 = arith.constant -5.000000e+01 : f32
      %parallel_loop3A_154 = arith.constant 5.000000e+01 : f32
      %parallel_loop3A_155 = vector.broadcast %parallel_loop3A_153 : f32 to vector<16xf32>
      %parallel_loop3A_156 = arith.maximumf %parallel_loop3A_155, %parallel_loop3A_152 : vector<16xf32>
      %parallel_loop3A_157 = vector.broadcast %parallel_loop3A_154 : f32 to vector<16xf32>
      %parallel_loop3A_158 = arith.minimumf %parallel_loop3A_157, %parallel_loop3A_156 : vector<16xf32>
      %parallel_loop3A_159 = arith.subf %parallel_loop3A_151, %gather3A_57 : vector<16xf32>
      %parallel_loop3A_160 = arith.constant -5.000000e+01 : f32
      %parallel_loop3A_161 = arith.constant 5.000000e+01 : f32
      %parallel_loop3A_162 = vector.broadcast %parallel_loop3A_160 : f32 to vector<16xf32>
      %parallel_loop3A_163 = arith.maximumf %parallel_loop3A_162, %parallel_loop3A_159 : vector<16xf32>
      %parallel_loop3A_164 = vector.broadcast %parallel_loop3A_161 : f32 to vector<16xf32>
      %parallel_loop3A_165 = arith.minimumf %parallel_loop3A_164, %parallel_loop3A_163 : vector<16xf32>
      %parallel_loop3A_166 = arith.fptosi %parallel_loop3A_158 : vector<16xf32> to vector<16xi32>
      %parallel_loop3A_167 = arith.fptosi %parallel_loop3A_165 : vector<16xf32> to vector<16xi32>
      %parallel_loop3A_168 = arith.constant 101 : i32
      %parallel_loop3A_169 = vector.broadcast %parallel_loop3A_168 : i32 to vector<16xi32>
      %parallel_loop3A_170 = arith.muli %parallel_loop3A_166, %parallel_loop3A_169 : vector<16xi32>
      %parallel_loop3A_171 = arith.constant 5100 : i32
      %parallel_loop3A_172 = vector.broadcast %parallel_loop3A_171 : i32 to vector<16xi32>
      %parallel_loop3A_173 = arith.addi %parallel_loop3A_167, %parallel_loop3A_172 : vector<16xi32>
      %parallel_loop3A_174 = arith.addi %parallel_loop3A_170, %parallel_loop3A_173 : vector<16xi32>
      %parallel_loop3A_175 = tpu.vector_load_idx %arg15[%parallel_loop3A_174] : memref<10208xf32, #tpu.memory_space<vmem>>[vector<16xi32>], vector<16xf32>,
      %parallel_loop3A_176 = arith.addf %parallel_loop3A_142, %parallel_loop3A_175 : vector<16xf32>
      %parallel_loop3A_177 = tpu.vector_load_idx %arg16[%parallel_loop3A_174] : memref<10208xf32, #tpu.memory_space<vmem>>[vector<16xi32>], vector<16xf32>,
      %parallel_loop3A_178 = arith.addf %parallel_loop3A_144, %parallel_loop3A_177 : vector<16xf32>
      %parallel_loop3A_179 = tpu.vector_load_idx %arg17[%parallel_loop3A_174] : memref<10208xf32, #tpu.memory_space<vmem>>[vector<16xi32>], vector<16xf32>,
      %parallel_loop3A_180 = arith.addf %parallel_loop3A_146, %parallel_loop3A_179 : vector<16xf32>
      %parallel_loop3A_181 = arith.constant 2 : i32
      %parallel_loop3A_182 = vector.broadcast %parallel_loop3A_181 : i32 to vector<16xi32>
      %parallel_loop3A_183 = arith.addi %parallel_loop3A_112, %parallel_loop3A_182 : vector<16xi32>
      %parallel_loop3A_184 = tpu.vector_load_idx %arg13[%parallel_loop3A_183] : memref<4096xf32, #tpu.memory_space<vmem>>[vector<16xi32>], vector<16xf32>,
      %parallel_loop3A_185 = tpu.vector_load_idx %arg14[%parallel_loop3A_183] : memref<4096xf32, #tpu.memory_space<vmem>>[vector<16xi32>], vector<16xf32>,
      %parallel_loop3A_186 = arith.subf %parallel_loop3A_184, %gather3A_56 : vector<16xf32>
      %parallel_loop3A_187 = arith.constant -5.000000e+01 : f32
      %parallel_loop3A_188 = arith.constant 5.000000e+01 : f32
      %parallel_loop3A_189 = vector.broadcast %parallel_loop3A_187 : f32 to vector<16xf32>
      %parallel_loop3A_190 = arith.maximumf %parallel_loop3A_189, %parallel_loop3A_186 : vector<16xf32>
      %parallel_loop3A_191 = vector.broadcast %parallel_loop3A_188 : f32 to vector<16xf32>
      %parallel_loop3A_192 = arith.minimumf %parallel_loop3A_191, %parallel_loop3A_190 : vector<16xf32>
      %parallel_loop3A_193 = arith.subf %parallel_loop3A_185, %gather3A_57 : vector<16xf32>
      %parallel_loop3A_194 = arith.constant -5.000000e+01 : f32
      %parallel_loop3A_195 = arith.constant 5.000000e+01 : f32
      %parallel_loop3A_196 = vector.broadcast %parallel_loop3A_194 : f32 to vector<16xf32>
      %parallel_loop3A_197 = arith.maximumf %parallel_loop3A_196, %parallel_loop3A_193 : vector<16xf32>
      %parallel_loop3A_198 = vector.broadcast %parallel_loop3A_195 : f32 to vector<16xf32>
      %parallel_loop3A_199 = arith.minimumf %parallel_loop3A_198, %parallel_loop3A_197 : vector<16xf32>
      %parallel_loop3A_200 = arith.fptosi %parallel_loop3A_192 : vector<16xf32> to vector<16xi32>
      %parallel_loop3A_201 = arith.fptosi %parallel_loop3A_199 : vector<16xf32> to vector<16xi32>
      %parallel_loop3A_202 = arith.constant 101 : i32
      %parallel_loop3A_203 = vector.broadcast %parallel_loop3A_202 : i32 to vector<16xi32>
      %parallel_loop3A_204 = arith.muli %parallel_loop3A_200, %parallel_loop3A_203 : vector<16xi32>
      %parallel_loop3A_205 = arith.constant 5100 : i32
      %parallel_loop3A_206 = vector.broadcast %parallel_loop3A_205 : i32 to vector<16xi32>
      %parallel_loop3A_207 = arith.addi %parallel_loop3A_201, %parallel_loop3A_206 : vector<16xi32>
      %parallel_loop3A_208 = arith.addi %parallel_loop3A_204, %parallel_loop3A_207 : vector<16xi32>
      %parallel_loop3A_209 = tpu.vector_load_idx %arg15[%parallel_loop3A_208] : memref<10208xf32, #tpu.memory_space<vmem>>[vector<16xi32>], vector<16xf32>,
      %parallel_loop3A_210 = arith.addf %parallel_loop3A_176, %parallel_loop3A_209 : vector<16xf32>
      %parallel_loop3A_211 = tpu.vector_load_idx %arg16[%parallel_loop3A_208] : memref<10208xf32, #tpu.memory_space<vmem>>[vector<16xi32>], vector<16xf32>,
      %parallel_loop3A_212 = arith.addf %parallel_loop3A_178, %parallel_loop3A_211 : vector<16xf32>
      %parallel_loop3A_213 = tpu.vector_load_idx %arg17[%parallel_loop3A_208] : memref<10208xf32, #tpu.memory_space<vmem>>[vector<16xi32>], vector<16xf32>,
      %parallel_loop3A_214 = arith.addf %parallel_loop3A_180, %parallel_loop3A_213 : vector<16xf32>
      %parallel_loop3A_215 = arith.constant 3 : i32
      %parallel_loop3A_216 = vector.broadcast %parallel_loop3A_215 : i32 to vector<16xi32>
      %parallel_loop3A_217 = arith.addi %parallel_loop3A_112, %parallel_loop3A_216 : vector<16xi32>
      %parallel_loop3A_218 = tpu.vector_load_idx %arg13[%parallel_loop3A_217] : memref<4096xf32, #tpu.memory_space<vmem>>[vector<16xi32>], vector<16xf32>,
      %parallel_loop3A_219 = tpu.vector_load_idx %arg14[%parallel_loop3A_217] : memref<4096xf32, #tpu.memory_space<vmem>>[vector<16xi32>], vector<16xf32>,
      %parallel_loop3A_220 = arith.subf %parallel_loop3A_218, %gather3A_56 : vector<16xf32>
      %parallel_loop3A_221 = arith.constant -5.000000e+01 : f32
      %parallel_loop3A_222 = arith.constant 5.000000e+01 : f32
      %parallel_loop3A_223 = vector.broadcast %parallel_loop3A_221 : f32 to vector<16xf32>
      %parallel_loop3A_224 = arith.maximumf %parallel_loop3A_223, %parallel_loop3A_220 : vector<16xf32>
      %parallel_loop3A_225 = vector.broadcast %parallel_loop3A_222 : f32 to vector<16xf32>
      %parallel_loop3A_226 = arith.minimumf %parallel_loop3A_225, %parallel_loop3A_224 : vector<16xf32>
      %parallel_loop3A_227 = arith.subf %parallel_loop3A_219, %gather3A_57 : vector<16xf32>
      %parallel_loop3A_228 = arith.constant -5.000000e+01 : f32
      %parallel_loop3A_229 = arith.constant 5.000000e+01 : f32
      %parallel_loop3A_230 = vector.broadcast %parallel_loop3A_228 : f32 to vector<16xf32>
      %parallel_loop3A_231 = arith.maximumf %parallel_loop3A_230, %parallel_loop3A_227 : vector<16xf32>
      %parallel_loop3A_232 = vector.broadcast %parallel_loop3A_229 : f32 to vector<16xf32>
      %parallel_loop3A_233 = arith.minimumf %parallel_loop3A_232, %parallel_loop3A_231 : vector<16xf32>
      %parallel_loop3A_234 = arith.fptosi %parallel_loop3A_226 : vector<16xf32> to vector<16xi32>
      %parallel_loop3A_235 = arith.fptosi %parallel_loop3A_233 : vector<16xf32> to vector<16xi32>
      %parallel_loop3A_236 = arith.constant 101 : i32
      %parallel_loop3A_237 = vector.broadcast %parallel_loop3A_236 : i32 to vector<16xi32>
      %parallel_loop3A_238 = arith.muli %parallel_loop3A_234, %parallel_loop3A_237 : vector<16xi32>
      %parallel_loop3A_239 = arith.constant 5100 : i32
      %parallel_loop3A_240 = vector.broadcast %parallel_loop3A_239 : i32 to vector<16xi32>
      %parallel_loop3A_241 = arith.addi %parallel_loop3A_235, %parallel_loop3A_240 : vector<16xi32>
      %parallel_loop3A_242 = arith.addi %parallel_loop3A_238, %parallel_loop3A_241 : vector<16xi32>
      %parallel_loop3A_243 = tpu.vector_load_idx %arg15[%parallel_loop3A_242] : memref<10208xf32, #tpu.memory_space<vmem>>[vector<16xi32>], vector<16xf32>,
      %parallel_loop3A_244 = arith.addf %parallel_loop3A_210, %parallel_loop3A_243 : vector<16xf32>
      %parallel_loop3A_245 = tpu.vector_load_idx %arg16[%parallel_loop3A_242] : memref<10208xf32, #tpu.memory_space<vmem>>[vector<16xi32>], vector<16xf32>,
      %parallel_loop3A_246 = arith.addf %parallel_loop3A_212, %parallel_loop3A_245 : vector<16xf32>
      %parallel_loop3A_247 = tpu.vector_load_idx %arg17[%parallel_loop3A_242] : memref<10208xf32, #tpu.memory_space<vmem>>[vector<16xi32>], vector<16xf32>,
      %parallel_loop3A_248 = arith.addf %parallel_loop3A_214, %parallel_loop3A_247 : vector<16xf32>
      scf.yield %parallel_loop3A_244, %parallel_loop3A_246, %parallel_loop3A_248 : vector<16xf32>, vector<16xf32>, vector<16xf32>
    } {sc.loop_unroll_factor = 2 : i64, sc.parallel_access}
    %swap3A_64 = arith.constant 32 : index
    %swap3A_65 = tpu.vector_load %arg19[%swap3A_64] {strides = array<i32>} : memref<64xf32, #tpu.memory_space<vmem>>, vector<16xf32>,
    tpu.vector_store %arg19[%swap3A_64], %parallel_loop3A_63#0 {strides = array<i32>} : memref<64xf32, #tpu.memory_space<vmem>>, vector<16xf32>,
    %swap3A_66 = arith.constant 32 : index
    %swap3A_67 = tpu.vector_load %arg20[%swap3A_66] {strides = array<i32>} : memref<64xf32, #tpu.memory_space<vmem>>, vector<16xf32>,
    tpu.vector_store %arg20[%swap3A_66], %parallel_loop3A_63#1 {strides = array<i32>} : memref<64xf32, #tpu.memory_space<vmem>>, vector<16xf32>,
    %ge3A_68 = arith.constant 1.000000e+01 : f32
    %ge3A_69 = vector.broadcast %ge3A_68 : f32 to vector<16xf32>
    %ge3A_70 = arith.cmpf oge, %parallel_loop3A_63#2, %ge3A_69 : vector<16xf32>
    %jit3A_71 = arith.constant 1.000000e+00 : f32
    %jit3A_72 = arith.constant 0.000000e+00 : f32
    %broadcast_in_dim3A_73 = vector.broadcast %jit3A_71 : f32 to vector<16xf32>
    %broadcast_in_dim3A_74 = vector.broadcast %jit3A_72 : f32 to vector<16xf32>
    %select_n3A_75 = arith.select %ge3A_70, %broadcast_in_dim3A_73, %broadcast_in_dim3A_74 : vector<16xi1>, vector<16xf32>
    %swap3A_76 = arith.constant 32 : index
    %swap3A_77 = tpu.vector_load %arg21[%swap3A_76] {strides = array<i32>} : memref<64xf32, #tpu.memory_space<vmem>>, vector<16xf32>,
    tpu.vector_store %arg21[%swap3A_76], %select_n3A_75 {strides = array<i32>} : memref<64xf32, #tpu.memory_space<vmem>>, vector<16xf32>,
    %add3A_78 = arith.constant 48 : i32
    %add3A_79 = vector.broadcast %add3A_78 : i32 to vector<16xi32>
    %add3A_80 = arith.addi %iota3A, %add3A_79 : vector<16xi32>
    %gather3A_81 = tpu.vector_load_idx %arg18[%add3A_80, %broadcast_in_dim3A_5] : memref<64x2xf32, #tpu.memory_space<vmem>>[vector<16xi32>, vector<16xi32>], vector<16xf32>,
    %gather3A_82 = tpu.vector_load_idx %arg18[%add3A_80, %broadcast_in_dim3A_7] : memref<64x2xf32, #tpu.memory_space<vmem>>[vector<16xi32>, vector<16xi32>], vector<16xf32>,
    %broadcast_in_dim3A_83 = arith.constant 0.000000e+00 : f32
    %broadcast_in_dim3A_84 = vector.broadcast %broadcast_in_dim3A_83 : f32 to vector<16xf32>
    %parallel_loop3A_85 = arith.constant 0 : i32
    %parallel_loop3A_86 = arith.constant 1024 : i32
    %parallel_loop3A_87 = arith.constant 1 : i32
    %parallel_loop3A_88:3 = scf.for %parallel_loop3A_103 = %parallel_loop3A_85 to %parallel_loop3A_86 step %parallel_loop3A_87 iter_args(%parallel_loop3A_104 = %broadcast_in_dim3A_84, %parallel_loop3A_105 = %broadcast_in_dim3A_84, %parallel_loop3A_106 = %broadcast_in_dim3A_84) -> (vector<16xf32>, vector<16xf32>, vector<16xf32>)  : i32 {
      %parallel_loop3A_107 = arith.constant 0 : i32
      %parallel_loop3A_108 = vector.broadcast %parallel_loop3A_107 : i32 to vector<16xi32>
      %parallel_loop3A_109 = arith.constant 4 : i32
      %parallel_loop3A_110 = arith.muli %parallel_loop3A_103, %parallel_loop3A_109 : i32
      %parallel_loop3A_111 = vector.broadcast %parallel_loop3A_110 : i32 to vector<16xi32>
      %parallel_loop3A_112 = arith.addi %parallel_loop3A_108, %parallel_loop3A_111 : vector<16xi32>
      %parallel_loop3A_113 = arith.constant 0 : i32
      %parallel_loop3A_114 = vector.broadcast %parallel_loop3A_113 : i32 to vector<16xi32>
      %parallel_loop3A_115 = arith.addi %parallel_loop3A_112, %parallel_loop3A_114 : vector<16xi32>
      %parallel_loop3A_116 = tpu.vector_load_idx %arg13[%parallel_loop3A_115] : memref<4096xf32, #tpu.memory_space<vmem>>[vector<16xi32>], vector<16xf32>,
      %parallel_loop3A_117 = tpu.vector_load_idx %arg14[%parallel_loop3A_115] : memref<4096xf32, #tpu.memory_space<vmem>>[vector<16xi32>], vector<16xf32>,
      %parallel_loop3A_118 = arith.subf %parallel_loop3A_116, %gather3A_81 : vector<16xf32>
      %parallel_loop3A_119 = arith.constant -5.000000e+01 : f32
      %parallel_loop3A_120 = arith.constant 5.000000e+01 : f32
      %parallel_loop3A_121 = vector.broadcast %parallel_loop3A_119 : f32 to vector<16xf32>
      %parallel_loop3A_122 = arith.maximumf %parallel_loop3A_121, %parallel_loop3A_118 : vector<16xf32>
      %parallel_loop3A_123 = vector.broadcast %parallel_loop3A_120 : f32 to vector<16xf32>
      %parallel_loop3A_124 = arith.minimumf %parallel_loop3A_123, %parallel_loop3A_122 : vector<16xf32>
      %parallel_loop3A_125 = arith.subf %parallel_loop3A_117, %gather3A_82 : vector<16xf32>
      %parallel_loop3A_126 = arith.constant -5.000000e+01 : f32
      %parallel_loop3A_127 = arith.constant 5.000000e+01 : f32
      %parallel_loop3A_128 = vector.broadcast %parallel_loop3A_126 : f32 to vector<16xf32>
      %parallel_loop3A_129 = arith.maximumf %parallel_loop3A_128, %parallel_loop3A_125 : vector<16xf32>
      %parallel_loop3A_130 = vector.broadcast %parallel_loop3A_127 : f32 to vector<16xf32>
      %parallel_loop3A_131 = arith.minimumf %parallel_loop3A_130, %parallel_loop3A_129 : vector<16xf32>
      %parallel_loop3A_132 = arith.fptosi %parallel_loop3A_124 : vector<16xf32> to vector<16xi32>
      %parallel_loop3A_133 = arith.fptosi %parallel_loop3A_131 : vector<16xf32> to vector<16xi32>
      %parallel_loop3A_134 = arith.constant 101 : i32
      %parallel_loop3A_135 = vector.broadcast %parallel_loop3A_134 : i32 to vector<16xi32>
      %parallel_loop3A_136 = arith.muli %parallel_loop3A_132, %parallel_loop3A_135 : vector<16xi32>
      %parallel_loop3A_137 = arith.constant 5100 : i32
      %parallel_loop3A_138 = vector.broadcast %parallel_loop3A_137 : i32 to vector<16xi32>
      %parallel_loop3A_139 = arith.addi %parallel_loop3A_133, %parallel_loop3A_138 : vector<16xi32>
      %parallel_loop3A_140 = arith.addi %parallel_loop3A_136, %parallel_loop3A_139 : vector<16xi32>
      %parallel_loop3A_141 = tpu.vector_load_idx %arg15[%parallel_loop3A_140] : memref<10208xf32, #tpu.memory_space<vmem>>[vector<16xi32>], vector<16xf32>,
      %parallel_loop3A_142 = arith.addf %parallel_loop3A_104, %parallel_loop3A_141 : vector<16xf32>
      %parallel_loop3A_143 = tpu.vector_load_idx %arg16[%parallel_loop3A_140] : memref<10208xf32, #tpu.memory_space<vmem>>[vector<16xi32>], vector<16xf32>,
      %parallel_loop3A_144 = arith.addf %parallel_loop3A_105, %parallel_loop3A_143 : vector<16xf32>
      %parallel_loop3A_145 = tpu.vector_load_idx %arg17[%parallel_loop3A_140] : memref<10208xf32, #tpu.memory_space<vmem>>[vector<16xi32>], vector<16xf32>,
      %parallel_loop3A_146 = arith.addf %parallel_loop3A_106, %parallel_loop3A_145 : vector<16xf32>
      %parallel_loop3A_147 = arith.constant 1 : i32
      %parallel_loop3A_148 = vector.broadcast %parallel_loop3A_147 : i32 to vector<16xi32>
      %parallel_loop3A_149 = arith.addi %parallel_loop3A_112, %parallel_loop3A_148 : vector<16xi32>
      %parallel_loop3A_150 = tpu.vector_load_idx %arg13[%parallel_loop3A_149] : memref<4096xf32, #tpu.memory_space<vmem>>[vector<16xi32>], vector<16xf32>,
      %parallel_loop3A_151 = tpu.vector_load_idx %arg14[%parallel_loop3A_149] : memref<4096xf32, #tpu.memory_space<vmem>>[vector<16xi32>], vector<16xf32>,
      %parallel_loop3A_152 = arith.subf %parallel_loop3A_150, %gather3A_81 : vector<16xf32>
      %parallel_loop3A_153 = arith.constant -5.000000e+01 : f32
      %parallel_loop3A_154 = arith.constant 5.000000e+01 : f32
      %parallel_loop3A_155 = vector.broadcast %parallel_loop3A_153 : f32 to vector<16xf32>
      %parallel_loop3A_156 = arith.maximumf %parallel_loop3A_155, %parallel_loop3A_152 : vector<16xf32>
      %parallel_loop3A_157 = vector.broadcast %parallel_loop3A_154 : f32 to vector<16xf32>
      %parallel_loop3A_158 = arith.minimumf %parallel_loop3A_157, %parallel_loop3A_156 : vector<16xf32>
      %parallel_loop3A_159 = arith.subf %parallel_loop3A_151, %gather3A_82 : vector<16xf32>
      %parallel_loop3A_160 = arith.constant -5.000000e+01 : f32
      %parallel_loop3A_161 = arith.constant 5.000000e+01 : f32
      %parallel_loop3A_162 = vector.broadcast %parallel_loop3A_160 : f32 to vector<16xf32>
      %parallel_loop3A_163 = arith.maximumf %parallel_loop3A_162, %parallel_loop3A_159 : vector<16xf32>
      %parallel_loop3A_164 = vector.broadcast %parallel_loop3A_161 : f32 to vector<16xf32>
      %parallel_loop3A_165 = arith.minimumf %parallel_loop3A_164, %parallel_loop3A_163 : vector<16xf32>
      %parallel_loop3A_166 = arith.fptosi %parallel_loop3A_158 : vector<16xf32> to vector<16xi32>
      %parallel_loop3A_167 = arith.fptosi %parallel_loop3A_165 : vector<16xf32> to vector<16xi32>
      %parallel_loop3A_168 = arith.constant 101 : i32
      %parallel_loop3A_169 = vector.broadcast %parallel_loop3A_168 : i32 to vector<16xi32>
      %parallel_loop3A_170 = arith.muli %parallel_loop3A_166, %parallel_loop3A_169 : vector<16xi32>
      %parallel_loop3A_171 = arith.constant 5100 : i32
      %parallel_loop3A_172 = vector.broadcast %parallel_loop3A_171 : i32 to vector<16xi32>
      %parallel_loop3A_173 = arith.addi %parallel_loop3A_167, %parallel_loop3A_172 : vector<16xi32>
      %parallel_loop3A_174 = arith.addi %parallel_loop3A_170, %parallel_loop3A_173 : vector<16xi32>
      %parallel_loop3A_175 = tpu.vector_load_idx %arg15[%parallel_loop3A_174] : memref<10208xf32, #tpu.memory_space<vmem>>[vector<16xi32>], vector<16xf32>,
      %parallel_loop3A_176 = arith.addf %parallel_loop3A_142, %parallel_loop3A_175 : vector<16xf32>
      %parallel_loop3A_177 = tpu.vector_load_idx %arg16[%parallel_loop3A_174] : memref<10208xf32, #tpu.memory_space<vmem>>[vector<16xi32>], vector<16xf32>,
      %parallel_loop3A_178 = arith.addf %parallel_loop3A_144, %parallel_loop3A_177 : vector<16xf32>
      %parallel_loop3A_179 = tpu.vector_load_idx %arg17[%parallel_loop3A_174] : memref<10208xf32, #tpu.memory_space<vmem>>[vector<16xi32>], vector<16xf32>,
      %parallel_loop3A_180 = arith.addf %parallel_loop3A_146, %parallel_loop3A_179 : vector<16xf32>
      %parallel_loop3A_181 = arith.constant 2 : i32
      %parallel_loop3A_182 = vector.broadcast %parallel_loop3A_181 : i32 to vector<16xi32>
      %parallel_loop3A_183 = arith.addi %parallel_loop3A_112, %parallel_loop3A_182 : vector<16xi32>
      %parallel_loop3A_184 = tpu.vector_load_idx %arg13[%parallel_loop3A_183] : memref<4096xf32, #tpu.memory_space<vmem>>[vector<16xi32>], vector<16xf32>,
      %parallel_loop3A_185 = tpu.vector_load_idx %arg14[%parallel_loop3A_183] : memref<4096xf32, #tpu.memory_space<vmem>>[vector<16xi32>], vector<16xf32>,
      %parallel_loop3A_186 = arith.subf %parallel_loop3A_184, %gather3A_81 : vector<16xf32>
      %parallel_loop3A_187 = arith.constant -5.000000e+01 : f32
      %parallel_loop3A_188 = arith.constant 5.000000e+01 : f32
      %parallel_loop3A_189 = vector.broadcast %parallel_loop3A_187 : f32 to vector<16xf32>
      %parallel_loop3A_190 = arith.maximumf %parallel_loop3A_189, %parallel_loop3A_186 : vector<16xf32>
      %parallel_loop3A_191 = vector.broadcast %parallel_loop3A_188 : f32 to vector<16xf32>
      %parallel_loop3A_192 = arith.minimumf %parallel_loop3A_191, %parallel_loop3A_190 : vector<16xf32>
      %parallel_loop3A_193 = arith.subf %parallel_loop3A_185, %gather3A_82 : vector<16xf32>
      %parallel_loop3A_194 = arith.constant -5.000000e+01 : f32
      %parallel_loop3A_195 = arith.constant 5.000000e+01 : f32
      %parallel_loop3A_196 = vector.broadcast %parallel_loop3A_194 : f32 to vector<16xf32>
      %parallel_loop3A_197 = arith.maximumf %parallel_loop3A_196, %parallel_loop3A_193 : vector<16xf32>
      %parallel_loop3A_198 = vector.broadcast %parallel_loop3A_195 : f32 to vector<16xf32>
      %parallel_loop3A_199 = arith.minimumf %parallel_loop3A_198, %parallel_loop3A_197 : vector<16xf32>
      %parallel_loop3A_200 = arith.fptosi %parallel_loop3A_192 : vector<16xf32> to vector<16xi32>
      %parallel_loop3A_201 = arith.fptosi %parallel_loop3A_199 : vector<16xf32> to vector<16xi32>
      %parallel_loop3A_202 = arith.constant 101 : i32
      %parallel_loop3A_203 = vector.broadcast %parallel_loop3A_202 : i32 to vector<16xi32>
      %parallel_loop3A_204 = arith.muli %parallel_loop3A_200, %parallel_loop3A_203 : vector<16xi32>
      %parallel_loop3A_205 = arith.constant 5100 : i32
      %parallel_loop3A_206 = vector.broadcast %parallel_loop3A_205 : i32 to vector<16xi32>
      %parallel_loop3A_207 = arith.addi %parallel_loop3A_201, %parallel_loop3A_206 : vector<16xi32>
      %parallel_loop3A_208 = arith.addi %parallel_loop3A_204, %parallel_loop3A_207 : vector<16xi32>
      %parallel_loop3A_209 = tpu.vector_load_idx %arg15[%parallel_loop3A_208] : memref<10208xf32, #tpu.memory_space<vmem>>[vector<16xi32>], vector<16xf32>,
      %parallel_loop3A_210 = arith.addf %parallel_loop3A_176, %parallel_loop3A_209 : vector<16xf32>
      %parallel_loop3A_211 = tpu.vector_load_idx %arg16[%parallel_loop3A_208] : memref<10208xf32, #tpu.memory_space<vmem>>[vector<16xi32>], vector<16xf32>,
      %parallel_loop3A_212 = arith.addf %parallel_loop3A_178, %parallel_loop3A_211 : vector<16xf32>
      %parallel_loop3A_213 = tpu.vector_load_idx %arg17[%parallel_loop3A_208] : memref<10208xf32, #tpu.memory_space<vmem>>[vector<16xi32>], vector<16xf32>,
      %parallel_loop3A_214 = arith.addf %parallel_loop3A_180, %parallel_loop3A_213 : vector<16xf32>
      %parallel_loop3A_215 = arith.constant 3 : i32
      %parallel_loop3A_216 = vector.broadcast %parallel_loop3A_215 : i32 to vector<16xi32>
      %parallel_loop3A_217 = arith.addi %parallel_loop3A_112, %parallel_loop3A_216 : vector<16xi32>
      %parallel_loop3A_218 = tpu.vector_load_idx %arg13[%parallel_loop3A_217] : memref<4096xf32, #tpu.memory_space<vmem>>[vector<16xi32>], vector<16xf32>,
      %parallel_loop3A_219 = tpu.vector_load_idx %arg14[%parallel_loop3A_217] : memref<4096xf32, #tpu.memory_space<vmem>>[vector<16xi32>], vector<16xf32>,
      %parallel_loop3A_220 = arith.subf %parallel_loop3A_218, %gather3A_81 : vector<16xf32>
      %parallel_loop3A_221 = arith.constant -5.000000e+01 : f32
      %parallel_loop3A_222 = arith.constant 5.000000e+01 : f32
      %parallel_loop3A_223 = vector.broadcast %parallel_loop3A_221 : f32 to vector<16xf32>
      %parallel_loop3A_224 = arith.maximumf %parallel_loop3A_223, %parallel_loop3A_220 : vector<16xf32>
      %parallel_loop3A_225 = vector.broadcast %parallel_loop3A_222 : f32 to vector<16xf32>
      %parallel_loop3A_226 = arith.minimumf %parallel_loop3A_225, %parallel_loop3A_224 : vector<16xf32>
      %parallel_loop3A_227 = arith.subf %parallel_loop3A_219, %gather3A_82 : vector<16xf32>
      %parallel_loop3A_228 = arith.constant -5.000000e+01 : f32
      %parallel_loop3A_229 = arith.constant 5.000000e+01 : f32
      %parallel_loop3A_230 = vector.broadcast %parallel_loop3A_228 : f32 to vector<16xf32>
      %parallel_loop3A_231 = arith.maximumf %parallel_loop3A_230, %parallel_loop3A_227 : vector<16xf32>
      %parallel_loop3A_232 = vector.broadcast %parallel_loop3A_229 : f32 to vector<16xf32>
      %parallel_loop3A_233 = arith.minimumf %parallel_loop3A_232, %parallel_loop3A_231 : vector<16xf32>
      %parallel_loop3A_234 = arith.fptosi %parallel_loop3A_226 : vector<16xf32> to vector<16xi32>
      %parallel_loop3A_235 = arith.fptosi %parallel_loop3A_233 : vector<16xf32> to vector<16xi32>
      %parallel_loop3A_236 = arith.constant 101 : i32
      %parallel_loop3A_237 = vector.broadcast %parallel_loop3A_236 : i32 to vector<16xi32>
      %parallel_loop3A_238 = arith.muli %parallel_loop3A_234, %parallel_loop3A_237 : vector<16xi32>
      %parallel_loop3A_239 = arith.constant 5100 : i32
      %parallel_loop3A_240 = vector.broadcast %parallel_loop3A_239 : i32 to vector<16xi32>
      %parallel_loop3A_241 = arith.addi %parallel_loop3A_235, %parallel_loop3A_240 : vector<16xi32>
      %parallel_loop3A_242 = arith.addi %parallel_loop3A_238, %parallel_loop3A_241 : vector<16xi32>
      %parallel_loop3A_243 = tpu.vector_load_idx %arg15[%parallel_loop3A_242] : memref<10208xf32, #tpu.memory_space<vmem>>[vector<16xi32>], vector<16xf32>,
      %parallel_loop3A_244 = arith.addf %parallel_loop3A_210, %parallel_loop3A_243 : vector<16xf32>
      %parallel_loop3A_245 = tpu.vector_load_idx %arg16[%parallel_loop3A_242] : memref<10208xf32, #tpu.memory_space<vmem>>[vector<16xi32>], vector<16xf32>,
      %parallel_loop3A_246 = arith.addf %parallel_loop3A_212, %parallel_loop3A_245 : vector<16xf32>
      %parallel_loop3A_247 = tpu.vector_load_idx %arg17[%parallel_loop3A_242] : memref<10208xf32, #tpu.memory_space<vmem>>[vector<16xi32>], vector<16xf32>,
      %parallel_loop3A_248 = arith.addf %parallel_loop3A_214, %parallel_loop3A_247 : vector<16xf32>
      scf.yield %parallel_loop3A_244, %parallel_loop3A_246, %parallel_loop3A_248 : vector<16xf32>, vector<16xf32>, vector<16xf32>
    } {sc.loop_unroll_factor = 2 : i64, sc.parallel_access}
    %swap3A_89 = arith.constant 48 : index
    %swap3A_90 = tpu.vector_load %arg19[%swap3A_89] {strides = array<i32>} : memref<64xf32, #tpu.memory_space<vmem>>, vector<16xf32>,
    tpu.vector_store %arg19[%swap3A_89], %parallel_loop3A_88#0 {strides = array<i32>} : memref<64xf32, #tpu.memory_space<vmem>>, vector<16xf32>,
    %swap3A_91 = arith.constant 48 : index
    %swap3A_92 = tpu.vector_load %arg20[%swap3A_91] {strides = array<i32>} : memref<64xf32, #tpu.memory_space<vmem>>, vector<16xf32>,
    tpu.vector_store %arg20[%swap3A_91], %parallel_loop3A_88#1 {strides = array<i32>} : memref<64xf32, #tpu.memory_space<vmem>>, vector<16xf32>,
    %ge3A_93 = arith.constant 1.000000e+01 : f32
    %ge3A_94 = vector.broadcast %ge3A_93 : f32 to vector<16xf32>
    %ge3A_95 = arith.cmpf oge, %parallel_loop3A_88#2, %ge3A_94 : vector<16xf32>
    %jit3A_96 = arith.constant 1.000000e+00 : f32
    %jit3A_97 = arith.constant 0.000000e+00 : f32
    %broadcast_in_dim3A_98 = vector.broadcast %jit3A_96 : f32 to vector<16xf32>
    %broadcast_in_dim3A_99 = vector.broadcast %jit3A_97 : f32 to vector<16xf32>
    %select_n3A_100 = arith.select %ge3A_95, %broadcast_in_dim3A_98, %broadcast_in_dim3A_99 : vector<16xi1>, vector<16xf32>
    %swap3A_101 = arith.constant 48 : index
    %swap3A_102 = tpu.vector_load %arg21[%swap3A_101] {strides = array<i32>} : memref<64xf32, #tpu.memory_space<vmem>>, vector<16xf32>,
    tpu.vector_store %arg21[%swap3A_101], %select_n3A_100 {strides = array<i32>} : memref<64xf32, #tpu.memory_space<vmem>>, vector<16xf32>,
    "tpu.region"() ({
      %run_scoped3A = tpu.sem_alloc : memref<!tpu.dma_semaphore, #tpu.memory_space<semaphore_mem>>
      %dma_start3A = tpu.memref_slice %arg8[%mul3A_2] : memref<2048xf32, #tpu.memory_space<hbm>> -> memref<64xf32, #tpu.memory_space<hbm>>
      %dma_start3A_103 = tpu.memref_slice %arg8[%mul3A_2] : memref<2048xf32, #tpu.memory_space<hbm>> -> memref<64xf32, #tpu.memory_space<hbm>>
      tpu.enqueue_dma source(%arg19 : memref<64xf32, #tpu.memory_space<vmem>>) target(%dma_start3A_103 : memref<64xf32, #tpu.memory_space<hbm>>) target_semaphore(%run_scoped3A : memref<!tpu.dma_semaphore, #tpu.memory_space<semaphore_mem>>)
      %dma_wait3A = tpu.memref_slice %arg8[%mul3A_2] : memref<2048xf32, #tpu.memory_space<hbm>> -> memref<64xf32, #tpu.memory_space<hbm>>
      %dma_wait3A_104 = tpu.memref_slice %arg8[%mul3A_2] : memref<2048xf32, #tpu.memory_space<hbm>> -> memref<64xf32, #tpu.memory_space<hbm>>
      tpu.wait_dma2 semaphore(%run_scoped3A : memref<!tpu.dma_semaphore, #tpu.memory_space<semaphore_mem>>) src(%arg19 : memref<64xf32, #tpu.memory_space<vmem>>) dst(%dma_wait3A_104 : memref<64xf32, #tpu.memory_space<hbm>>)
      tpu.yield
    }) : () -> ()
    "tpu.region"() ({
      %run_scoped3A = tpu.sem_alloc : memref<!tpu.dma_semaphore, #tpu.memory_space<semaphore_mem>>
      %dma_start3A = tpu.memref_slice %arg9[%mul3A_2] : memref<2048xf32, #tpu.memory_space<hbm>> -> memref<64xf32, #tpu.memory_space<hbm>>
      %dma_start3A_103 = tpu.memref_slice %arg9[%mul3A_2] : memref<2048xf32, #tpu.memory_space<hbm>> -> memref<64xf32, #tpu.memory_space<hbm>>
      tpu.enqueue_dma source(%arg20 : memref<64xf32, #tpu.memory_space<vmem>>) target(%dma_start3A_103 : memref<64xf32, #tpu.memory_space<hbm>>) target_semaphore(%run_scoped3A : memref<!tpu.dma_semaphore, #tpu.memory_space<semaphore_mem>>)
      %dma_wait3A = tpu.memref_slice %arg9[%mul3A_2] : memref<2048xf32, #tpu.memory_space<hbm>> -> memref<64xf32, #tpu.memory_space<hbm>>
      %dma_wait3A_104 = tpu.memref_slice %arg9[%mul3A_2] : memref<2048xf32, #tpu.memory_space<hbm>> -> memref<64xf32, #tpu.memory_space<hbm>>
      tpu.wait_dma2 semaphore(%run_scoped3A : memref<!tpu.dma_semaphore, #tpu.memory_space<semaphore_mem>>) src(%arg20 : memref<64xf32, #tpu.memory_space<vmem>>) dst(%dma_wait3A_104 : memref<64xf32, #tpu.memory_space<hbm>>)
      tpu.yield
    }) : () -> ()
    "tpu.region"() ({
      %run_scoped3A = tpu.sem_alloc : memref<!tpu.dma_semaphore, #tpu.memory_space<semaphore_mem>>
      %dma_start3A = tpu.memref_slice %arg10[%mul3A_2] : memref<2048xf32, #tpu.memory_space<hbm>> -> memref<64xf32, #tpu.memory_space<hbm>>
      %dma_start3A_103 = tpu.memref_slice %arg10[%mul3A_2] : memref<2048xf32, #tpu.memory_space<hbm>> -> memref<64xf32, #tpu.memory_space<hbm>>
      tpu.enqueue_dma source(%arg21 : memref<64xf32, #tpu.memory_space<vmem>>) target(%dma_start3A_103 : memref<64xf32, #tpu.memory_space<hbm>>) target_semaphore(%run_scoped3A : memref<!tpu.dma_semaphore, #tpu.memory_space<semaphore_mem>>)
      %dma_wait3A = tpu.memref_slice %arg10[%mul3A_2] : memref<2048xf32, #tpu.memory_space<hbm>> -> memref<64xf32, #tpu.memory_space<hbm>>
      %dma_wait3A_104 = tpu.memref_slice %arg10[%mul3A_2] : memref<2048xf32, #tpu.memory_space<hbm>> -> memref<64xf32, #tpu.memory_space<hbm>>
      tpu.wait_dma2 semaphore(%run_scoped3A : memref<!tpu.dma_semaphore, #tpu.memory_space<semaphore_mem>>) src(%arg21 : memref<64xf32, #tpu.memory_space<vmem>>) dst(%dma_wait3A_104 : memref<64xf32, #tpu.memory_space<hbm>>)
      tpu.yield
    }) : () -> ()
    return
  }
}

module attributes {stable_mosaic.version = 14 : i64} {
  func.func @_tc_pair_body(%arg0: i32, %arg1: memref<256x2xf32, #tpu.memory_space<vmem>>, %arg2: memref<2048x2xf32, #tpu.memory_space<vmem>>, %arg3: memref<256x1xf32, #tpu.memory_space<vmem>>, %arg4: memref<256x2048xf32, #tpu.memory_space<vmem>>, %arg5: memref<256x2048xf32, #tpu.memory_space<vmem>>, %arg6: memref<1x256xf32, #tpu.memory_space<vmem>>, %arg7: memref<1x256xf32, #tpu.memory_space<vmem>>) attributes {dimension_semantics = [#tpu.dimension_semantics<arbitrary>], iteration_bounds = array<i64: 8>, scalar_prefetch = 0 : i64, scratch_operands = 0 : i64, tpu.core_type = #tpu.core_type<tc>, window_params = [{transform_indices = @transform_0, window_bounds = array<i64: 256, 2>}, {pipeline_mode = #tpu.pipeline_mode<synchronous>, transform_indices = @transform_1, window_bounds = array<i64: 2048, 2>}, {transform_indices = @transform_2, window_bounds = array<i64: 256, 1>}, {transform_indices = @transform_3, window_bounds = array<i64: 256, 2048>}, {transform_indices = @transform_4, window_bounds = array<i64: 256, 2048>}, {transform_indices = @transform_5, window_bounds = array<i64: 1, 256>}, {transform_indices = @transform_6, window_bounds = array<i64: 1, 256>}]} {
    %get3A = arith.constant 0 : index
    %get3A_0 = arith.constant 0 : index
    %get3A_1 = vector.load %arg1[%get3A, %get3A_0] : memref<256x2xf32, #tpu.memory_space<vmem>>, vector<256x1xf32>
    %get3A_2 = arith.constant 0 : index
    %get3A_3 = arith.constant 1 : index
    %get3A_4 = vector.load %arg1[%get3A_2, %get3A_3] : memref<256x2xf32, #tpu.memory_space<vmem>>, vector<256x1xf32>
    %get3A_5 = arith.constant 0 : index
    %get3A_6 = arith.constant 1 : index
    %get3A_7 = vector.load %arg2[%get3A_5, %get3A_6] : memref<2048x2xf32, #tpu.memory_space<vmem>>, vector<2048x1xf32>
    %transpose3A = tpu.transpose %get3A_7, [1, 0] : vector<2048x1xf32> -> vector<1x2048xf32>
    %get3A_8 = arith.constant 0 : index
    %get3A_9 = arith.constant 0 : index
    %get3A_10 = vector.load %arg2[%get3A_8, %get3A_9] : memref<2048x2xf32, #tpu.memory_space<vmem>>, vector<2048x1xf32>
    %transpose3A_11 = tpu.transpose %get3A_10, [1, 0] : vector<2048x1xf32> -> vector<1x2048xf32>
    %sub3A = vector.broadcast %transpose3A : vector<1x2048xf32> to vector<256x2048xf32>
    %sub3A_12 = vector.broadcast %get3A_4 : vector<256x1xf32> to vector<256x2048xf32>
    %sub3A_13 = arith.subf %sub3A, %sub3A_12 : vector<256x2048xf32>
    %sub3A_14 = vector.broadcast %transpose3A_11 : vector<1x2048xf32> to vector<256x2048xf32>
    %sub3A_15 = vector.broadcast %get3A_1 : vector<256x1xf32> to vector<256x2048xf32>
    %sub3A_16 = arith.subf %sub3A_14, %sub3A_15 : vector<256x2048xf32>
    %get3A_17 = arith.constant 0 : index
    %get3A_18 = arith.constant 0 : index
    %get3A_19 = vector.load %arg4[%get3A_17, %get3A_18] : memref<256x2048xf32, #tpu.memory_space<vmem>>, vector<256x2048xf32>
    %mul3A = arith.mulf %sub3A_13, %get3A_19 : vector<256x2048xf32>
    %mul3A_20 = arith.mulf %sub3A_16, %get3A_19 : vector<256x2048xf32>
    %get3A_21 = arith.constant 0 : index
    %get3A_22 = arith.constant 0 : index
    %get3A_23 = vector.load %arg5[%get3A_21, %get3A_22] : memref<256x2048xf32, #tpu.memory_space<vmem>>, vector<256x2048xf32>
    %mul3A_24 = arith.mulf %mul3A, %mul3A : vector<256x2048xf32>
    %mul3A_25 = arith.mulf %mul3A_20, %mul3A_20 : vector<256x2048xf32>
    %add3A = arith.addf %mul3A_24, %mul3A_25 : vector<256x2048xf32>
    %mul3A_26 = arith.mulf %get3A_23, %get3A_23 : vector<256x2048xf32>
    %sub3A_27 = arith.subf %add3A, %mul3A_26 : vector<256x2048xf32>
    %mul3A_28 = arith.constant 4.000000e+00 : f32
    %mul3A_29 = vector.broadcast %mul3A_28 : f32 to vector<256x2048xf32>
    %mul3A_30 = arith.mulf %mul3A_29, %sub3A_13 : vector<256x2048xf32>
    %mul3A_31 = arith.mulf %mul3A_30, %sub3A_27 : vector<256x2048xf32>
    %reduce_sum3A = arith.constant dense<0.000000e+00> : vector<256xf32>
    %reduce_sum3A_32 = vector.multi_reduction <add>, %mul3A_31, %reduce_sum3A [1] : vector<256x2048xf32> to vector<256xf32>
    %broadcast_in_dim3A = vector.shape_cast %reduce_sum3A_32 : vector<256xf32> to vector<256x1xf32>
    %mul3A_33 = arith.constant 4.000000e+00 : f32
    %mul3A_34 = vector.broadcast %mul3A_33 : f32 to vector<256x2048xf32>
    %mul3A_35 = arith.mulf %mul3A_34, %sub3A_16 : vector<256x2048xf32>
    %mul3A_36 = arith.mulf %mul3A_35, %sub3A_27 : vector<256x2048xf32>
    %reduce_sum3A_37 = arith.constant dense<0.000000e+00> : vector<256xf32>
    %reduce_sum3A_38 = vector.multi_reduction <add>, %mul3A_36, %reduce_sum3A_37 [1] : vector<256x2048xf32> to vector<256xf32>
    %broadcast_in_dim3A_39 = vector.shape_cast %reduce_sum3A_38 : vector<256xf32> to vector<256x1xf32>
    %get3A_40 = arith.constant 0 : index
    %get3A_41 = arith.constant 0 : index
    %get3A_42 = vector.load %arg3[%get3A_40, %get3A_41] : memref<256x1xf32, #tpu.memory_space<vmem>>, vector<256x1xf32>
    %mul3A_43 = arith.mulf %get3A_42, %broadcast_in_dim3A : vector<256x1xf32>
    %transpose3A_44 = tpu.transpose %mul3A_43, [1, 0] : vector<256x1xf32> -> vector<1x256xf32>
    %swap3A = arith.constant 0 : index
    %swap3A_45 = arith.constant 0 : index
    %swap3A_46 = vector.load %arg6[%swap3A, %swap3A_45] : memref<1x256xf32, #tpu.memory_space<vmem>>, vector<1x256xf32>
    tpu.vector_store %arg6[%swap3A, %swap3A_45], %transpose3A_44 {strides = array<i32>} : memref<1x256xf32, #tpu.memory_space<vmem>>, vector<1x256xf32>,
    %get3A_47 = arith.constant 0 : index
    %get3A_48 = arith.constant 0 : index
    %get3A_49 = vector.load %arg3[%get3A_47, %get3A_48] : memref<256x1xf32, #tpu.memory_space<vmem>>, vector<256x1xf32>
    %mul3A_50 = arith.mulf %get3A_49, %broadcast_in_dim3A_39 : vector<256x1xf32>
    %transpose3A_51 = tpu.transpose %mul3A_50, [1, 0] : vector<256x1xf32> -> vector<1x256xf32>
    %swap3A_52 = arith.constant 0 : index
    %swap3A_53 = arith.constant 0 : index
    %swap3A_54 = vector.load %arg7[%swap3A_52, %swap3A_53] : memref<1x256xf32, #tpu.memory_space<vmem>>, vector<1x256xf32>
    tpu.vector_store %arg7[%swap3A_52, %swap3A_53], %transpose3A_51 {strides = array<i32>} : memref<1x256xf32, #tpu.memory_space<vmem>>, vector<1x256xf32>,
    return
  }
  func.func @transform_0(%arg0: i32) -> (i32, i32) {
    %c0_i32 = arith.constant 0 : i32
    %c0_i32_0 = arith.constant 0 : i32
    return %arg0, %c0_i32 : i32, i32
  }
  func.func @transform_1(%arg0: i32) -> (i32, i32) {
    %c0_i32 = arith.constant 0 : i32
    %c0_i32_0 = arith.constant 0 : i32
    %c0_i32_1 = arith.constant 0 : i32
    return %c0_i32, %c0_i32_0 : i32, i32
  }
  func.func @transform_2(%arg0: i32) -> (i32, i32) {
    %c0_i32 = arith.constant 0 : i32
    %c0_i32_0 = arith.constant 0 : i32
    return %arg0, %c0_i32 : i32, i32
  }
  func.func @transform_3(%arg0: i32) -> (i32, i32) {
    %c0_i32 = arith.constant 0 : i32
    %c0_i32_0 = arith.constant 0 : i32
    return %arg0, %c0_i32 : i32, i32
  }
  func.func @transform_4(%arg0: i32) -> (i32, i32) {
    %c0_i32 = arith.constant 0 : i32
    %c0_i32_0 = arith.constant 0 : i32
    return %arg0, %c0_i32 : i32, i32
  }
  func.func @transform_5(%arg0: i32) -> (i32, i32) {
    %c0_i32 = arith.constant 0 : i32
    %c0_i32_0 = arith.constant 0 : i32
    return %c0_i32, %arg0 : i32, i32
  }
  func.func @transform_6(%arg0: i32) -> (i32, i32) {
    %c0_i32 = arith.constant 0 : i32
    %c0_i32_0 = arith.constant 0 : i32
    return %c0_i32, %arg0 : i32, i32
  }
}

module attributes {stable_mosaic.version = 14 : i64} {
  func.func @_tc_combine_body(%arg0: memref<2048x2xf32, #tpu.memory_space<vmem>>, %arg1: memref<2048xf32, #tpu.memory_space<vmem>>, %arg2: memref<2048xf32, #tpu.memory_space<vmem>>, %arg3: memref<2048xf32, #tpu.memory_space<vmem>>, %arg4: memref<1x2048xf32, #tpu.memory_space<vmem>>, %arg5: memref<1x2048xf32, #tpu.memory_space<vmem>>, %arg6: memref<2048x2xf32, #tpu.memory_space<vmem>>) attributes {dimension_semantics = [], scalar_prefetch = 0 : i64, scratch_operands = 0 : i64, tpu.core_type = #tpu.core_type<tc>} {
    %get3A = arith.constant 0 : index
    %get3A_0 = arith.constant 1 : index
    %get3A_1 = vector.load %arg0[%get3A, %get3A_0] : memref<2048x2xf32, #tpu.memory_space<vmem>>, vector<2048x1xf32>
    %transpose3A = tpu.transpose %get3A_1, [1, 0] : vector<2048x1xf32> -> vector<1x2048xf32>
    %get3A_2 = arith.constant 0 : index
    %get3A_3 = arith.constant 0 : index
    %get3A_4 = vector.load %arg0[%get3A_2, %get3A_3] : memref<2048x2xf32, #tpu.memory_space<vmem>>, vector<2048x1xf32>
    %transpose3A_5 = tpu.transpose %get3A_4, [1, 0] : vector<2048x1xf32> -> vector<1x2048xf32>
    %get3A_6 = arith.constant 0 : index
    %get3A_7 = vector.load %arg3[%get3A_6] : memref<2048xf32, #tpu.memory_space<vmem>>, vector<2048xf32>
    %reshape3A = vector.shape_cast %get3A_7 : vector<2048xf32> to vector<1x2048xf32>
    %get3A_8 = arith.constant 0 : index
    %get3A_9 = vector.load %arg1[%get3A_8] : memref<2048xf32, #tpu.memory_space<vmem>>, vector<2048xf32>
    %reshape3A_10 = vector.shape_cast %get3A_9 : vector<2048xf32> to vector<1x2048xf32>
    %jit3A = arith.constant -4.000000e+02 : f32
    %jit3A_11 = arith.constant 4.000000e+02 : f32
    %max3A = vector.broadcast %jit3A : f32 to vector<1x2048xf32>
    %max3A_12 = arith.maximumf %max3A, %reshape3A_10 : vector<1x2048xf32>
    %min3A = vector.broadcast %jit3A_11 : f32 to vector<1x2048xf32>
    %min3A_13 = arith.minimumf %min3A, %max3A_12 : vector<1x2048xf32>
    %get3A_14 = arith.constant 0 : index
    %get3A_15 = vector.load %arg2[%get3A_14] : memref<2048xf32, #tpu.memory_space<vmem>>, vector<2048xf32>
    %reshape3A_16 = vector.shape_cast %get3A_15 : vector<2048xf32> to vector<1x2048xf32>
    %jit3A_17 = arith.constant -4.000000e+02 : f32
    %jit3A_18 = arith.constant 4.000000e+02 : f32
    %max3A_19 = vector.broadcast %jit3A_17 : f32 to vector<1x2048xf32>
    %max3A_20 = arith.maximumf %max3A_19, %reshape3A_16 : vector<1x2048xf32>
    %min3A_21 = vector.broadcast %jit3A_18 : f32 to vector<1x2048xf32>
    %min3A_22 = arith.minimumf %min3A_21, %max3A_20 : vector<1x2048xf32>
    %mul3A = arith.constant 3.000000e-03 : f32
    %mul3A_23 = vector.broadcast %mul3A : f32 to vector<1x2048xf32>
    %mul3A_24 = arith.mulf %mul3A_23, %reshape3A : vector<1x2048xf32>
    %get3A_25 = arith.constant 0 : index
    %get3A_26 = arith.constant 0 : index
    %get3A_27 = vector.load %arg4[%get3A_25, %get3A_26] : memref<1x2048xf32, #tpu.memory_space<vmem>>, vector<1x2048xf32>
    %mul3A_28 = arith.constant 2.500000e-07 : f32
    %mul3A_29 = vector.broadcast %mul3A_28 : f32 to vector<1x2048xf32>
    %mul3A_30 = arith.mulf %mul3A_29, %get3A_27 : vector<1x2048xf32>
    %sub3A = arith.subf %min3A_13, %mul3A_30 : vector<1x2048xf32>
    %mul3A_31 = arith.mulf %mul3A_24, %sub3A : vector<1x2048xf32>
    %sub3A_32 = arith.subf %transpose3A, %mul3A_31 : vector<1x2048xf32>
    %mul3A_33 = arith.constant 3.000000e-03 : f32
    %mul3A_34 = vector.broadcast %mul3A_33 : f32 to vector<1x2048xf32>
    %mul3A_35 = arith.mulf %mul3A_34, %reshape3A : vector<1x2048xf32>
    %get3A_36 = arith.constant 0 : index
    %get3A_37 = arith.constant 0 : index
    %get3A_38 = vector.load %arg5[%get3A_36, %get3A_37] : memref<1x2048xf32, #tpu.memory_space<vmem>>, vector<1x2048xf32>
    %mul3A_39 = arith.constant 2.500000e-07 : f32
    %mul3A_40 = vector.broadcast %mul3A_39 : f32 to vector<1x2048xf32>
    %mul3A_41 = arith.mulf %mul3A_40, %get3A_38 : vector<1x2048xf32>
    %sub3A_42 = arith.subf %min3A_22, %mul3A_41 : vector<1x2048xf32>
    %mul3A_43 = arith.mulf %mul3A_35, %sub3A_42 : vector<1x2048xf32>
    %sub3A_44 = arith.subf %transpose3A_5, %mul3A_43 : vector<1x2048xf32>
    %concatenate3A = tpu.concatenate %sub3A_44, %sub3A_32 in 0 : vector<1x2048xf32>, vector<1x2048xf32> -> vector<2x2048xf32>
    %transpose3A_45 = tpu.transpose %concatenate3A, [1, 0] : vector<2x2048xf32> -> vector<2048x2xf32>
    %swap3A = arith.constant 0 : index
    %swap3A_46 = arith.constant 0 : index
    %swap3A_47 = vector.load %arg6[%swap3A, %swap3A_46] : memref<2048x2xf32, #tpu.memory_space<vmem>>, vector<2048x2xf32>
    tpu.vector_store %arg6[%swap3A, %swap3A_46], %transpose3A_45 {strides = array<i32>} : memref<2048x2xf32, #tpu.memory_space<vmem>>, vector<2048x2xf32>,
    return
  }
}

</mosaic_0001>

<sc_bundles>
// kernel: kernel.5.cloned.1.call-start
scs
__scs_entry_jumppad:
0x0: {  	(pc) =	sbr.rel $0x88, $3  }
0x1: {  	(tag) =	ssettag $0x0;
	lr =	simm.s32 $0x1  }
0x2: {  	[smem:$0x3F9A] =	sst lr;
	_ =	strace $0xD0000000  }
0x3: {  	_ = 	snop  }
0x4: {  	_ = 	snop  }
0x5: {  	_ = 	snop  }
0x6: {  	_ = 	snop  }
0x7: {  	_ = 	snop  }
__scs_overlays_trampoline_lowered:
0x8: {  	[smem:$0x3FA9] =	sst s0  }
0x9: {  	[smem:$0x3FAA] =	sst s1  }
0xa: {  	[smem:$0x3FAB] =	sst s2  }
0xb: {  	[smem:$0x3FAC] =	sst s3  }
0xc: {  	[smem:$0x3FAD] =	sst s4  }
0xd: {  	[smem:$0x3FAE] =	sst s5  }
0xe: {  	[smem:$0x3FAF] =	sst s6  }
0xf: {  	[smem:$0x3FB0] =	sst s7  }
0x10: {  	[smem:$0x3FB1] =	sst s8  }
0x11: {  	[smem:$0x3FB2] =	sst s9;
	s0 =	simm.s32 @!p0 $0x0  }
0x12: {  	s1 =	sld [smem:$0x3F98];
	s0 =	simm.s32 @p0 $0x1  }
0x13: {  	[smem:$0x3FB3] =	sst s0;
	s0 =	simm.s32 @!p1 $0x0  }
0x14: {  	s2 =	sld [smem:$0x3F97];
	s0 =	simm.s32 @p1 $0x1  }
0x15: {  	[smem:$0x3FB4] =	sst s0;
	s0 =	simm.s32 @!p2 $0x0  }
0x16: {  	s3 =	sld [smem:$0x3FDB];
	s0 =	simm.s32 @p2 $0x1  }
0x17: {  	s4 =	simm.s32 $0x1BF5;
	[smem:$0x3FB6] =	sst s0  }
0x18: {  	s0 =	sld [smem:$0x3F99];
	_ =	swait.ge [sflag:s4], $0x0  }
0x19: {  	s7 =	sld [smem:$0x3F9A]  }
0x1a: {  	s8 =	sadd.s32 $0xFFFFE003, lr  }
0x1b: {  	s9 =	sadd.s32 $0xFFFFFEF7, lr;
	s5 =	simm.s32 $0xFFFFFFFF;
	p2 =	slt.u32 s8, $0xFFFFF086  }
0x1c: {  	p1 =	slt.u32 s9, $0xF7A;
	s5 =	simm.s32 @!p2 $0x0  }
0x1d: {  	s5 =	simm.s32 @p1 $0x1;
	p0 =	seq.s32 s7, s2  }
0x1e: {  	s7 =	smul.u32 @!p0 $0xF7A, s2;
	p2 =	seq.s32 @!p0 s5, $0x0  }
0x1f: {  	s9 =	smul.u32 $0xF7A, s1;
	s8 =	simm.s32 @!p0 $0x1BF5;
	p2 =	por !p2, p0  }
0x20: {  	[sflag:s8] =	ssyncset.s32 @!p0 $0xFFFFF086;
	s6 =	sadd.s32 @!p0 s3, s7;
	s7 =	simm.s32 @!p0 $0x108  }
0x21: {  	s3 =	sadd.s32 s3, s9;
	s6 =	sadd.s32 @!p0 $0x88, s6;
	s7 =	simm.s32 @p2 $0x1082  }
0x22: {  	[simem:s7], [sflag:s8] =	dma.local @!p0 [hbm:s6], $0xF7A  }
0x23: {  	s9 =	sor.u32 $0xD0000000, s2;
	s6 =	simm.s32 $0x108;
	_ =	swait.ge @!p0 [sflag:s8], $0x0  }
0x24: {  	s3 =	sadd.s32 $0x88, s3;
	s6 =	simm.s32 @!p1 $0x1082;
	[sflag:s4] =	ssyncset.s32 $0xFFFFF086  }
0x25: {  	[simem:s6], [sflag:s4] =	dma.local [hbm:s3], $0xF7A  }
0x26: {  	[smem:$0x3F9A] =	sst s1;
	(tag) =	ssettag s2;
	_ =	strace s9  }
0x27: {  	s1 =	sld [smem:$0x3FAA]  }
0x28: {  	s2 =	sld [smem:$0x3FAB]  }
0x29: {  	s4 =	sld [smem:$0x3FAD]  }
0x2a: {  	p0 =	seq.s32 s5, $0x0;
	s5 =	sld [smem:$0x3FAE]  }
0x2b: {  	s6 =	sld [smem:$0x3FAF]  }
0x2c: {  	s7 =	sld [smem:$0x3FB0]  }
0x2d: {  	s3 =	simm.s32 $0x108;
	s8 =	sld [smem:$0x3FB1]  }
0x2e: {  	s3 =	simm.s32 @!p0 $0x1082;
	s9 =	sld [smem:$0x3FB2]  }
0x2f: {  	lr =	sadd.s32 s0, s3;
	s0 =	sld [smem:$0x3FA9]  }
0x30: {  	s3 =	sld [smem:$0x3FAC]  }
0x31: {  	[smem:$0x3FB5] =	sst s10  }
0x32: {  	s10 =	sld [smem:$0x3FB3];
	_ =	sdelay $0x3  }
0x33: {  	p0 =	seq.s32 s10, $0x1;
	s10 =	sld [smem:$0x3FB5];
	_ =	sdelay $0x3  }
0x34: {  	[smem:$0x3FB5] =	sst s10  }
0x35: {  	s10 =	sld [smem:$0x3FB4];
	_ =	sdelay $0x3  }
0x36: {  	p1 =	seq.s32 s10, $0x1;
	s10 =	sld [smem:$0x3FB5];
	_ =	sdelay $0x3  }
0x37: {  	[smem:$0x3FB5] =	sst s10  }
0x38: {  	s10 =	sld [smem:$0x3FB6]  }
0x39: {  	_ = 	snop;
	(pc) =	sbr.ind lr, $3  }
0x3a: {  	_ = 	snop  }
0x3b: {  	_ = 	snop  }
0x3c: {  	p2 =	seq.s32 s10, $0x1;
	s10 =	sld [smem:$0x3FB5]  }
0x3d: {  	_ =	shalt  }
0x3e: {  	_ =	shalt  }
0x3f: {  	_ =	shalt  }
0x40: {  	_ =	shalt  }
0x41: {  	_ =	shalt  }
0x42: {  	_ =	shalt  }
0x43: {  	_ =	shalt  }
0x44: {  	_ =	shalt  }
0x45: {  	_ =	shalt  }
0x46: {  	_ =	shalt  }
0x47: {  	_ =	shalt  }
0x48: {  	_ =	shalt  }
0x49: {  	_ =	shalt  }
0x4a: {  	_ =	shalt  }
0x4b: {  	_ =	shalt  }
0x4c: {  	_ =	shalt  }
0x4d: {  	_ =	shalt  }
0x4e: {  	_ =	shalt  }
0x4f: {  	_ =	shalt  }
0x50: {  	_ =	shalt  }
0x51: {  	_ =	shalt  }
0x52: {  	_ =	shalt  }
0x53: {  	_ =	shalt  }
0x54: {  	_ =	shalt  }
0x55: {  	_ =	shalt  }
0x56: {  	_ =	shalt  }
0x57: {  	_ =	shalt  }
0x58: {  	_ =	shalt  }
0x59: {  	_ =	shalt  }
0x5a: {  	_ =	shalt  }
0x5b: {  	_ =	shalt  }
0x5c: {  	_ =	shalt  }
0x5d: {  	_ =	shalt  }
0x5e: {  	_ =	shalt  }
0x5f: {  	_ =	shalt  }
0x60: {  	_ =	shalt  }
0x61: {  	_ =	shalt  }
0x62: {  	_ =	shalt  }
0x63: {  	_ =	shalt  }
0x64: {  	_ =	shalt  }
0x65: {  	_ =	shalt  }
0x66: {  	_ =	shalt  }
0x67: {  	_ =	shalt  }
0x68: {  	_ =	shalt  }
0x69: {  	_ =	shalt  }
0x6a: {  	_ =	shalt  }
0x6b: {  	_ =	shalt  }
0x6c: {  	_ =	shalt  }
0x6d: {  	_ =	shalt  }
0x6e: {  	_ =	shalt  }
0x6f: {  	_ =	shalt  }
0x70: {  	_ =	shalt  }
0x71: {  	_ =	shalt  }
0x72: {  	_ =	shalt  }
0x73: {  	_ =	shalt  }
0x74: {  	_ =	shalt  }
0x75: {  	_ =	shalt  }
0x76: {  	_ =	shalt  }
0x77: {  	_ =	shalt  }
0x78: {  	_ =	shalt  }
0x79: {  	_ =	shalt  }
0x7a: {  	_ =	shalt  }
0x7b: {  	_ =	shalt  }
0x7c: {  	_ =	shalt  }
0x7d: {  	_ =	shalt  }
0x7e: {  	_ =	shalt  }
0x7f: {  	_ =	shalt  }
0x80: {  	_ =	shalt  }
0x81: {  	_ =	shalt  }
0x82: {  	_ =	shalt  }
0x83: {  	_ =	shalt  }
0x84: {  	_ =	shalt  }
0x85: {  	_ =	shalt  }
0x86: {  	_ =	shalt  }
0x87: {  	_ =	shalt  }
.Lfunc_end0:
.L_simem_size_0:
called_computation_lowered:
.L_overlay_start_0:
0x88: {  	s2 =	sld [smem:$0x3FD9]  }
0x89: {  	s3 =	sld [smem:$0x3FFE];
	_ =	sdelay $0x1  }
0x8a: {  	s1 =	srdreg.scid  }
0x8b: {  	s0 =	sand.u32 $0x1, s1  }
0x8c: {  	s17 =	sshll.u32 s0, $0xA;
	s2 =	sadd.s32 s3, s2  }
0x8d: {  	s2 =	sadd.s32 s2, s17  }
0x8e: {  	[smem:$0x3FC1] =	sst s2  }
0x8f: {  	_ = 	snop  }
0x90: {  	s2 =	sld [smem:$0x3FC9]  }
0x91: {  	s18 =	sld [smem:$0x3FC8]  }
0x92: {  	s4 =	sld [smem:$0x3FD0];
	(tm) =	ssettm $0x1  }
0x93: {  	s5 =	sld [smem:$0x3FFB];
	_ =	sdelay $0x3  }
0x94: {  	_ =	strace s5  }
0x95: {  	s5 =	sld [smem:$0x3FFC];
	_ =	sdelay $0x3  }
0x96: {  	_ =	strace s5  }
0x97: {  	s5 =	sld [smem:$0x3FFD];
	_ =	sdelay $0x3  }
0x98: {  	_ =	strace s5  }
0x99: {  	_ =	strace $0x8FFFFFFF  }
0x9a: {  	s19 =	sld [smem:$0x3FDB];
	_ =	sdelay $0x1  }
0x9b: {  	s6 =	simm.s32 $_scs_section_size  }
0x9c: {  	s7 =	simm.s32 $_size__tile_overlayer_lowered;
	s8 =	simm.s32 $_tile_overlayer_lowered  }
0x9d: {  	s22 =	simm.s32 $0x1BFF;
	s21 =	sshll.u32 s8, $0x1;
	s5 =	sadd.s32 s6, s19  }
0x9e: {  	s9 =	simm.s32 $0x0;
	s20 =	sshll.u32 s7, $0x1;
	s7 =	sadd.s32 s21, s5  }
0x9f: {  	[timem:s9], [sflag:s22] =	dma.local [hbm:s7], s20  }
0xa0: {  	_ =	swait.ge [sflag:s22], s20  }
0xa1: {  	s6 =	ssub.s32 $0x0, s20;
	[sflag:s22] =	ssyncset.done $0x0  }
0xa2: {  	[sflag:s22] =	ssyncadd.s32 s6;
	_ =	sdelay $0x1  }
0xa3: {  	s23 =	simm.s32 $0x1B8B  }
0xa4: {  	_ =	swait.ge [sflag:s23], $0x1  }
0xa5: {  	[sflag:s23] =	ssyncset.done $0x0  }
0xa6: {  	s25 =	simm.s32 $0x1B8E;
	s24 =	sld [smem:$0x3FFE];
	[sflag:s23] =	ssyncadd.s32 $0xFFFFFFFF  }
0xa7: {  	s26 =	simm.s32 $execute0_lowered;
	[smem:$0x3FD2] =	sst s25  }
0xa8: {  	s7 =	sshll.u32 s26, $0x1;
	_ =	strace $0x80000046;
	[dreg:$0x1] =	wrdreg $0xFFFFFFFF  }
0xa9: {  	s28 =	simm.s32 $_size_execute0_lowered;
	s5 =	sadd.s32 s5, s7;
	[dreg:$0x0] =	wrdreg $0x0  }
0xaa: {  	s7 =	sshll.u32 s28, $0x1;
	[dreg:$0x2] =	wrdreg s5  }
0xab: {  	[dreg:$0x3] =	wrdreg s7  }
0xac: {  	[dreg:$0x4] =	wrdreg $0xC0  }
0xad: {  	_ =	task [dreg:s9], $0x5FFFF  }
0xae: {  	[dreg:$0x1] =	wrdreg $0xFFFFFFFF  }
0xaf: {  	[dreg:$0x0] =	wrdreg $0x60  }
0xb0: {  	[dreg:$0x2] =	wrdreg s2  }
0xb1: {  	[dreg:$0x3] =	wrdreg s18  }
0xb2: {  	[dreg:$0x4] =	wrdreg s24  }
0xb3: {  	[dreg:$0x5] =	wrdreg s4  }
0xb4: {  	[dreg:$0x6] =	wrdreg $0x9  }
0xb5: {  	_ =	task.clear_ibuf [dreg:s9], $0x7FFFF;
	_ =	strace $0x90000046  }
0xb6: {  	s29 =	simm.s32 $0x9;
	_ =	strace $0x80000048  }
0xb7: {  	_ =	swait.ge [sflag:s29], $0x1  }
0xb8: {  	[sflag:s29] =	ssyncadd.s32 $0xFFFFFFFF  }
0xb9: {  	_ =	strace $0x90000048  }
0xba: {  	_ =	sfence  }
0xbb: {  	s30 =	sld [smem:$0x0];
	_ =	sdelay $0x2  }
0xbc: {  	s31 =	sshll.u32 s1, $0xD;
	s1 =	sshrl.u32 s1, $0x2  }
0xbd: {  	s3 =	sand.u32 $0x4000, s31;
	s1 =	sadd.s32 s1, s30  }
0xbe: {  	s0 =	sor.u32 s3, s0;
	s1 =	sshll.u32 s1, $0x11  }
0xbf: {  	s0 =	sor.u32 s1, s0  }
0xc0: {  	s0 =	sadd.s32 $0x8F2B, s0  }
0xc1: {  	[sflag:s0] =	ssyncadd.remote.s32 $0x1  }
0xc2: {  	_ =	sfence.sel $0xFFFF  }
0xc3: {  	[dreg:$0x0] =	wrdreg $0xFFFFFFFF;
	(pc) =	sbr.abs _section_cstart, $3  }
0xc4: {  	[dreg:$0x1] =	wrdreg $0xFFFFFFFF  }
0xc5: {  	_ =	task.clear_ibuf [dreg:s9], $0x2FFFF;
	_ =	strace $0x9FFFFFFF  }
0xc6: {  	(tm) =	ssettm $0x7FFFFFFF  }
0xc7: {  	_ =	shalt  }
tec
execute0_lowered:
.L_overlay_start_1:
0x0: {  	(tag) =	ssettag $0x1  }
0x1: {  	s1 =	rddreg [dreg:$0x0]  }
0x2: {  	s2 =	rddreg [dreg:$0x1];
	s3 =	srdreg.scid  }
0x3: {  	s8 =	rddreg [dreg:$0x2];
	s0 =	stileid.u32  }
0x4: {  	s9 =	rddreg [dreg:$0x3];
	s4 =	simm.s32 $0x0;
	s14 =	simm.s32 $0x1000  }
0x5: {  	s15 =	simm.s32 $0x4000;
	s16 =	simm.s32 $0x6800;
	s17 =	simm.s32 $0x9000  }
0x6: {  	s18 =	simm.s32 $0xB800;
	s19 =	simm.s32 $0x2000;
	s20 =	simm.s32 $0x3000  }
0x7: {  	s21 =	simm.s32 $0xD800;
	s22 =	simm.s32 $0xD880;
	s23 =	simm.s32 $0xD900  }
0x8: {  	s24 =	simm.s32 $0x0;
	s7 =	sand.u32 $0x1, s3;
	s3 =	rddreg [dreg:$0x4]  }
0x9: {  	s5 =	sshll.u32 s0, $0x7;
	[smem:$0x7FF] =	sst s4;
	s6 =	sshll.u32 s7, $0x6  }
0xa: {  	_ =	strace $0x80000047;
	s12 =	ssub.s32 $0x2, s7;
	s7 =	sadd.s32 $0x1800, s8  }
0xb: {  	v0 =	vlaneseq.u32;
	s10 =	sor.u32 s6, s5;
	s6 =	sadd.s32 $0x1200, s8;
	s31 =	sshrl.u32 s12, $0x1  }
0xc: {  	v0 =	vmul.u32 $0x80, v0;
	s5 =	sshll.u32 s10, $0x4;
	s10 =	sshrl.u32 s10, $0x3;
	s12 =	ssub.s32 s12, s31  }
0xd: {  	s11 =	sadd.s32 s5, s8;
	s5 =	sadd.s32 $0xC00, s8;
	s13 =	sadd.s32 s10, s8  }
0xe: {  	v6 =	vimm.f32 $0.0e+00;
	v1 =	vor.u32 $0x1, v0;
	v2 =	vor.u32 $0x801, v0;
	s9 =	sadd.s32 s9, s10;
	s12 =	smax.u32 s12, $0x1;
	s8 =	sadd.s32 $0x1E00, s11  }
0xf: {  	v3 =	vor.u32 $0x800, v0;
	v4 =	vor.u32 $0x1001, v0;
	v5 =	vor.u32 $0x1000, v0;
	s10 =	sadd.s32 $0x9E00, s13;
	s11 =	sadd.s32 $0xA000, s13;
	s13 =	simm.s32 $0x1  }
.LBB2_1:
0x10: {  	[tilespmem:s4], [sflag:$0x1] =	stream.linear.gather [hbm4b:s1+s4], $0x1000, $0x38;
	[tilespmem:$0xD980] =	vst v63  }
0x11: {  	_ =	swait.ge [sflag:s13], $0x1000  }
0x12: {  	[sflag:s13] =	ssyncset.done $0x0  }
0x13: {  	[sflag:s13] =	ssyncadd.s32 $0xFFFFF000  }
0x14: {  	[tilespmem:s14], [sflag:$0x1] =	stream.linear.gather [hbm4b:s2+s4], $0x1000, $0x38;
	[tilespmem:$0xD980] =	vst v63  }
0x15: {  	_ =	swait.ge [sflag:s13], $0x1000  }
0x16: {  	[sflag:s13] =	ssyncset.done $0x0  }
0x17: {  	[sflag:s13] =	ssyncadd.s32 $0xFFFFF000  }
0x18: {  	[tilespmem:s15], [sflag:$0x1] =	stream.linear.gather [hbm4b:s5+s4], $0x2800, $0x38;
	[tilespmem:$0xD980] =	vst v63  }
0x19: {  	_ =	swait.ge [sflag:s13], $0x2800  }
0x1a: {  	[sflag:s13] =	ssyncset.done $0x0  }
0x1b: {  	[sflag:s13] =	ssyncadd.s32 $0xFFFFD800  }
0x1c: {  	[tilespmem:s16], [sflag:$0x1] =	stream.linear.gather [hbm4b:s6+s4], $0x2800, $0x38;
	[tilespmem:$0xD980] =	vst v63  }
0x1d: {  	_ =	swait.ge [sflag:s13], $0x2800  }
0x1e: {  	[sflag:s13] =	ssyncset.done $0x0  }
0x1f: {  	[sflag:s13] =	ssyncadd.s32 $0xFFFFD800  }
0x20: {  	[tilespmem:s17], [sflag:$0x1] =	stream.linear.gather [hbm4b:s7+s4], $0x2800, $0x38;
	[tilespmem:$0xD980] =	vst v63  }
0x21: {  	_ =	swait.ge [sflag:s13], $0x2800  }
0x22: {  	[sflag:s13] =	ssyncset.done $0x0  }
0x23: {  	[sflag:s13] =	ssyncadd.s32 $0xFFFFD800  }
0x24: {  	[tilespmem:s18], [sflag:$0x1] =	stream.linear.gather [hbm4b:s8+s4], $0x2000, $0x38;
	[tilespmem:$0xD980] =	vst v63  }
0x25: {  	_ =	swait.ge [sflag:s13], $0x2000  }
0x26: {  	[sflag:s13] =	ssyncset.done $0x0  }
0x27: {  	s25 =	simm.s32 $0x0;
	[sflag:s13] =	ssyncadd.s32 $0xFFFFE000  }
0x28: {  	v7 =	vld [tilespmem:s25+$0x1000]  }
0x29: {  	v8 =	vld [tilespmem:s25+$0x0]  }
0x2a: {  	s26 =	simm.s32 $0x40  }
.LBB2_2:
0x2b: {  	p0 =	sne.s32 s26, $0x3FC0  }
.Ltmp0:
0x2c: {  	_ = 	snop;
	(pc) =	sbr.rel @p0 .LBB2_2-.Ltmp0, $4  }
0x2d: {  	s28 =	sshra.s32 s26, $0x2;
	v9 =	vcvt.s32.f32 v7  }
0x2e: {  	v7 =	vld [tilespmem:s28+$0x1000];
	v10 =	vcvt.s32.f32 v8  }
0x2f: {  	v8 =	vld [tilespmem:s28+$0x0];
	[tilespmem:s25+$0x3000] =	vst v9  }
0x30: {  	s26 =	sadd.s32 $0x40, s26;
	[tilespmem:s25+$0x2000] =	vst v10;
	s25 =	smov.u32 s28  }
0x31: {  	_ =	sdelay $0x1  }
0x32: {  	s26 =	simm.s32 $0x4;
	v7 =	vcvt.s32.f32 v7  }
0x33: {  	v9 =	vmov s26;
	v8 =	vcvt.s32.f32 v8  }
0x34: {  	s29 =	simm.s32 $0x0;
	[tilespmem:s25+$0x3000] =	vst v7  }
0x35: {  	v12 =	vmov s29;
	[tilespmem:s25+$0x2000] =	vst v8  }
0x36: {  	v7 =	vld.idx.msk [tilespmem:v1+s18+$0x0], $0xffff  }
0x37: {  	v10 =	vor.u32 $0x1, v9;
	v8 =	vld.idx.msk [tilespmem:v0+s18+$0x0], $0xffff  }
0x38: {  	v11 =	vor.u32 $0x2, v9;
	v14 =	vld.idx.msk [tilespmem:v9+s19+$0x0], $0xffff  }
0x39: {  	v15 =	vor.u32 $0x3, v9;
	v9 =	vld.idx.msk [tilespmem:v9+s20+$0x0], $0xffff  }
0x3a: {  	v20 =	vld.idx.msk [tilespmem:v12+s19+$0x0], $0xffff  }
0x3b: {  	v17 =	vor.u32 $0x3, v12;
	v19 =	vor.u32 $0x1, v12;
	v22 =	vor.u32 $0x2, v12;
	v12 =	vld.idx.msk [tilespmem:v12+s20+$0x0], $0xffff  }
0x3c: {  	v13 =	vld.idx.msk [tilespmem:v10+s20+$0x0], $0xffff  }
0x3d: {  	v16 =	vld.idx.msk [tilespmem:v11+s20+$0x0], $0xffff  }
0x3e: {  	v18 =	vld.idx.msk [tilespmem:v11+s19+$0x0], $0xffff  }
0x3f: {  	v21 =	vld.idx.msk [tilespmem:v15+s20+$0x0], $0xffff  }
0x40: {  	v15 =	vld.idx.msk [tilespmem:v15+s19+$0x0], $0xffff  }
0x41: {  	v23 =	vld.idx.msk [tilespmem:v17+s20+$0x0], $0xffff  }
0x42: {  	v24 =	vld.idx.msk [tilespmem:v19+s19+$0x0], $0xffff  }
0x43: {  	v10 =	vld.idx.msk [tilespmem:v10+s19+$0x0], $0xffff  }
0x44: {  	v19 =	vld.idx.msk [tilespmem:v19+s20+$0x0], $0xffff  }
0x45: {  	v25 =	vld.idx.msk [tilespmem:v22+s20+$0x0], $0xffff;
	v14 =	vsub.f32 v14, v7;
	v9 =	vsub.f32 v9, v8  }
0x46: {  	v22 =	vld.idx.msk [tilespmem:v22+s19+$0x0], $0xffff;
	v20 =	vsub.f32 v20, v7;
	v12 =	vsub.f32 v12, v8  }
0x47: {  	v17 =	vld.idx.msk [tilespmem:v17+s19+$0x0], $0xffff;
	v13 =	vsub.f32 v13, v8;
	v16 =	vsub.f32 v16, v8  }
0x48: {  	v18 =	vsub.f32 v18, v7;
	v21 =	vsub.f32 v21, v8  }
0x49: {  	v15 =	vsub.f32 v15, v7;
	v23 =	vsub.f32 v23, v8  }
0x4a: {  	v24 =	vsub.f32 v24, v7;
	v10 =	vsub.f32 v10, v7  }
0x4b: {  	v19 =	vsub.f32 v19, v8;
	v25 =	vsub.f32 v25, v8  }
0x4c: {  	v22 =	vsub.f32 v22, v7;
	v17 =	vsub.f32 v17, v7;
	v14 =	vmax.f32 v14, $-5.000000000e+01  }
0x4d: {  	v9 =	vmax.f32 v9, $-5.000000000e+01;
	v20 =	vmax.f32 v20, $-5.000000000e+01;
	v12 =	vmax.f32 v12, $-5.000000000e+01  }
0x4e: {  	v13 =	vmax.f32 v13, $-5.000000000e+01;
	v16 =	vmax.f32 v16, $-5.000000000e+01;
	v14 =	vmin.f32 v14, $5.000000000e+01  }
0x4f: {  	v18 =	vmax.f32 v18, $-5.000000000e+01;
	v9 =	vmin.f32 v9, $5.000000000e+01;
	v15 =	vmax.f32 v15, $-5.000000000e+01  }
0x50: {  	v20 =	vmin.f32 v20, $5.000000000e+01;
	v23 =	vmax.f32 v23, $-5.000000000e+01;
	v24 =	vmax.f32 v24, $-5.000000000e+01  }
0x51: {  	v10 =	vmax.f32 v10, $-5.000000000e+01;
	v19 =	vmax.f32 v19, $-5.000000000e+01;
	v25 =	vmax.f32 v25, $-5.000000000e+01  }
0x52: {  	v22 =	vmax.f32 v22, $-5.000000000e+01;
	v12 =	vmin.f32 v12, $5.000000000e+01;
	v17 =	vmax.f32 v17, $-5.000000000e+01  }
0x53: {  	v14 =	vtrunc.f32 v14;
	v18 =	vmin.f32 v18, $5.000000000e+01;
	v9 =	vtrunc.f32 v9  }
0x54: {  	v20 =	vtrunc.f32 v20;
	v23 =	vmin.f32 v23, $5.000000000e+01;
	v10 =	vmin.f32 v10, $5.000000000e+01  }
0x55: {  	v13 =	vmin.f32 v13, $5.000000000e+01;
	v12 =	vtrunc.f32 v12;
	v14 =	vcvt.f32.s32 v14  }
0x56: {  	v24 =	vmin.f32 v24, $5.000000000e+01;
	v9 =	vcvt.f32.s32 v9;
	v20 =	vcvt.f32.s32 v20  }
0x57: {  	v19 =	vmin.f32 v19, $5.000000000e+01;
	v23 =	vtrunc.f32 v23;
	v18 =	vtrunc.f32 v18  }
0x58: {  	v25 =	vmin.f32 v25, $5.000000000e+01;
	v13 =	vtrunc.f32 v13;
	v24 =	vtrunc.f32 v24  }
0x59: {  	v22 =	vmin.f32 v22, $5.000000000e+01;
	v10 =	vtrunc.f32 v10;
	v19 =	vtrunc.f32 v19  }
0x5a: {  	v17 =	vmin.f32 v17, $5.000000000e+01;
	v22 =	vtrunc.f32 v22;
	v25 =	vtrunc.f32 v25  }
0x5b: {  	v15 =	vmin.f32 v15, $5.000000000e+01;
	v12 =	vcvt.f32.s32 v12;
	v17 =	vtrunc.f32 v17  }
0x5c: {  	v15 =	vtrunc.f32 v15;
	v22 =	vcvt.f32.s32 v22;
	v14 =	vmul.u32 $0x65, v14  }
0x5d: {  	s30 =	simm.s32 $0xC;
	v23 =	vcvt.f32.s32 v23;
	v25 =	vcvt.f32.s32 v25;
	v20 =	vmul.u32 $0x65, v20  }
0x5e: {  	v22 =	vmul.u32 $0x65, v22;
	v9 =	vadd.s32 v14, v9;
	v14 =	vmov s30  }
0x5f: {  	v21 =	vmax.f32 v21, $-5.000000000e+01;
	v24 =	vcvt.f32.s32 v24;
	v13 =	vcvt.f32.s32 v13  }
0x60: {  	v12 =	vadd.s32 v20, v12;
	v20 =	vadd.s32 v22, v25;
	v25 =	vor.u32 $0x1, v14  }
0x61: {  	v19 =	vcvt.f32.s32 v19;
	v10 =	vcvt.f32.s32 v10;
	v27 =	vor.u32 $0x2, v14  }
0x62: {  	s31 =	simm.s32 $0x8;
	v16 =	vmin.f32 v16, $5.000000000e+01;
	v18 =	vcvt.f32.s32 v18;
	v17 =	vcvt.f32.s32 v17  }
0x63: {  	v15 =	vcvt.f32.s32 v15;
	v22 =	vmov s31;
	v32 =	vadd.s32 $0x13EC, v20;
	v20 =	vld.idx.msk [tilespmem:v14+s19+$0x0], $0xffff  }
0x64: {  	v29 =	vadd.s32 $0x13EC, v12;
	v12 =	vtrunc.f32 v16;
	v34 =	vor.u32 $0x3, v14;
	v14 =	vld.idx.msk [tilespmem:v14+s20+$0x0], $0xffff  }
0x65: {  	v18 =	vmul.u32 $0x65, v18;
	v17 =	vmul.u32 $0x65, v17;
	v12 =	vcvt.f32.s32 v12;
	v16 =	vld.idx.msk [tilespmem:v25+s20+$0x0], $0xffff  }
0x66: {  	v24 =	vmul.u32 $0x65, v24;
	v10 =	vmul.u32 $0x65, v10;
	v30 =	vor.u32 $0x3, v22;
	v31 =	vld.idx.msk [tilespmem:v27+s20+$0x0], $0xffff  }
0x67: {  	v33 =	vadd.s32 $0x13EC, v9;
	v17 =	vadd.s32 v17, v23;
	v9 =	vadd.s32 v18, v12;
	v12 =	vld.idx.msk [tilespmem:v27+s19+$0x0], $0xffff  }
0x68: {  	v21 =	vmin.f32 v21, $5.000000000e+01;
	v15 =	vmul.u32 $0x65, v15;
	v23 =	vadd.s32 $0x13EC, v17;
	v17 =	vld.idx.msk [tilespmem:v22+s19+$0x0], $0xffff  }
0x69: {  	v10 =	vadd.s32 v10, v13;
	v13 =	vtrunc.f32 v21;
	v19 =	vadd.s32 v24, v19;
	v24 =	vld.idx.msk [tilespmem:v34+s20+$0x0], $0xffff  }
0x6a: {  	v26 =	vor.u32 $0x1, v22;
	v28 =	vor.u32 $0x2, v22;
	v13 =	vcvt.f32.s32 v13;
	v22 =	vld.idx.msk [tilespmem:v22+s20+$0x0], $0xffff  }
0x6b: {  	v11 =	vimm.f32 $0.0e+00;
	v10 =	vadd.s32 $0x13EC, v10;
	v21 =	vld.idx.msk [tilespmem:v30+s20+$0x0], $0xffff  }
0x6c: {  	v13 =	vadd.s32 v15, v13;
	v18 =	vld.idx.msk [tilespmem:v29+s15+$0x0], $0xffff;
	v20 =	vsub.f32 v20, v7;
	v14 =	vsub.f32 v14, v8  }
0x6d: {  	v9 =	vadd.s32 $0x13EC, v9;
	v16 =	vsub.f32 v16, v8;
	v27 =	vsub.f32 v31, v8  }
0x6e: {  	v31 =	vadd.s32 $0x13EC, v19;
	v56 =	vsub.f32 v12, v7;
	v17 =	vsub.f32 v17, v7  }
0x6f: {  	v25 =	vld.idx.msk [tilespmem:v25+s19+$0x0], $0xffff;
	v24 =	vsub.f32 v24, v8;
	v22 =	vsub.f32 v22, v8;
	v15 =	vmax.f32 v20, $-5.000000000e+01  }
0x70: {  	v58 =	vld.idx.msk [tilespmem:v33+s16+$0x0], $0xffff;
	v14 =	vmax.f32 v14, $-5.000000000e+01;
	v21 =	vsub.f32 v21, v8;
	v19 =	vmax.f32 v16, $-5.000000000e+01  }
0x71: {  	v16 =	vld.idx.msk [tilespmem:v34+s19+$0x0], $0xffff;
	v12 =	vmax.f32 v27, $-5.000000000e+01;
	v27 =	vadd.f32 v18, v11;
	v15 =	vmin.f32 v15, $5.000000000e+01  }
0x72: {  	v20 =	vld.idx.msk [tilespmem:v29+s16+$0x0], $0xffff;
	v34 =	vmax.f32 v56, $-5.000000000e+01;
	v35 =	vmin.f32 v14, $5.000000000e+01;
	v15 =	vtrunc.f32 v15  }
0x73: {  	v18 =	vld.idx.msk [tilespmem:v26+s19+$0x0], $0xffff;
	v14 =	vadd.s32 $0x13EC, v13;
	v17 =	vmax.f32 v17, $-5.000000000e+01;
	v15 =	vcvt.f32.s32 v15  }
0x74: {  	v29 =	vld.idx.msk [tilespmem:v29+s17+$0x0], $0xffff;
	v41 =	vmax.f32 v22, $-5.000000000e+01;
	v34 =	vmin.f32 v34, $5.000000000e+01;
	v13 =	vtrunc.f32 v35  }
0x75: {  	v26 =	vld.idx.msk [tilespmem:v26+s20+$0x0], $0xffff;
	v17 =	vmin.f32 v17, $5.000000000e+01;
	v19 =	vmin.f32 v19, $5.000000000e+01;
	v38 =	vmul.u32 $0x65, v15  }
0x76: {  	v15 =	vmax.f32 v21, $-5.000000000e+01;
	v21 =	vsub.f32 v25, v7;
	v25 =	vld.idx.msk [tilespmem:v28+s19+$0x0], $0xffff;
	v16 =	vsub.f32 v16, v7  }
0x77: {  	v35 =	vcvt.f32.s32 v13;
	v37 =	vld.idx.msk [tilespmem:v31+s16+$0x0], $0xffff;
	v20 =	vadd.f32 v20, v11;
	v15 =	vmin.f32 v15, $5.000000000e+01  }
0x78: {  	v36 =	vld.idx.msk [tilespmem:v32+s16+$0x0], $0xffff;
	v15 =	vtrunc.f32 v15;
	v13 =	vmax.f32 v16, $-5.000000000e+01;
	v16 =	vsub.f32 v18, v7  }
0x79: {  	v18 =	vadd.f32 v29, v11;
	v29 =	vld.idx.msk [tilespmem:v28+s20+$0x0], $0xffff;
	v11 =	vmax.f32 v24, $-5.000000000e+01;
	v15 =	vcvt.f32.s32 v15  }
0x7a: {  	v28 =	vld.idx.msk [tilespmem:v31+s15+$0x0], $0xffff;
	v24 =	vmax.f32 v16, $-5.000000000e+01;
	v16 =	vtrunc.f32 v17;
	v17 =	vmax.f32 v21, $-5.000000000e+01  }
0x7b: {  	v40 =	vld.idx.msk [tilespmem:v23+s16+$0x0], $0xffff;
	v21 =	vsub.f32 v26, v8;
	v25 =	vsub.f32 v25, v7;
	v39 =	vcvt.f32.s32 v16  }
0x7c: {  	v57 =	vld.idx.msk [tilespmem:v32+s15+$0x0], $0xffff;
	v26 =	vmin.f32 v17, $5.000000000e+01;
	v17 =	vadd.f32 v37, v20;
	v24 =	vmin.f32 v24, $5.000000000e+01  }
0x7d: {  	v42 =	vld.idx.msk [tilespmem:v23+s15+$0x0], $0xffff;
	v20 =	vmax.f32 v21, $-5.000000000e+01;
	v21 =	vtrunc.f32 v34;
	v22 =	vtrunc.f32 v24  }
0x7e: {  	v59 =	vld.idx.msk [tilespmem:v10+s16+$0x0], $0xffff;
	v24 =	vmax.f32 v25, $-5.000000000e+01;
	v29 =	vsub.f32 v29, v8;
	v36 =	vadd.f32 v36, v17  }
0x7f: {  	v32 =	vld.idx.msk [tilespmem:v32+s17+$0x0], $0xffff;
	v27 =	vadd.f32 v28, v27;
	v25 =	vmin.f32 v20, $5.000000000e+01;
	v22 =	vcvt.f32.s32 v22  }
0x80: {  	v23 =	vld.idx.msk [tilespmem:v23+s17+$0x0], $0xffff;
	v20 =	vtrunc.f32 v26;
	v39 =	vmul.u32 $0x65, v39;
	v24 =	vmin.f32 v24, $5.000000000e+01  }
0x81: {  	v16 =	vld.idx.msk [tilespmem:v9+s16+$0x0], $0xffff;
	v43 =	vtrunc.f32 v25;
	v25 =	vmin.f32 v41, $5.000000000e+01;
	v24 =	vtrunc.f32 v24  }
0x82: {  	v26 =	vld.idx.msk [tilespmem:v30+s19+$0x0], $0xffff;
	v28 =	vmax.f32 v29, $-5.000000000e+01;
	v29 =	vtrunc.f32 v19;
	v30 =	vadd.f32 v57, v27  }
0x83: {  	v17 =	vld.idx.msk [tilespmem:v14+s16+$0x0], $0xffff;
	v25 =	vtrunc.f32 v25;
	v24 =	vcvt.f32.s32 v24;
	v36 =	vadd.f32 v40, v36  }
0x84: {  	v27 =	vld.idx.msk [tilespmem:v31+s17+$0x0], $0xffff;
	v28 =	vmin.f32 v28, $5.000000000e+01;
	v61 =	vcvt.f32.s32 v25;
	v25 =	vcvt.f32.s32 v29  }
0x85: {  	v19 =	vld.idx.msk [tilespmem:v10+s15+$0x0], $0xffff;
	v22 =	vmul.u32 $0x65, v22;
	v29 =	vcvt.f32.s32 v43;
	v60 =	vtrunc.f32 v28  }
0x86: {  	v31 =	vld.idx.msk [tilespmem:v33+s15+$0x0], $0xffff;
	v63 =	vmul.u32 $0x65, v24;
	v34 =	vadd.f32 v58, v36;
	v62 =	vcvt.f32.s32 v60  }
0x87: {  	v28 =	vld.idx.msk [tilespmem:v33+s17+$0x0], $0xffff;
	v30 =	vadd.f32 v42, v30;
	v24 =	vadd.s32 v38, v35;
	v36 =	vsub.f32 v26, v7  }
0x88: {  	s26 =	simm.s32 $0x14;
	s25 =	simm.s32 $0x2;
	v35 =	vadd.s32 v39, v61;
	v26 =	vld.idx.msk [tilespmem:v9+s17+$0x0], $0xffff;
	v34 =	vadd.f32 v59, v34;
	v33 =	vadd.s32 v63, v62  }
.LBB2_4:
0x89: {  	s28 =	sadd.s32 $0xFFFFFFFC, s26;
	v37 =	vmov s26;
	s25 =	sadd.s32 $0x2, s25;
	v36 =	vmax.f32 v36, $-5.000000000e+01;
	v18 =	vadd.f32 v27, v18;
	v9 =	vld.idx.msk [tilespmem:v9+s15+$0x0], $0xffff  }
0x8a: {  	v38 =	vmov s28;
	v39 =	vor.u32 $0x1, v37;
	p0 =	slt.u32 s25, $0x3FE;
	v16 =	vadd.f32 v16, v34;
	v34 =	vld.idx.msk [tilespmem:v14+s17+$0x0], $0xffff  }
0x8b: {  	v41 =	vcvt.f32.s32 v20;
	v40 =	vor.u32 $0x1, v38;
	v27 =	vor.u32 $0x2, v38;
	v14 =	vld.idx.msk [tilespmem:v14+s15+$0x0], $0xffff  }
0x8c: {  	v36 =	vmin.f32 v36, $5.000000000e+01;
	v20 =	vor.u32 $0x3, v38;
	v18 =	vadd.f32 v32, v18;
	v10 =	vld.idx.msk [tilespmem:v10+s17+$0x0], $0xffff  }
0x8d: {  	v30 =	vadd.f32 v31, v30;
	v32 =	vtrunc.f32 v36;
	v16 =	vadd.f32 v17, v16  }
0x8e: {  	v12 =	vmin.f32 v12, $5.000000000e+01;
	v17 =	vor.u32 $0x2, v37;
	v18 =	vadd.f32 v23, v18  }
0x8f: {  	v13 =	vmin.f32 v13, $5.000000000e+01;
	v19 =	vadd.f32 v19, v30;
	v23 =	vcvt.f32.s32 v32;
	v31 =	vld.idx.msk [tilespmem:v38+s19+$0x0], $0xffff  }
0x90: {  	v21 =	vcvt.f32.s32 v21;
	v32 =	vadd.s32 $0x13EC, v35;
	v18 =	vadd.f32 v28, v18;
	v30 =	vld.idx.msk [tilespmem:v39+s20+$0x0], $0xffff  }
0x91: {  	v12 =	vtrunc.f32 v12;
	v9 =	vadd.f32 v9, v19;
	v35 =	vmul.u32 $0x65, v23;
	v28 =	vld.idx.msk [tilespmem:v40+s19+$0x0], $0xffff  }
0x92: {  	v12 =	vcvt.f32.s32 v12;
	v21 =	vmul.u32 $0x65, v21;
	v10 =	vadd.f32 v10, v18;
	v19 =	vld.idx.msk [tilespmem:v20+s20+$0x0], $0xffff  }
0x93: {  	v24 =	vadd.s32 $0x13EC, v24;
	v23 =	vadd.s32 $0x13EC, v33;
	v14 =	vadd.f32 v14, v9;
	v18 =	vld.idx.msk [tilespmem:v17+s20+$0x0], $0xffff  }
0x94: {  	v36 =	vor.u32 $0x3, v37;
	v9 =	vadd.s32 v21, v12;
	v10 =	vadd.f32 v26, v10;
	v33 =	vld.idx.msk [tilespmem:v37+s19+$0x0], $0xffff  }
0x95: {  	v13 =	vtrunc.f32 v13;
	v9 =	vadd.s32 $0x13EC, v9;
	v12 =	vld.idx.msk [tilespmem:v17+s19+$0x0], $0xffff;
	v17 =	vmul.u32 $0x65, v41  }
0x96: {  	v11 =	vmin.f32 v11, $5.000000000e+01;
	v13 =	vcvt.f32.s32 v13;
	v34 =	vadd.f32 v34, v10;
	v21 =	vld.idx.msk [tilespmem:v32+s15+$0x0], $0xffff  }
0x97: {  	v11 =	vtrunc.f32 v11;
	v10 =	vadd.s32 v35, v15;
	v37 =	vld.idx.msk [tilespmem:v37+s20+$0x0], $0xffff;
	v15 =	vadd.s32 v17, v25  }
0x98: {  	v11 =	vcvt.f32.s32 v11;
	v13 =	vmul.u32 $0x65, v13;
	v26 =	vadd.s32 $0x13EC, v10;
	v25 =	vld.idx.msk [tilespmem:v23+s16+$0x0], $0xffff  }
0x99: {  	v22 =	vadd.s32 v22, v29;
	v17 =	vsub.f32 v30, v8;
	v10 =	vadd.s32 $0x13EC, v15;
	v30 =	vld.idx.msk [tilespmem:v36+s20+$0x0], $0xffff  }
0x9a: {  	v18 =	vsub.f32 v18, v8;
	v15 =	vsub.f32 v33, v7;
	v33 =	vadd.s32 $0x13EC, v22;
	v29 =	vld.idx.msk [tilespmem:v36+s19+$0x0], $0xffff  }
0x9b: {  	v11 =	vadd.s32 v13, v11;
	v22 =	vmax.f32 v17, $-5.000000000e+01;
	v17 =	vsub.f32 v12, v7;
	v35 =	vld.idx.msk [tilespmem:v32+s16+$0x0], $0xffff  }
0x9c: {  	v12 =	vmax.f32 v18, $-5.000000000e+01;
	v13 =	vmax.f32 v15, $-5.000000000e+01;
	v41 =	vadd.f32 v21, v14;
	v36 =	vld.idx.msk [tilespmem:v27+s20+$0x0], $0xffff  }
0x9d: {  	v13 =	vmin.f32 v13, $5.000000000e+01;
	v14 =	vsub.f32 v37, v8;
	v15 =	vmax.f32 v17, $-5.000000000e+01;
	v17 =	vld.idx.msk [tilespmem:v32+s17+$0x0], $0xffff  }
0x9e: {  	v18 =	vsub.f32 v31, v7;
	v13 =	vtrunc.f32 v13;
	v31 =	vmin.f32 v15, $5.000000000e+01;
	v21 =	vld.idx.msk [tilespmem:v39+s19+$0x0], $0xffff  }
0x9f: {  	v14 =	vmax.f32 v14, $-5.000000000e+01;
	v32 =	vcvt.f32.s32 v13;
	v30 =	vsub.f32 v30, v8;
	v15 =	vld.idx.msk [tilespmem:v38+s20+$0x0], $0xffff  }
0xa0: {  	v13 =	vmin.f32 v14, $5.000000000e+01;
	v29 =	vsub.f32 v29, v7;
	v14 =	vadd.s32 $0x13EC, v11;
	v37 =	vld.idx.msk [tilespmem:v33+s15+$0x0], $0xffff  }
0xa1: {  	v38 =	vmax.f32 v18, $-5.000000000e+01;
	v11 =	vtrunc.f32 v13;
	v35 =	vadd.f32 v35, v16;
	v39 =	vld.idx.msk [tilespmem:v40+s20+$0x0], $0xffff  }
0xa2: {  	v19 =	vsub.f32 v19, v8;
	v40 =	vcvt.f32.s32 v11;
	v13 =	vmax.f32 v29, $-5.000000000e+01;
	v29 =	vld.idx.msk [tilespmem:v33+s16+$0x0], $0xffff  }
0xa3: {  	v28 =	vsub.f32 v28, v7;
	v42 =	vmul.u32 $0x65, v32;
	v18 =	vadd.f32 v17, v34;
	v16 =	vld.idx.msk [tilespmem:v9+s16+$0x0], $0xffff  }
0xa4: {  	v11 =	vmax.f32 v30, $-5.000000000e+01;
	v17 =	vmax.f32 v19, $-5.000000000e+01;
	v19 =	vsub.f32 v21, v7;
	v30 =	vld.idx.msk [tilespmem:v26+s16+$0x0], $0xffff  }
0xa5: {  	v28 =	vmax.f32 v28, $-5.000000000e+01;
	v21 =	vmin.f32 v38, $5.000000000e+01;
	v27 =	vld.idx.msk [tilespmem:v27+s19+$0x0], $0xffff  }
0xa6: {  	v17 =	vmin.f32 v17, $5.000000000e+01;
	v21 =	vtrunc.f32 v21;
	v19 =	vmax.f32 v19, $-5.000000000e+01;
	v34 =	vld.idx.msk [tilespmem:v24+s16+$0x0], $0xffff  }
0xa7: {  	v32 =	vcvt.f32.s32 v21;
	v21 =	vsub.f32 v39, v8;
	v38 =	vmin.f32 v19, $5.000000000e+01;
	v39 =	vld.idx.msk [tilespmem:v23+s15+$0x0], $0xffff  }
0xa8: {  	v43 =	vsub.f32 v15, v8;
	v15 =	vtrunc.f32 v17;
	v29 =	vadd.f32 v29, v35;
	v17 =	vld.idx.msk [tilespmem:v14+s16+$0x0], $0xffff  }
0xa9: {  	v15 =	vcvt.f32.s32 v15;
	v35 =	vmax.f32 v21, $-5.000000000e+01;
	v21 =	vtrunc.f32 v31;
	v19 =	vld.idx.msk [tilespmem:v10+s15+$0x0], $0xffff  }
0xaa: {  	v22 =	vmin.f32 v22, $5.000000000e+01;
	v31 =	vsub.f32 v36, v8;
	v25 =	vadd.f32 v25, v29  }
0xab: {  	v28 =	vmin.f32 v28, $5.000000000e+01;
	v29 =	vadd.f32 v37, v41;
	v27 =	vsub.f32 v27, v7  }
0xac: {  	v36 =	vtrunc.f32 v22;
	v31 =	vmax.f32 v31, $-5.000000000e+01  }
0xad: {  	v22 =	vtrunc.f32 v28;
	v37 =	vmax.f32 v43, $-5.000000000e+01;
	v27 =	vmax.f32 v27, $-5.000000000e+01;
	v41 =	vld.idx.msk [tilespmem:v26+s15+$0x0], $0xffff  }
0xae: {  	v28 =	vmin.f32 v35, $5.000000000e+01;
	v22 =	vcvt.f32.s32 v22;
	v35 =	vld.idx.msk [tilespmem:v20+s19+$0x0], $0xffff;
	v20 =	vtrunc.f32 v38  }
0xaf: {  	v31 =	vmin.f32 v31, $5.000000000e+01;
	v29 =	vadd.f32 v39, v29;
	v38 =	vmul.u32 $0x65, v32;
	v39 =	vld.idx.msk [tilespmem:v10+s16+$0x0], $0xffff  }
0xb0: {  	v43 =	vtrunc.f32 v28;
	v22 =	vmul.u32 $0x65, v22;
	v28 =	vmin.f32 v27, $5.000000000e+01;
	v27 =	vld.idx.msk [tilespmem:v33+s17+$0x0], $0xffff  }
0xb1: {  	v32 =	vmin.f32 v37, $5.000000000e+01;
	v37 =	vtrunc.f32 v31;
	v33 =	vtrunc.f32 v28;
	v28 =	vld.idx.msk [tilespmem:v24+s17+$0x0], $0xffff  }
.Ltmp1:
0xb2: {  	v31 =	vtrunc.f32 v32;
	v32 =	vcvt.f32.s32 v33;
	v33 =	vadd.f32 v30, v25;
	(pc) =	sbr.rel @p0 .LBB2_4-.Ltmp1, $4  }
0xb3: {  	v44 =	vcvt.f32.s32 v31;
	v25 =	vcvt.f32.s32 v36;
	v30 =	vadd.f32 v41, v29;
	v31 =	vld.idx.msk [tilespmem:v24+s15+$0x0], $0xffff  }
0xb4: {  	v37 =	vcvt.f32.s32 v37;
	v41 =	vmul.u32 $0x65, v32;
	v34 =	vadd.f32 v34, v33;
	v32 =	vld.idx.msk [tilespmem:v23+s17+$0x0], $0xffff  }
0xb5: {  	v29 =	vcvt.f32.s32 v43;
	v36 =	vsub.f32 v35, v7;
	v24 =	vadd.s32 v42, v40;
	v23 =	vld.idx.msk [tilespmem:v26+s17+$0x0], $0xffff  }
0xb6: {  	s26 =	sadd.s32 $0x8, s26;
	v35 =	vadd.s32 v38, v44;
	v33 =	vadd.s32 v41, v37;
	v34 =	vadd.f32 v39, v34;
	v26 =	vld.idx.msk [tilespmem:v9+s17+$0x0], $0xffff  }
0xb7: {  	_ =	sdelay $0x2  }
0xb8: {  	v7 =	vmax.f32 v36, $-5.000000000e+01;
	v8 =	vadd.s32 $0x13EC, v35;
	v12 =	vmin.f32 v12, $5.000000000e+01  }
0xb9: {  	v9 =	vld.idx.msk [tilespmem:v9+s15+$0x0], $0xffff;
	v21 =	vcvt.f32.s32 v21;
	v33 =	vadd.s32 $0x13EC, v33;
	v22 =	vadd.s32 v22, v29  }
0xba: {  	v51 =	vld.idx.msk [tilespmem:v14+s17+$0x0], $0xffff;
	v18 =	vadd.f32 v27, v18;
	v20 =	vcvt.f32.s32 v20;
	v12 =	vtrunc.f32 v12  }
0xbb: {  	v14 =	vld.idx.msk [tilespmem:v14+s15+$0x0], $0xffff;
	v13 =	vmin.f32 v13, $5.000000000e+01;
	v12 =	vcvt.f32.s32 v12;
	v21 =	vmul.u32 $0x65, v21  }
0xbc: {  	v10 =	vld.idx.msk [tilespmem:v10+s17+$0x0], $0xffff;
	v11 =	vmin.f32 v11, $5.000000000e+01;
	v7 =	vmin.f32 v7, $5.000000000e+01;
	v22 =	vadd.s32 $0x13EC, v22  }
0xbd: {  	v13 =	vtrunc.f32 v13;
	v18 =	vadd.f32 v32, v18;
	v12 =	vadd.s32 v21, v12;
	v21 =	vld.idx.msk [tilespmem:v8+s15+$0x0], $0xffff  }
0xbe: {  	v16 =	vadd.f32 v16, v34;
	v11 =	vtrunc.f32 v11;
	v7 =	vtrunc.f32 v7;
	v27 =	vld.idx.msk [tilespmem:v8+s16+$0x0], $0xffff  }
0xbf: {  	v7 =	vcvt.f32.s32 v7;
	v18 =	vadd.f32 v23, v18;
	v23 =	vadd.s32 $0x13EC, v24;
	v8 =	vld.idx.msk [tilespmem:v8+s17+$0x0], $0xffff  }
0xc0: {  	v20 =	vmul.u32 $0x65, v20;
	v16 =	vadd.f32 v17, v16;
	v24 =	vadd.f32 v31, v30;
	v17 =	vld.idx.msk [tilespmem:v33+s17+$0x0], $0xffff  }
0xc1: {  	v13 =	vcvt.f32.s32 v13;
	v7 =	vmul.u32 $0x65, v7;
	v12 =	vadd.s32 $0x13EC, v12;
	v29 =	vld.idx.msk [tilespmem:v22+s15+$0x0], $0xffff  }
0xc2: {  	v20 =	vadd.s32 v20, v25;
	v18 =	vadd.f32 v28, v18;
	v25 =	vld.idx.msk [tilespmem:v22+s16+$0x0], $0xffff;
	v19 =	vadd.f32 v19, v24  }
0xc3: {  	v11 =	vcvt.f32.s32 v11;
	v13 =	vmul.u32 $0x65, v13;
	v7 =	vadd.s32 v7, v15;
	v15 =	vld.idx.msk [tilespmem:v33+s16+$0x0], $0xffff  }
0xc4: {  	v7 =	vadd.s32 $0x13EC, v7;
	v10 =	vadd.f32 v10, v18;
	v9 =	vadd.f32 v9, v19;
	v19 =	vld.idx.msk [tilespmem:v23+s16+$0x0], $0xffff  }
0xc5: {  	v11 =	vadd.s32 v13, v11;
	v13 =	vld.idx.msk [tilespmem:v23+s17+$0x0], $0xffff  }
0xc6: {  	v24 =	vld.idx.msk [tilespmem:v12+s16+$0x0], $0xffff;
	v10 =	vadd.f32 v26, v10  }
0xc7: {  	v20 =	vadd.s32 $0x13EC, v20;
	v9 =	vadd.f32 v14, v9;
	v14 =	vld.idx.msk [tilespmem:v22+s17+$0x0], $0xffff  }
0xc8: {  	v26 =	vld.idx.msk [tilespmem:v33+s15+$0x0], $0xffff;
	v10 =	vadd.f32 v51, v10  }
0xc9: {  	v18 =	vld.idx.msk [tilespmem:v7+s16+$0x0], $0xffff  }
0xca: {  	v9 =	vadd.f32 v21, v9;
	v8 =	vadd.f32 v8, v10;
	v10 =	vld.idx.msk [tilespmem:v7+s15+$0x0], $0xffff  }
0xcb: {  	v16 =	vadd.f32 v27, v16;
	v7 =	vld.idx.msk [tilespmem:v7+s17+$0x0], $0xffff  }
0xcc: {  	v22 =	vld.idx.msk [tilespmem:v20+s15+$0x0], $0xffff;
	v9 =	vadd.f32 v29, v9;
	v8 =	vadd.f32 v14, v8  }
0xcd: {  	v11 =	vadd.s32 $0x13EC, v11;
	v14 =	vadd.f32 v25, v16;
	v16 =	vld.idx.msk [tilespmem:v23+s15+$0x0], $0xffff  }
0xce: {  	v21 =	vld.idx.msk [tilespmem:v20+s16+$0x0], $0xffff;
	v9 =	vadd.f32 v26, v9;
	v8 =	vadd.f32 v17, v8  }
0xcf: {  	v14 =	vadd.f32 v15, v14;
	v15 =	vld.idx.msk [tilespmem:v20+s17+$0x0], $0xffff  }
0xd0: {  	v9 =	vadd.f32 v10, v9;
	v10 =	vld.idx.msk [tilespmem:v12+s17+$0x0], $0xffff;
	v7 =	vadd.f32 v7, v8  }
0xd1: {  	v12 =	vld.idx.msk [tilespmem:v12+s15+$0x0], $0xffff;
	v8 =	vadd.f32 v18, v14  }
0xd2: {  	v14 =	vld.idx.msk [tilespmem:v11+s17+$0x0], $0xffff;
	v9 =	vadd.f32 v16, v9;
	v7 =	vadd.f32 v13, v7  }
0xd3: {  	v8 =	vadd.f32 v19, v8;
	v13 =	vld.idx.msk [tilespmem:v11+s15+$0x0], $0xffff  }
0xd4: {  	v11 =	vld.idx.msk [tilespmem:v11+s16+$0x0], $0xffff;
	v9 =	vadd.f32 v22, v9;
	v7 =	vadd.f32 v15, v7  }
0xd5: {  	v8 =	vadd.f32 v21, v8  }
0xd6: {  	v9 =	vadd.f32 v12, v9;
	v7 =	vadd.f32 v10, v7  }
0xd7: {  	v8 =	vadd.f32 v24, v8  }
0xd8: {  	v9 =	vadd.f32 v13, v9;
	v7 =	vadd.f32 v14, v7  }
0xd9: {  	s25 =	simm.s32 $0x4;
	v8 =	vadd.f32 v11, v8  }
0xda: {  	v10 =	vmov s25;
	v11 =	vimm.f32 $0.0e+00;
	[tilespmem:$0xD800] =	vst v9;
	vm0 =	vge.f32 v7, $1.000000000e+01  }
0xdb: {  	v12 =	vor.u32 $0x2, v10;
	[tilespmem:$0xD880] =	vst v8;
	v7 =	vsel vm0, $0x3F800000, v11  }
0xdc: {  	[tilespmem:$0xD900] =	vst v7  }
0xdd: {  	s30 =	simm.s32 $0x0;
	v7 =	vld.idx.msk [tilespmem:v2+s18+$0x0], $0xffff  }
0xde: {  	v13 =	vmov s30;
	v8 =	vld.idx.msk [tilespmem:v3+s18+$0x0], $0xffff  }
0xdf: {  	v16 =	vor.u32 $0x3, v10;
	v15 =	vld.idx.msk [tilespmem:v10+s19+$0x0], $0xffff  }
0xe0: {  	v17 =	vld.idx.msk [tilespmem:v12+s20+$0x0], $0xffff  }
0xe1: {  	v18 =	vor.u32 $0x3, v13;
	v12 =	vld.idx.msk [tilespmem:v12+s19+$0x0], $0xffff  }
0xe2: {  	v19 =	vor.u32 $0x1, v13;
	v9 =	vor.u32 $0x1, v10;
	v10 =	vld.idx.msk [tilespmem:v10+s20+$0x0], $0xffff  }
0xe3: {  	v20 =	vld.idx.msk [tilespmem:v13+s19+$0x0], $0xffff  }
0xe4: {  	v21 =	vld.idx.msk [tilespmem:v16+s20+$0x0], $0xffff  }
0xe5: {  	v22 =	vor.u32 $0x2, v13;
	v16 =	vld.idx.msk [tilespmem:v16+s19+$0x0], $0xffff  }
0xe6: {  	v23 =	vld.idx.msk [tilespmem:v18+s20+$0x0], $0xffff  }
0xe7: {  	v24 =	vld.idx.msk [tilespmem:v19+s19+$0x0], $0xffff  }
0xe8: {  	v19 =	vld.idx.msk [tilespmem:v19+s20+$0x0], $0xffff  }
0xe9: {  	v13 =	vld.idx.msk [tilespmem:v13+s20+$0x0], $0xffff  }
0xea: {  	v25 =	vld.idx.msk [tilespmem:v22+s20+$0x0], $0xffff  }
0xeb: {  	v22 =	vld.idx.msk [tilespmem:v22+s19+$0x0], $0xffff;
	v15 =	vsub.f32 v15, v7  }
0xec: {  	v18 =	vld.idx.msk [tilespmem:v18+s19+$0x0], $0xffff;
	v17 =	vsub.f32 v17, v8;
	v12 =	vsub.f32 v12, v7  }
0xed: {  	v14 =	vld.idx.msk [tilespmem:v9+s20+$0x0], $0xffff;
	v10 =	vsub.f32 v10, v8;
	v20 =	vsub.f32 v20, v7  }
0xee: {  	v9 =	vld.idx.msk [tilespmem:v9+s19+$0x0], $0xffff;
	v21 =	vsub.f32 v21, v8;
	v16 =	vsub.f32 v16, v7  }
0xef: {  	v23 =	vsub.f32 v23, v8;
	v24 =	vsub.f32 v24, v7  }
0xf0: {  	v19 =	vsub.f32 v19, v8;
	v13 =	vsub.f32 v13, v8  }
0xf1: {  	v25 =	vsub.f32 v25, v8;
	v22 =	vsub.f32 v22, v7  }
0xf2: {  	v18 =	vsub.f32 v18, v7;
	v14 =	vsub.f32 v14, v8  }
0xf3: {  	v9 =	vsub.f32 v9, v7;
	v15 =	vmax.f32 v15, $-5.000000000e+01;
	v17 =	vmax.f32 v17, $-5.000000000e+01  }
0xf4: {  	v12 =	vmax.f32 v12, $-5.000000000e+01;
	v10 =	vmax.f32 v10, $-5.000000000e+01;
	v20 =	vmax.f32 v20, $-5.000000000e+01  }
0xf5: {  	v16 =	vmax.f32 v16, $-5.000000000e+01;
	v23 =	vmax.f32 v23, $-5.000000000e+01;
	v24 =	vmax.f32 v24, $-5.000000000e+01  }
0xf6: {  	v19 =	vmax.f32 v19, $-5.000000000e+01;
	v25 =	vmax.f32 v25, $-5.000000000e+01;
	v13 =	vmax.f32 v13, $-5.000000000e+01  }
0xf7: {  	v22 =	vmax.f32 v22, $-5.000000000e+01;
	v21 =	vmax.f32 v21, $-5.000000000e+01;
	v18 =	vmax.f32 v18, $-5.000000000e+01  }
0xf8: {  	v14 =	vmax.f32 v14, $-5.000000000e+01;
	v15 =	vmin.f32 v15, $5.000000000e+01;
	v12 =	vmin.f32 v12, $5.000000000e+01  }
0xf9: {  	v10 =	vmin.f32 v10, $5.000000000e+01;
	v20 =	vmin.f32 v20, $5.000000000e+01;
	v23 =	vmin.f32 v23, $5.000000000e+01  }
0xfa: {  	v9 =	vmax.f32 v9, $-5.000000000e+01;
	v25 =	vmin.f32 v25, $5.000000000e+01;
	v15 =	vtrunc.f32 v15  }
0xfb: {  	v22 =	vmin.f32 v22, $5.000000000e+01;
	v10 =	vtrunc.f32 v10;
	v20 =	vtrunc.f32 v20  }
0xfc: {  	v13 =	vmin.f32 v13, $5.000000000e+01;
	v23 =	vtrunc.f32 v23;
	v12 =	vtrunc.f32 v12  }
0xfd: {  	v18 =	vmin.f32 v18, $5.000000000e+01;
	v22 =	vtrunc.f32 v22;
	v25 =	vtrunc.f32 v25  }
0xfe: {  	v17 =	vmin.f32 v17, $5.000000000e+01;
	v13 =	vtrunc.f32 v13;
	v18 =	vtrunc.f32 v18  }
0xff: {  	v16 =	vmin.f32 v16, $5.000000000e+01;
	v17 =	vtrunc.f32 v17;
	v15 =	vcvt.f32.s32 v15  }
0x100: {  	v14 =	vmin.f32 v14, $5.000000000e+01;
	v10 =	vcvt.f32.s32 v10;
	v20 =	vcvt.f32.s32 v20  }
0x101: {  	v9 =	vmin.f32 v9, $5.000000000e+01;
	v23 =	vcvt.f32.s32 v23;
	v14 =	vtrunc.f32 v14  }
0x102: {  	v21 =	vmin.f32 v21, $5.000000000e+01;
	v9 =	vtrunc.f32 v9;
	v22 =	vcvt.f32.s32 v22  }
0x103: {  	v13 =	vcvt.f32.s32 v13;
	v25 =	vcvt.f32.s32 v25;
	v15 =	vmul.u32 $0x65, v15  }
0x104: {  	s31 =	simm.s32 $0xC;
	v12 =	vcvt.f32.s32 v12;
	v18 =	vcvt.f32.s32 v18;
	v20 =	vmul.u32 $0x65, v20  }
0x105: {  	v22 =	vmul.u32 $0x65, v22;
	v10 =	vadd.s32 v15, v10;
	v15 =	vmov s31  }
0x106: {  	s26 =	simm.s32 $0x8;
	v17 =	vcvt.f32.s32 v17;
	v14 =	vcvt.f32.s32 v14;
	v18 =	vmul.u32 $0x65, v18  }
0x107: {  	v13 =	vadd.s32 v20, v13;
	v20 =	vadd.s32 v22, v25;
	v22 =	vmov s26  }
0x108: {  	v9 =	vcvt.f32.s32 v9;
	v12 =	vmul.u32 $0x65, v12;
	v18 =	vadd.s32 v18, v23  }
0x109: {  	v25 =	vor.u32 $0x1, v15;
	v26 =	vor.u32 $0x1, v22;
	v27 =	vor.u32 $0x2, v15  }
0x10a: {  	v13 =	vadd.s32 $0x13EC, v13;
	v52 =	vadd.s32 $0x13EC, v20;
	v53 =	vadd.s32 $0x13EC, v10;
	v20 =	vld.idx.msk [tilespmem:v15+s19+$0x0], $0xffff  }
0x10b: {  	v54 =	vor.u32 $0x3, v15;
	v10 =	vadd.s32 v12, v17;
	v17 =	vmul.u32 $0x65, v9;
	v15 =	vld.idx.msk [tilespmem:v15+s20+$0x0], $0xffff  }
0x10c: {  	v23 =	vadd.s32 $0x13EC, v18;
	v9 =	vadd.s32 $0x13EC, v10;
	v10 =	vtrunc.f32 v16;
	v18 =	vld.idx.msk [tilespmem:v22+s19+$0x0], $0xffff  }
0x10d: {  	v28 =	vor.u32 $0x2, v22;
	v29 =	vor.u32 $0x3, v22;
	v10 =	vcvt.f32.s32 v10;
	v22 =	vld.idx.msk [tilespmem:v22+s20+$0x0], $0xffff  }
0x10e: {  	v24 =	vmin.f32 v24, $5.000000000e+01;
	v14 =	vadd.s32 v17, v14;
	v17 =	vtrunc.f32 v21;
	v30 =	vld.idx.msk [tilespmem:v25+s20+$0x0], $0xffff  }
0x10f: {  	v24 =	vtrunc.f32 v24;
	v17 =	vcvt.f32.s32 v17;
	v21 =	vmul.u32 $0x65, v10;
	v31 =	vld.idx.msk [tilespmem:v27+s20+$0x0], $0xffff  }
0x110: {  	v19 =	vmin.f32 v19, $5.000000000e+01;
	v24 =	vcvt.f32.s32 v24;
	v12 =	vld.idx.msk [tilespmem:v27+s19+$0x0], $0xffff  }
0x111: {  	v19 =	vtrunc.f32 v19;
	v17 =	vadd.s32 v21, v17;
	v21 =	vld.idx.msk [tilespmem:v13+s16+$0x0], $0xffff  }
0x112: {  	v19 =	vcvt.f32.s32 v19;
	v24 =	vmul.u32 $0x65, v24  }
0x113: {  	v10 =	vadd.s32 $0x13EC, v14;
	v16 =	vld.idx.msk [tilespmem:v13+s15+$0x0], $0xffff;
	v14 =	vsub.f32 v20, v7;
	v15 =	vsub.f32 v15, v8  }
0x114: {  	v19 =	vadd.s32 v24, v19;
	v56 =	vld.idx.msk [tilespmem:v13+s17+$0x0], $0xffff;
	v18 =	vsub.f32 v18, v7;
	v22 =	vsub.f32 v22, v8  }
0x115: {  	v20 =	vld.idx.msk [tilespmem:v54+s20+$0x0], $0xffff;
	v27 =	vsub.f32 v30, v8;
	v24 =	vsub.f32 v31, v8;
	v31 =	vadd.s32 $0x13EC, v19  }
0x116: {  	v30 =	vld.idx.msk [tilespmem:v29+s20+$0x0], $0xffff;
	v55 =	vsub.f32 v12, v7;
	v14 =	vmax.f32 v14, $-5.000000000e+01;
	v21 =	vadd.f32 v21, v11  }
0x117: {  	v41 =	vmax.f32 v22, $-5.000000000e+01;
	v19 =	vmax.f32 v27, $-5.000000000e+01;
	v27 =	vld.idx.msk [tilespmem:v54+s19+$0x0], $0xffff;
	v12 =	vmax.f32 v24, $-5.000000000e+01  }
0x118: {  	v24 =	vadd.f32 v16, v11;
	v16 =	vld.idx.msk [tilespmem:v26+s19+$0x0], $0xffff;
	v14 =	vmin.f32 v14, $5.000000000e+01;
	v34 =	vmax.f32 v55, $-5.000000000e+01  }
0x119: {  	v26 =	vld.idx.msk [tilespmem:v26+s20+$0x0], $0xffff;
	v13 =	vtrunc.f32 v14;
	v34 =	vmin.f32 v34, $5.000000000e+01;
	v14 =	vmax.f32 v15, $-5.000000000e+01  }
0x11a: {  	v15 =	vld.idx.msk [tilespmem:v25+s19+$0x0], $0xffff;
	v19 =	vmin.f32 v19, $5.000000000e+01;
	v25 =	vcvt.f32.s32 v13;
	v20 =	vsub.f32 v20, v8  }
0x11b: {  	v13 =	vmin.f32 v14, $5.000000000e+01;
	v14 =	vadd.s32 $0x13EC, v17;
	v17 =	vmax.f32 v18, $-5.000000000e+01  }
0x11c: {  	v57 =	vld.idx.msk [tilespmem:v52+s16+$0x0], $0xffff;
	v18 =	vadd.f32 v56, v11;
	v13 =	vtrunc.f32 v13;
	v30 =	vsub.f32 v30, v8  }
0x11d: {  	v40 =	vld.idx.msk [tilespmem:v23+s16+$0x0], $0xffff;
	v17 =	vmin.f32 v17, $5.000000000e+01;
	v37 =	vcvt.f32.s32 v13;
	v38 =	vmul.u32 $0x65, v25  }
0x11e: {  	v59 =	vld.idx.msk [tilespmem:v53+s16+$0x0], $0xffff;
	v11 =	vmax.f32 v20, $-5.000000000e+01;
	v27 =	vsub.f32 v27, v7;
	v16 =	vsub.f32 v16, v7  }
0x11f: {  	v25 =	vmax.f32 v30, $-5.000000000e+01;
	v30 =	vld.idx.msk [tilespmem:v28+s20+$0x0], $0xffff;
	v26 =	vsub.f32 v26, v8;
	v15 =	vsub.f32 v15, v7  }
0x120: {  	v28 =	vld.idx.msk [tilespmem:v28+s19+$0x0], $0xffff;
	v13 =	vmax.f32 v27, $-5.000000000e+01;
	v20 =	vmax.f32 v16, $-5.000000000e+01;
	v16 =	vtrunc.f32 v17  }
0x121: {  	v27 =	vld.idx.msk [tilespmem:v31+s16+$0x0], $0xffff;
	v17 =	vmin.f32 v25, $5.000000000e+01;
	v26 =	vmax.f32 v26, $-5.000000000e+01;
	v15 =	vmax.f32 v15, $-5.000000000e+01  }
0x122: {  	v25 =	vld.idx.msk [tilespmem:v31+s15+$0x0], $0xffff;
	v58 =	vcvt.f32.s32 v16;
	v20 =	vmin.f32 v20, $5.000000000e+01;
	v22 =	vmin.f32 v26, $5.000000000e+01  }
0x123: {  	v42 =	vld.idx.msk [tilespmem:v23+s15+$0x0], $0xffff;
	v39 =	vmin.f32 v15, $5.000000000e+01;
	v15 =	vtrunc.f32 v17;
	v20 =	vtrunc.f32 v20  }
0x124: {  	v60 =	vld.idx.msk [tilespmem:v29+s19+$0x0], $0xffff;
	v29 =	vtrunc.f32 v22;
	v15 =	vcvt.f32.s32 v15;
	v30 =	vsub.f32 v30, v8  }
0x125: {  	v32 =	vld.idx.msk [tilespmem:v52+s17+$0x0], $0xffff;
	v28 =	vsub.f32 v28, v7;
	v26 =	vcvt.f32.s32 v20;
	v20 =	vtrunc.f32 v39  }
0x126: {  	v29 =	vcvt.f32.s32 v29;
	v17 =	vadd.f32 v27, v21;
	v27 =	vld.idx.msk [tilespmem:v52+s15+$0x0], $0xffff;
	v21 =	vtrunc.f32 v34  }
0x127: {  	v23 =	vld.idx.msk [tilespmem:v23+s17+$0x0], $0xffff;
	v24 =	vadd.f32 v25, v24;
	v25 =	vmax.f32 v30, $-5.000000000e+01;
	v28 =	vmax.f32 v28, $-5.000000000e+01  }
0x128: {  	v43 =	vld.idx.msk [tilespmem:v10+s16+$0x0], $0xffff;
	v30 =	vtrunc.f32 v19;
	v22 =	vmul.u32 $0x65, v26;
	v26 =	vmin.f32 v28, $5.000000000e+01  }
0x129: {  	v16 =	vld.idx.msk [tilespmem:v9+s16+$0x0], $0xffff;
	v25 =	vmin.f32 v25, $5.000000000e+01;
	v36 =	vadd.f32 v57, v17;
	v26 =	vtrunc.f32 v26  }
0x12a: {  	v35 =	vmul.u32 $0x65, v58;
	v19 =	vld.idx.msk [tilespmem:v10+s15+$0x0], $0xffff;
	v61 =	vtrunc.f32 v25;
	v26 =	vcvt.f32.s32 v26  }
0x12b: {  	v36 =	vadd.f32 v40, v36;
	v24 =	vadd.f32 v27, v24;
	v27 =	vld.idx.msk [tilespmem:v31+s17+$0x0], $0xffff;
	v31 =	vmin.f32 v41, $5.000000000e+01  }
0x12c: {  	v28 =	vld.idx.msk [tilespmem:v53+s17+$0x0], $0xffff;
	v63 =	vcvt.f32.s32 v61;
	v26 =	vmul.u32 $0x65, v26;
	v25 =	vtrunc.f32 v31  }
0x12d: {  	v17 =	vld.idx.msk [tilespmem:v14+s16+$0x0], $0xffff;
	v34 =	vadd.f32 v59, v36;
	v36 =	vsub.f32 v60, v7;
	v62 =	vcvt.f32.s32 v25  }
0x12e: {  	v31 =	vld.idx.msk [tilespmem:v53+s15+$0x0], $0xffff;
	v25 =	vcvt.f32.s32 v30;
	v30 =	vadd.f32 v42, v24;
	v24 =	vadd.s32 v38, v37  }
0x12f: {  	s25 =	simm.s32 $0x2;
	s26 =	simm.s32 $0x14;
	v33 =	vadd.s32 v26, v63;
	v26 =	vld.idx.msk [tilespmem:v9+s17+$0x0], $0xffff;
	v34 =	vadd.f32 v43, v34;
	v35 =	vadd.s32 v35, v62  }
.LBB2_6:
0x130: {  	s28 =	sadd.s32 $0xFFFFFFFC, s26;
	v37 =	vmov s26;
	s25 =	sadd.s32 $0x2, s25;
	v36 =	vmax.f32 v36, $-5.000000000e+01;
	v18 =	vadd.f32 v27, v18;
	v9 =	vld.idx.msk [tilespmem:v9+s15+$0x0], $0xffff  }
0x131: {  	v38 =	vmov s28;
	v39 =	vor.u32 $0x1, v37;
	p0 =	slt.u32 s25, $0x3FE;
	v16 =	vadd.f32 v16, v34;
	v34 =	vld.idx.msk [tilespmem:v14+s17+$0x0], $0xffff  }
0x132: {  	v41 =	vcvt.f32.s32 v20;
	v40 =	vor.u32 $0x1, v38;
	v27 =	vor.u32 $0x2, v38;
	v14 =	vld.idx.msk [tilespmem:v14+s15+$0x0], $0xffff  }
0x133: {  	v36 =	vmin.f32 v36, $5.000000000e+01;
	v20 =	vor.u32 $0x3, v38;
	v18 =	vadd.f32 v32, v18;
	v10 =	vld.idx.msk [tilespmem:v10+s17+$0x0], $0xffff  }
0x134: {  	v30 =	vadd.f32 v31, v30;
	v32 =	vtrunc.f32 v36;
	v16 =	vadd.f32 v17, v16  }
0x135: {  	v12 =	vmin.f32 v12, $5.000000000e+01;
	v17 =	vor.u32 $0x2, v37;
	v18 =	vadd.f32 v23, v18  }
0x136: {  	v13 =	vmin.f32 v13, $5.000000000e+01;
	v19 =	vadd.f32 v19, v30;
	v23 =	vcvt.f32.s32 v32;
	v31 =	vld.idx.msk [tilespmem:v38+s19+$0x0], $0xffff  }
0x137: {  	v21 =	vcvt.f32.s32 v21;
	v32 =	vadd.s32 $0x13EC, v35;
	v18 =	vadd.f32 v28, v18;
	v30 =	vld.idx.msk [tilespmem:v39+s20+$0x0], $0xffff  }
0x138: {  	v12 =	vtrunc.f32 v12;
	v9 =	vadd.f32 v9, v19;
	v35 =	vmul.u32 $0x65, v23;
	v28 =	vld.idx.msk [tilespmem:v40+s19+$0x0], $0xffff  }
0x139: {  	v12 =	vcvt.f32.s32 v12;
	v21 =	vmul.u32 $0x65, v21;
	v10 =	vadd.f32 v10, v18;
	v19 =	vld.idx.msk [tilespmem:v20+s20+$0x0], $0xffff  }
0x13a: {  	v24 =	vadd.s32 $0x13EC, v24;
	v23 =	vadd.s32 $0x13EC, v33;
	v14 =	vadd.f32 v14, v9;
	v18 =	vld.idx.msk [tilespmem:v17+s20+$0x0], $0xffff  }
0x13b: {  	v36 =	vor.u32 $0x3, v37;
	v9 =	vadd.s32 v21, v12;
	v10 =	vadd.f32 v26, v10;
	v33 =	vld.idx.msk [tilespmem:v37+s19+$0x0], $0xffff  }
0x13c: {  	v13 =	vtrunc.f32 v13;
	v9 =	vadd.s32 $0x13EC, v9;
	v12 =	vld.idx.msk [tilespmem:v17+s19+$0x0], $0xffff;
	v17 =	vmul.u32 $0x65, v41  }
0x13d: {  	v11 =	vmin.f32 v11, $5.000000000e+01;
	v13 =	vcvt.f32.s32 v13;
	v34 =	vadd.f32 v34, v10;
	v21 =	vld.idx.msk [tilespmem:v32+s15+$0x0], $0xffff  }
0x13e: {  	v11 =	vtrunc.f32 v11;
	v10 =	vadd.s32 v35, v15;
	v37 =	vld.idx.msk [tilespmem:v37+s20+$0x0], $0xffff;
	v15 =	vadd.s32 v17, v25  }
0x13f: {  	v11 =	vcvt.f32.s32 v11;
	v13 =	vmul.u32 $0x65, v13;
	v26 =	vadd.s32 $0x13EC, v10;
	v25 =	vld.idx.msk [tilespmem:v23+s16+$0x0], $0xffff  }
0x140: {  	v22 =	vadd.s32 v22, v29;
	v17 =	vsub.f32 v30, v8;
	v10 =	vadd.s32 $0x13EC, v15;
	v30 =	vld.idx.msk [tilespmem:v36+s20+$0x0], $0xffff  }
0x141: {  	v18 =	vsub.f32 v18, v8;
	v15 =	vsub.f32 v33, v7;
	v33 =	vadd.s32 $0x13EC, v22;
	v29 =	vld.idx.msk [tilespmem:v36+s19+$0x0], $0xffff  }
0x142: {  	v11 =	vadd.s32 v13, v11;
	v22 =	vmax.f32 v17, $-5.000000000e+01;
	v17 =	vsub.f32 v12, v7;
	v35 =	vld.idx.msk [tilespmem:v32+s16+$0x0], $0xffff  }
0x143: {  	v12 =	vmax.f32 v18, $-5.000000000e+01;
	v13 =	vmax.f32 v15, $-5.000000000e+01;
	v41 =	vadd.f32 v21, v14;
	v36 =	vld.idx.msk [tilespmem:v27+s20+$0x0], $0xffff  }
0x144: {  	v13 =	vmin.f32 v13, $5.000000000e+01;
	v14 =	vsub.f32 v37, v8;
	v15 =	vmax.f32 v17, $-5.000000000e+01;
	v17 =	vld.idx.msk [tilespmem:v32+s17+$0x0], $0xffff  }
0x145: {  	v18 =	vsub.f32 v31, v7;
	v13 =	vtrunc.f32 v13;
	v31 =	vmin.f32 v15, $5.000000000e+01;
	v21 =	vld.idx.msk [tilespmem:v39+s19+$0x0], $0xffff  }
0x146: {  	v14 =	vmax.f32 v14, $-5.000000000e+01;
	v32 =	vcvt.f32.s32 v13;
	v30 =	vsub.f32 v30, v8;
	v15 =	vld.idx.msk [tilespmem:v38+s20+$0x0], $0xffff  }
0x147: {  	v13 =	vmin.f32 v14, $5.000000000e+01;
	v29 =	vsub.f32 v29, v7;
	v14 =	vadd.s32 $0x13EC, v11;
	v37 =	vld.idx.msk [tilespmem:v33+s15+$0x0], $0xffff  }
0x148: {  	v38 =	vmax.f32 v18, $-5.000000000e+01;
	v11 =	vtrunc.f32 v13;
	v35 =	vadd.f32 v35, v16;
	v39 =	vld.idx.msk [tilespmem:v40+s20+$0x0], $0xffff  }
0x149: {  	v19 =	vsub.f32 v19, v8;
	v40 =	vcvt.f32.s32 v11;
	v13 =	vmax.f32 v29, $-5.000000000e+01;
	v29 =	vld.idx.msk [tilespmem:v33+s16+$0x0], $0xffff  }
0x14a: {  	v28 =	vsub.f32 v28, v7;
	v42 =	vmul.u32 $0x65, v32;
	v18 =	vadd.f32 v17, v34;
	v16 =	vld.idx.msk [tilespmem:v9+s16+$0x0], $0xffff  }
0x14b: {  	v11 =	vmax.f32 v30, $-5.000000000e+01;
	v17 =	vmax.f32 v19, $-5.000000000e+01;
	v19 =	vsub.f32 v21, v7;
	v30 =	vld.idx.msk [tilespmem:v26+s16+$0x0], $0xffff  }
0x14c: {  	v28 =	vmax.f32 v28, $-5.000000000e+01;
	v21 =	vmin.f32 v38, $5.000000000e+01;
	v27 =	vld.idx.msk [tilespmem:v27+s19+$0x0], $0xffff  }
0x14d: {  	v17 =	vmin.f32 v17, $5.000000000e+01;
	v21 =	vtrunc.f32 v21;
	v19 =	vmax.f32 v19, $-5.000000000e+01;
	v34 =	vld.idx.msk [tilespmem:v24+s16+$0x0], $0xffff  }
0x14e: {  	v32 =	vcvt.f32.s32 v21;
	v21 =	vsub.f32 v39, v8;
	v38 =	vmin.f32 v19, $5.000000000e+01;
	v39 =	vld.idx.msk [tilespmem:v23+s15+$0x0], $0xffff  }
0x14f: {  	v43 =	vsub.f32 v15, v8;
	v15 =	vtrunc.f32 v17;
	v29 =	vadd.f32 v29, v35;
	v17 =	vld.idx.msk [tilespmem:v14+s16+$0x0], $0xffff  }
0x150: {  	v15 =	vcvt.f32.s32 v15;
	v35 =	vmax.f32 v21, $-5.000000000e+01;
	v21 =	vtrunc.f32 v31;
	v19 =	vld.idx.msk [tilespmem:v10+s15+$0x0], $0xffff  }
0x151: {  	v22 =	vmin.f32 v22, $5.000000000e+01;
	v31 =	vsub.f32 v36, v8;
	v25 =	vadd.f32 v25, v29  }
0x152: {  	v28 =	vmin.f32 v28, $5.000000000e+01;
	v29 =	vadd.f32 v37, v41;
	v27 =	vsub.f32 v27, v7  }
0x153: {  	v36 =	vtrunc.f32 v22;
	v31 =	vmax.f32 v31, $-5.000000000e+01  }
0x154: {  	v22 =	vtrunc.f32 v28;
	v37 =	vmax.f32 v43, $-5.000000000e+01;
	v27 =	vmax.f32 v27, $-5.000000000e+01;
	v41 =	vld.idx.msk [tilespmem:v26+s15+$0x0], $0xffff  }
0x155: {  	v28 =	vmin.f32 v35, $5.000000000e+01;
	v22 =	vcvt.f32.s32 v22;
	v35 =	vld.idx.msk [tilespmem:v20+s19+$0x0], $0xffff;
	v20 =	vtrunc.f32 v38  }
0x156: {  	v31 =	vmin.f32 v31, $5.000000000e+01;
	v29 =	vadd.f32 v39, v29;
	v38 =	vmul.u32 $0x65, v32;
	v39 =	vld.idx.msk [tilespmem:v10+s16+$0x0], $0xffff  }
0x157: {  	v43 =	vtrunc.f32 v28;
	v22 =	vmul.u32 $0x65, v22;
	v28 =	vmin.f32 v27, $5.000000000e+01;
	v27 =	vld.idx.msk [tilespmem:v33+s17+$0x0], $0xffff  }
0x158: {  	v32 =	vmin.f32 v37, $5.000000000e+01;
	v37 =	vtrunc.f32 v31;
	v33 =	vtrunc.f32 v28;
	v28 =	vld.idx.msk [tilespmem:v24+s17+$0x0], $0xffff  }
.Ltmp2:
0x159: {  	v31 =	vtrunc.f32 v32;
	v32 =	vcvt.f32.s32 v33;
	v33 =	vadd.f32 v30, v25;
	(pc) =	sbr.rel @p0 .LBB2_6-.Ltmp2, $4  }
0x15a: {  	v44 =	vcvt.f32.s32 v31;
	v25 =	vcvt.f32.s32 v36;
	v30 =	vadd.f32 v41, v29;
	v31 =	vld.idx.msk [tilespmem:v24+s15+$0x0], $0xffff  }
0x15b: {  	v37 =	vcvt.f32.s32 v37;
	v41 =	vmul.u32 $0x65, v32;
	v34 =	vadd.f32 v34, v33;
	v32 =	vld.idx.msk [tilespmem:v23+s17+$0x0], $0xffff  }
0x15c: {  	v29 =	vcvt.f32.s32 v43;
	v36 =	vsub.f32 v35, v7;
	v24 =	vadd.s32 v42, v40;
	v23 =	vld.idx.msk [tilespmem:v26+s17+$0x0], $0xffff  }
0x15d: {  	s26 =	sadd.s32 $0x8, s26;
	v35 =	vadd.s32 v38, v44;
	v33 =	vadd.s32 v41, v37;
	v34 =	vadd.f32 v39, v34;
	v26 =	vld.idx.msk [tilespmem:v9+s17+$0x0], $0xffff  }
0x15e: {  	_ =	sdelay $0x2  }
0x15f: {  	v7 =	vmax.f32 v36, $-5.000000000e+01;
	v8 =	vadd.s32 $0x13EC, v35;
	v12 =	vmin.f32 v12, $5.000000000e+01  }
0x160: {  	v9 =	vld.idx.msk [tilespmem:v9+s15+$0x0], $0xffff;
	v21 =	vcvt.f32.s32 v21;
	v33 =	vadd.s32 $0x13EC, v33;
	v22 =	vadd.s32 v22, v29  }
0x161: {  	v51 =	vld.idx.msk [tilespmem:v14+s17+$0x0], $0xffff;
	v18 =	vadd.f32 v27, v18;
	v20 =	vcvt.f32.s32 v20;
	v12 =	vtrunc.f32 v12  }
0x162: {  	v14 =	vld.idx.msk [tilespmem:v14+s15+$0x0], $0xffff;
	v13 =	vmin.f32 v13, $5.000000000e+01;
	v12 =	vcvt.f32.s32 v12;
	v21 =	vmul.u32 $0x65, v21  }
0x163: {  	v10 =	vld.idx.msk [tilespmem:v10+s17+$0x0], $0xffff;
	v11 =	vmin.f32 v11, $5.000000000e+01;
	v7 =	vmin.f32 v7, $5.000000000e+01;
	v22 =	vadd.s32 $0x13EC, v22  }
0x164: {  	v13 =	vtrunc.f32 v13;
	v18 =	vadd.f32 v32, v18;
	v12 =	vadd.s32 v21, v12;
	v21 =	vld.idx.msk [tilespmem:v8+s15+$0x0], $0xffff  }
0x165: {  	v16 =	vadd.f32 v16, v34;
	v11 =	vtrunc.f32 v11;
	v7 =	vtrunc.f32 v7;
	v27 =	vld.idx.msk [tilespmem:v8+s16+$0x0], $0xffff  }
0x166: {  	v7 =	vcvt.f32.s32 v7;
	v18 =	vadd.f32 v23, v18;
	v23 =	vadd.s32 $0x13EC, v24;
	v8 =	vld.idx.msk [tilespmem:v8+s17+$0x0], $0xffff  }
0x167: {  	v20 =	vmul.u32 $0x65, v20;
	v16 =	vadd.f32 v17, v16;
	v24 =	vadd.f32 v31, v30;
	v17 =	vld.idx.msk [tilespmem:v33+s17+$0x0], $0xffff  }
0x168: {  	v13 =	vcvt.f32.s32 v13;
	v7 =	vmul.u32 $0x65, v7;
	v12 =	vadd.s32 $0x13EC, v12;
	v29 =	vld.idx.msk [tilespmem:v22+s15+$0x0], $0xffff  }
0x169: {  	v20 =	vadd.s32 v20, v25;
	v18 =	vadd.f32 v28, v18;
	v25 =	vld.idx.msk [tilespmem:v22+s16+$0x0], $0xffff;
	v19 =	vadd.f32 v19, v24  }
0x16a: {  	v11 =	vcvt.f32.s32 v11;
	v13 =	vmul.u32 $0x65, v13;
	v7 =	vadd.s32 v7, v15;
	v15 =	vld.idx.msk [tilespmem:v33+s16+$0x0], $0xffff  }
0x16b: {  	v7 =	vadd.s32 $0x13EC, v7;
	v10 =	vadd.f32 v10, v18;
	v9 =	vadd.f32 v9, v19;
	v19 =	vld.idx.msk [tilespmem:v23+s16+$0x0], $0xffff  }
0x16c: {  	v11 =	vadd.s32 v13, v11;
	v13 =	vld.idx.msk [tilespmem:v23+s17+$0x0], $0xffff  }
0x16d: {  	v24 =	vld.idx.msk [tilespmem:v12+s16+$0x0], $0xffff;
	v10 =	vadd.f32 v26, v10  }
0x16e: {  	v20 =	vadd.s32 $0x13EC, v20;
	v9 =	vadd.f32 v14, v9;
	v14 =	vld.idx.msk [tilespmem:v22+s17+$0x0], $0xffff  }
0x16f: {  	v26 =	vld.idx.msk [tilespmem:v33+s15+$0x0], $0xffff;
	v10 =	vadd.f32 v51, v10  }
0x170: {  	v18 =	vld.idx.msk [tilespmem:v7+s16+$0x0], $0xffff  }
0x171: {  	v9 =	vadd.f32 v21, v9;
	v8 =	vadd.f32 v8, v10;
	v10 =	vld.idx.msk [tilespmem:v7+s15+$0x0], $0xffff  }
0x172: {  	v16 =	vadd.f32 v27, v16;
	v7 =	vld.idx.msk [tilespmem:v7+s17+$0x0], $0xffff  }
0x173: {  	v22 =	vld.idx.msk [tilespmem:v20+s15+$0x0], $0xffff;
	v9 =	vadd.f32 v29, v9;
	v8 =	vadd.f32 v14, v8  }
0x174: {  	v11 =	vadd.s32 $0x13EC, v11;
	v14 =	vadd.f32 v25, v16;
	v16 =	vld.idx.msk [tilespmem:v23+s15+$0x0], $0xffff  }
0x175: {  	v21 =	vld.idx.msk [tilespmem:v20+s16+$0x0], $0xffff;
	v9 =	vadd.f32 v26, v9;
	v8 =	vadd.f32 v17, v8  }
0x176: {  	v14 =	vadd.f32 v15, v14;
	v15 =	vld.idx.msk [tilespmem:v20+s17+$0x0], $0xffff  }
0x177: {  	v9 =	vadd.f32 v10, v9;
	v10 =	vld.idx.msk [tilespmem:v12+s17+$0x0], $0xffff;
	v7 =	vadd.f32 v7, v8  }
0x178: {  	v12 =	vld.idx.msk [tilespmem:v12+s15+$0x0], $0xffff;
	v8 =	vadd.f32 v18, v14  }
0x179: {  	v14 =	vld.idx.msk [tilespmem:v11+s17+$0x0], $0xffff;
	v9 =	vadd.f32 v16, v9;
	v7 =	vadd.f32 v13, v7  }
0x17a: {  	v8 =	vadd.f32 v19, v8;
	v13 =	vld.idx.msk [tilespmem:v11+s15+$0x0], $0xffff  }
0x17b: {  	v11 =	vld.idx.msk [tilespmem:v11+s16+$0x0], $0xffff;
	v9 =	vadd.f32 v22, v9;
	v7 =	vadd.f32 v15, v7  }
0x17c: {  	v8 =	vadd.f32 v21, v8  }
0x17d: {  	v9 =	vadd.f32 v12, v9;
	v7 =	vadd.f32 v10, v7  }
0x17e: {  	v8 =	vadd.f32 v24, v8  }
0x17f: {  	v9 =	vadd.f32 v13, v9;
	v7 =	vadd.f32 v14, v7  }
0x180: {  	s25 =	simm.s32 $0x4;
	v8 =	vadd.f32 v11, v8  }
0x181: {  	v10 =	vmov s25;
	v11 =	vimm.f32 $0.0e+00;
	[tilespmem:$0xD810] =	vst v9;
	vm0 =	vge.f32 v7, $1.000000000e+01  }
0x182: {  	v12 =	vor.u32 $0x2, v10;
	[tilespmem:$0xD890] =	vst v8;
	v7 =	vsel vm0, $0x3F800000, v11  }
0x183: {  	[tilespmem:$0xD910] =	vst v7  }
0x184: {  	s30 =	simm.s32 $0x0;
	v7 =	vld.idx.msk [tilespmem:v4+s18+$0x0], $0xffff  }
0x185: {  	v13 =	vmov s30;
	v8 =	vld.idx.msk [tilespmem:v5+s18+$0x0], $0xffff  }
0x186: {  	v16 =	vor.u32 $0x3, v10;
	v15 =	vld.idx.msk [tilespmem:v10+s19+$0x0], $0xffff  }
0x187: {  	v17 =	vld.idx.msk [tilespmem:v12+s20+$0x0], $0xffff  }
0x188: {  	v18 =	vor.u32 $0x3, v13;
	v12 =	vld.idx.msk [tilespmem:v12+s19+$0x0], $0xffff  }
0x189: {  	v19 =	vor.u32 $0x1, v13;
	v9 =	vor.u32 $0x1, v10;
	v10 =	vld.idx.msk [tilespmem:v10+s20+$0x0], $0xffff  }
0x18a: {  	v20 =	vld.idx.msk [tilespmem:v13+s19+$0x0], $0xffff  }
0x18b: {  	v21 =	vld.idx.msk [tilespmem:v16+s20+$0x0], $0xffff  }
0x18c: {  	v22 =	vor.u32 $0x2, v13;
	v16 =	vld.idx.msk [tilespmem:v16+s19+$0x0], $0xffff  }
0x18d: {  	v23 =	vld.idx.msk [tilespmem:v18+s20+$0x0], $0xffff  }
0x18e: {  	v24 =	vld.idx.msk [tilespmem:v19+s19+$0x0], $0xffff  }
0x18f: {  	v19 =	vld.idx.msk [tilespmem:v19+s20+$0x0], $0xffff  }
0x190: {  	v13 =	vld.idx.msk [tilespmem:v13+s20+$0x0], $0xffff  }
0x191: {  	v25 =	vld.idx.msk [tilespmem:v22+s20+$0x0], $0xffff  }
0x192: {  	v22 =	vld.idx.msk [tilespmem:v22+s19+$0x0], $0xffff;
	v15 =	vsub.f32 v15, v7  }
0x193: {  	v18 =	vld.idx.msk [tilespmem:v18+s19+$0x0], $0xffff;
	v17 =	vsub.f32 v17, v8;
	v12 =	vsub.f32 v12, v7  }
0x194: {  	v14 =	vld.idx.msk [tilespmem:v9+s20+$0x0], $0xffff;
	v10 =	vsub.f32 v10, v8;
	v20 =	vsub.f32 v20, v7  }
0x195: {  	v9 =	vld.idx.msk [tilespmem:v9+s19+$0x0], $0xffff;
	v21 =	vsub.f32 v21, v8;
	v16 =	vsub.f32 v16, v7  }
0x196: {  	v23 =	vsub.f32 v23, v8;
	v24 =	vsub.f32 v24, v7  }
0x197: {  	v19 =	vsub.f32 v19, v8;
	v13 =	vsub.f32 v13, v8  }
0x198: {  	v25 =	vsub.f32 v25, v8;
	v22 =	vsub.f32 v22, v7  }
0x199: {  	v18 =	vsub.f32 v18, v7;
	v14 =	vsub.f32 v14, v8  }
0x19a: {  	v9 =	vsub.f32 v9, v7;
	v15 =	vmax.f32 v15, $-5.000000000e+01;
	v17 =	vmax.f32 v17, $-5.000000000e+01  }
0x19b: {  	v12 =	vmax.f32 v12, $-5.000000000e+01;
	v10 =	vmax.f32 v10, $-5.000000000e+01;
	v20 =	vmax.f32 v20, $-5.000000000e+01  }
0x19c: {  	v16 =	vmax.f32 v16, $-5.000000000e+01;
	v23 =	vmax.f32 v23, $-5.000000000e+01;
	v24 =	vmax.f32 v24, $-5.000000000e+01  }
0x19d: {  	v19 =	vmax.f32 v19, $-5.000000000e+01;
	v25 =	vmax.f32 v25, $-5.000000000e+01;
	v13 =	vmax.f32 v13, $-5.000000000e+01  }
0x19e: {  	v22 =	vmax.f32 v22, $-5.000000000e+01;
	v21 =	vmax.f32 v21, $-5.000000000e+01;
	v18 =	vmax.f32 v18, $-5.000000000e+01  }
0x19f: {  	v14 =	vmax.f32 v14, $-5.000000000e+01;
	v15 =	vmin.f32 v15, $5.000000000e+01;
	v12 =	vmin.f32 v12, $5.000000000e+01  }
0x1a0: {  	v10 =	vmin.f32 v10, $5.000000000e+01;
	v20 =	vmin.f32 v20, $5.000000000e+01;
	v23 =	vmin.f32 v23, $5.000000000e+01  }
0x1a1: {  	v9 =	vmax.f32 v9, $-5.000000000e+01;
	v25 =	vmin.f32 v25, $5.000000000e+01;
	v15 =	vtrunc.f32 v15  }
0x1a2: {  	v22 =	vmin.f32 v22, $5.000000000e+01;
	v10 =	vtrunc.f32 v10;
	v20 =	vtrunc.f32 v20  }
0x1a3: {  	v13 =	vmin.f32 v13, $5.000000000e+01;
	v23 =	vtrunc.f32 v23;
	v12 =	vtrunc.f32 v12  }
0x1a4: {  	v18 =	vmin.f32 v18, $5.000000000e+01;
	v22 =	vtrunc.f32 v22;
	v25 =	vtrunc.f32 v25  }
0x1a5: {  	v17 =	vmin.f32 v17, $5.000000000e+01;
	v13 =	vtrunc.f32 v13;
	v18 =	vtrunc.f32 v18  }
0x1a6: {  	v16 =	vmin.f32 v16, $5.000000000e+01;
	v17 =	vtrunc.f32 v17;
	v15 =	vcvt.f32.s32 v15  }
0x1a7: {  	v14 =	vmin.f32 v14, $5.000000000e+01;
	v10 =	vcvt.f32.s32 v10;
	v20 =	vcvt.f32.s32 v20  }
0x1a8: {  	v9 =	vmin.f32 v9, $5.000000000e+01;
	v23 =	vcvt.f32.s32 v23;
	v14 =	vtrunc.f32 v14  }
0x1a9: {  	v21 =	vmin.f32 v21, $5.000000000e+01;
	v9 =	vtrunc.f32 v9;
	v22 =	vcvt.f32.s32 v22  }
0x1aa: {  	v13 =	vcvt.f32.s32 v13;
	v25 =	vcvt.f32.s32 v25;
	v15 =	vmul.u32 $0x65, v15  }
0x1ab: {  	s31 =	simm.s32 $0xC;
	v12 =	vcvt.f32.s32 v12;
	v18 =	vcvt.f32.s32 v18;
	v20 =	vmul.u32 $0x65, v20  }
0x1ac: {  	v22 =	vmul.u32 $0x65, v22;
	v10 =	vadd.s32 v15, v10;
	v15 =	vmov s31  }
0x1ad: {  	s26 =	simm.s32 $0x8;
	v17 =	vcvt.f32.s32 v17;
	v14 =	vcvt.f32.s32 v14;
	v18 =	vmul.u32 $0x65, v18  }
0x1ae: {  	v13 =	vadd.s32 v20, v13;
	v20 =	vadd.s32 v22, v25;
	v22 =	vmov s26  }
0x1af: {  	v9 =	vcvt.f32.s32 v9;
	v12 =	vmul.u32 $0x65, v12;
	v18 =	vadd.s32 v18, v23  }
0x1b0: {  	v25 =	vor.u32 $0x1, v15;
	v26 =	vor.u32 $0x1, v22;
	v27 =	vor.u32 $0x2, v15  }
0x1b1: {  	v13 =	vadd.s32 $0x13EC, v13;
	v52 =	vadd.s32 $0x13EC, v20;
	v53 =	vadd.s32 $0x13EC, v10;
	v20 =	vld.idx.msk [tilespmem:v15+s19+$0x0], $0xffff  }
0x1b2: {  	v54 =	vor.u32 $0x3, v15;
	v10 =	vadd.s32 v12, v17;
	v17 =	vmul.u32 $0x65, v9;
	v15 =	vld.idx.msk [tilespmem:v15+s20+$0x0], $0xffff  }
0x1b3: {  	v23 =	vadd.s32 $0x13EC, v18;
	v9 =	vadd.s32 $0x13EC, v10;
	v10 =	vtrunc.f32 v16;
	v18 =	vld.idx.msk [tilespmem:v22+s19+$0x0], $0xffff  }
0x1b4: {  	v28 =	vor.u32 $0x2, v22;
	v29 =	vor.u32 $0x3, v22;
	v10 =	vcvt.f32.s32 v10;
	v22 =	vld.idx.msk [tilespmem:v22+s20+$0x0], $0xffff  }
0x1b5: {  	v24 =	vmin.f32 v24, $5.000000000e+01;
	v14 =	vadd.s32 v17, v14;
	v17 =	vtrunc.f32 v21;
	v30 =	vld.idx.msk [tilespmem:v25+s20+$0x0], $0xffff  }
0x1b6: {  	v24 =	vtrunc.f32 v24;
	v17 =	vcvt.f32.s32 v17;
	v21 =	vmul.u32 $0x65, v10;
	v31 =	vld.idx.msk [tilespmem:v27+s20+$0x0], $0xffff  }
0x1b7: {  	v19 =	vmin.f32 v19, $5.000000000e+01;
	v24 =	vcvt.f32.s32 v24;
	v12 =	vld.idx.msk [tilespmem:v27+s19+$0x0], $0xffff  }
0x1b8: {  	v19 =	vtrunc.f32 v19;
	v17 =	vadd.s32 v21, v17;
	v21 =	vld.idx.msk [tilespmem:v13+s16+$0x0], $0xffff  }
0x1b9: {  	v19 =	vcvt.f32.s32 v19;
	v24 =	vmul.u32 $0x65, v24  }
0x1ba: {  	v10 =	vadd.s32 $0x13EC, v14;
	v16 =	vld.idx.msk [tilespmem:v13+s15+$0x0], $0xffff;
	v14 =	vsub.f32 v20, v7;
	v15 =	vsub.f32 v15, v8  }
0x1bb: {  	v19 =	vadd.s32 v24, v19;
	v56 =	vld.idx.msk [tilespmem:v13+s17+$0x0], $0xffff;
	v18 =	vsub.f32 v18, v7;
	v22 =	vsub.f32 v22, v8  }
0x1bc: {  	v20 =	vld.idx.msk [tilespmem:v54+s20+$0x0], $0xffff;
	v27 =	vsub.f32 v30, v8;
	v24 =	vsub.f32 v31, v8;
	v31 =	vadd.s32 $0x13EC, v19  }
0x1bd: {  	v30 =	vld.idx.msk [tilespmem:v29+s20+$0x0], $0xffff;
	v55 =	vsub.f32 v12, v7;
	v14 =	vmax.f32 v14, $-5.000000000e+01;
	v21 =	vadd.f32 v21, v11  }
0x1be: {  	v41 =	vmax.f32 v22, $-5.000000000e+01;
	v19 =	vmax.f32 v27, $-5.000000000e+01;
	v27 =	vld.idx.msk [tilespmem:v54+s19+$0x0], $0xffff;
	v12 =	vmax.f32 v24, $-5.000000000e+01  }
0x1bf: {  	v24 =	vadd.f32 v16, v11;
	v16 =	vld.idx.msk [tilespmem:v26+s19+$0x0], $0xffff;
	v14 =	vmin.f32 v14, $5.000000000e+01;
	v34 =	vmax.f32 v55, $-5.000000000e+01  }
0x1c0: {  	v26 =	vld.idx.msk [tilespmem:v26+s20+$0x0], $0xffff;
	v13 =	vtrunc.f32 v14;
	v34 =	vmin.f32 v34, $5.000000000e+01;
	v14 =	vmax.f32 v15, $-5.000000000e+01  }
0x1c1: {  	v15 =	vld.idx.msk [tilespmem:v25+s19+$0x0], $0xffff;
	v19 =	vmin.f32 v19, $5.000000000e+01;
	v25 =	vcvt.f32.s32 v13;
	v20 =	vsub.f32 v20, v8  }
0x1c2: {  	v13 =	vmin.f32 v14, $5.000000000e+01;
	v14 =	vadd.s32 $0x13EC, v17;
	v17 =	vmax.f32 v18, $-5.000000000e+01  }
0x1c3: {  	v57 =	vld.idx.msk [tilespmem:v52+s16+$0x0], $0xffff;
	v18 =	vadd.f32 v56, v11;
	v13 =	vtrunc.f32 v13;
	v30 =	vsub.f32 v30, v8  }
0x1c4: {  	v40 =	vld.idx.msk [tilespmem:v23+s16+$0x0], $0xffff;
	v17 =	vmin.f32 v17, $5.000000000e+01;
	v37 =	vcvt.f32.s32 v13;
	v38 =	vmul.u32 $0x65, v25  }
0x1c5: {  	v59 =	vld.idx.msk [tilespmem:v53+s16+$0x0], $0xffff;
	v11 =	vmax.f32 v20, $-5.000000000e+01;
	v27 =	vsub.f32 v27, v7;
	v16 =	vsub.f32 v16, v7  }
0x1c6: {  	v25 =	vmax.f32 v30, $-5.000000000e+01;
	v30 =	vld.idx.msk [tilespmem:v28+s20+$0x0], $0xffff;
	v26 =	vsub.f32 v26, v8;
	v15 =	vsub.f32 v15, v7  }
0x1c7: {  	v28 =	vld.idx.msk [tilespmem:v28+s19+$0x0], $0xffff;
	v13 =	vmax.f32 v27, $-5.000000000e+01;
	v20 =	vmax.f32 v16, $-5.000000000e+01;
	v16 =	vtrunc.f32 v17  }
0x1c8: {  	v27 =	vld.idx.msk [tilespmem:v31+s16+$0x0], $0xffff;
	v17 =	vmin.f32 v25, $5.000000000e+01;
	v26 =	vmax.f32 v26, $-5.000000000e+01;
	v15 =	vmax.f32 v15, $-5.000000000e+01  }
0x1c9: {  	v25 =	vld.idx.msk [tilespmem:v31+s15+$0x0], $0xffff;
	v58 =	vcvt.f32.s32 v16;
	v20 =	vmin.f32 v20, $5.000000000e+01;
	v22 =	vmin.f32 v26, $5.000000000e+01  }
0x1ca: {  	v42 =	vld.idx.msk [tilespmem:v23+s15+$0x0], $0xffff;
	v39 =	vmin.f32 v15, $5.000000000e+01;
	v15 =	vtrunc.f32 v17;
	v20 =	vtrunc.f32 v20  }
0x1cb: {  	v60 =	vld.idx.msk [tilespmem:v29+s19+$0x0], $0xffff;
	v29 =	vtrunc.f32 v22;
	v15 =	vcvt.f32.s32 v15;
	v30 =	vsub.f32 v30, v8  }
0x1cc: {  	v32 =	vld.idx.msk [tilespmem:v52+s17+$0x0], $0xffff;
	v28 =	vsub.f32 v28, v7;
	v26 =	vcvt.f32.s32 v20;
	v20 =	vtrunc.f32 v39  }
0x1cd: {  	v29 =	vcvt.f32.s32 v29;
	v17 =	vadd.f32 v27, v21;
	v27 =	vld.idx.msk [tilespmem:v52+s15+$0x0], $0xffff;
	v21 =	vtrunc.f32 v34  }
0x1ce: {  	v23 =	vld.idx.msk [tilespmem:v23+s17+$0x0], $0xffff;
	v24 =	vadd.f32 v25, v24;
	v25 =	vmax.f32 v30, $-5.000000000e+01;
	v28 =	vmax.f32 v28, $-5.000000000e+01  }
0x1cf: {  	v43 =	vld.idx.msk [tilespmem:v10+s16+$0x0], $0xffff;
	v30 =	vtrunc.f32 v19;
	v22 =	vmul.u32 $0x65, v26;
	v26 =	vmin.f32 v28, $5.000000000e+01  }
0x1d0: {  	v16 =	vld.idx.msk [tilespmem:v9+s16+$0x0], $0xffff;
	v25 =	vmin.f32 v25, $5.000000000e+01;
	v36 =	vadd.f32 v57, v17;
	v26 =	vtrunc.f32 v26  }
0x1d1: {  	v35 =	vmul.u32 $0x65, v58;
	v19 =	vld.idx.msk [tilespmem:v10+s15+$0x0], $0xffff;
	v61 =	vtrunc.f32 v25;
	v26 =	vcvt.f32.s32 v26  }
0x1d2: {  	v36 =	vadd.f32 v40, v36;
	v24 =	vadd.f32 v27, v24;
	v27 =	vld.idx.msk [tilespmem:v31+s17+$0x0], $0xffff;
	v31 =	vmin.f32 v41, $5.000000000e+01  }
0x1d3: {  	v28 =	vld.idx.msk [tilespmem:v53+s17+$0x0], $0xffff;
	v63 =	vcvt.f32.s32 v61;
	v26 =	vmul.u32 $0x65, v26;
	v25 =	vtrunc.f32 v31  }
0x1d4: {  	v17 =	vld.idx.msk [tilespmem:v14+s16+$0x0], $0xffff;
	v34 =	vadd.f32 v59, v36;
	v36 =	vsub.f32 v60, v7;
	v62 =	vcvt.f32.s32 v25  }
0x1d5: {  	v31 =	vld.idx.msk [tilespmem:v53+s15+$0x0], $0xffff;
	v25 =	vcvt.f32.s32 v30;
	v30 =	vadd.f32 v42, v24;
	v24 =	vadd.s32 v38, v37  }
0x1d6: {  	s25 =	simm.s32 $0x2;
	s26 =	simm.s32 $0x14;
	v33 =	vadd.s32 v26, v63;
	v26 =	vld.idx.msk [tilespmem:v9+s17+$0x0], $0xffff;
	v34 =	vadd.f32 v43, v34;
	v35 =	vadd.s32 v35, v62  }
.LBB2_8:
0x1d7: {  	s28 =	sadd.s32 $0xFFFFFFFC, s26;
	v37 =	vmov s26;
	s25 =	sadd.s32 $0x2, s25;
	v36 =	vmax.f32 v36, $-5.000000000e+01;
	v18 =	vadd.f32 v27, v18;
	v9 =	vld.idx.msk [tilespmem:v9+s15+$0x0], $0xffff  }
0x1d8: {  	v38 =	vmov s28;
	v39 =	vor.u32 $0x1, v37;
	p0 =	slt.u32 s25, $0x3FE;
	v16 =	vadd.f32 v16, v34;
	v34 =	vld.idx.msk [tilespmem:v14+s17+$0x0], $0xffff  }
0x1d9: {  	v41 =	vcvt.f32.s32 v20;
	v40 =	vor.u32 $0x1, v38;
	v27 =	vor.u32 $0x2, v38;
	v14 =	vld.idx.msk [tilespmem:v14+s15+$0x0], $0xffff  }
0x1da: {  	v36 =	vmin.f32 v36, $5.000000000e+01;
	v20 =	vor.u32 $0x3, v38;
	v18 =	vadd.f32 v32, v18;
	v10 =	vld.idx.msk [tilespmem:v10+s17+$0x0], $0xffff  }
0x1db: {  	v30 =	vadd.f32 v31, v30;
	v32 =	vtrunc.f32 v36;
	v16 =	vadd.f32 v17, v16  }
0x1dc: {  	v12 =	vmin.f32 v12, $5.000000000e+01;
	v17 =	vor.u32 $0x2, v37;
	v18 =	vadd.f32 v23, v18  }
0x1dd: {  	v13 =	vmin.f32 v13, $5.000000000e+01;
	v19 =	vadd.f32 v19, v30;
	v23 =	vcvt.f32.s32 v32;
	v31 =	vld.idx.msk [tilespmem:v38+s19+$0x0], $0xffff  }
0x1de: {  	v21 =	vcvt.f32.s32 v21;
	v32 =	vadd.s32 $0x13EC, v35;
	v18 =	vadd.f32 v28, v18;
	v30 =	vld.idx.msk [tilespmem:v39+s20+$0x0], $0xffff  }
0x1df: {  	v12 =	vtrunc.f32 v12;
	v9 =	vadd.f32 v9, v19;
	v35 =	vmul.u32 $0x65, v23;
	v28 =	vld.idx.msk [tilespmem:v40+s19+$0x0], $0xffff  }
0x1e0: {  	v12 =	vcvt.f32.s32 v12;
	v21 =	vmul.u32 $0x65, v21;
	v10 =	vadd.f32 v10, v18;
	v19 =	vld.idx.msk [tilespmem:v20+s20+$0x0], $0xffff  }
0x1e1: {  	v24 =	vadd.s32 $0x13EC, v24;
	v23 =	vadd.s32 $0x13EC, v33;
	v14 =	vadd.f32 v14, v9;
	v18 =	vld.idx.msk [tilespmem:v17+s20+$0x0], $0xffff  }
0x1e2: {  	v36 =	vor.u32 $0x3, v37;
	v9 =	vadd.s32 v21, v12;
	v10 =	vadd.f32 v26, v10;
	v33 =	vld.idx.msk [tilespmem:v37+s19+$0x0], $0xffff  }
0x1e3: {  	v13 =	vtrunc.f32 v13;
	v9 =	vadd.s32 $0x13EC, v9;
	v12 =	vld.idx.msk [tilespmem:v17+s19+$0x0], $0xffff;
	v17 =	vmul.u32 $0x65, v41  }
0x1e4: {  	v11 =	vmin.f32 v11, $5.000000000e+01;
	v13 =	vcvt.f32.s32 v13;
	v34 =	vadd.f32 v34, v10;
	v21 =	vld.idx.msk [tilespmem:v32+s15+$0x0], $0xffff  }
0x1e5: {  	v11 =	vtrunc.f32 v11;
	v10 =	vadd.s32 v35, v15;
	v37 =	vld.idx.msk [tilespmem:v37+s20+$0x0], $0xffff;
	v15 =	vadd.s32 v17, v25  }
0x1e6: {  	v11 =	vcvt.f32.s32 v11;
	v13 =	vmul.u32 $0x65, v13;
	v26 =	vadd.s32 $0x13EC, v10;
	v25 =	vld.idx.msk [tilespmem:v23+s16+$0x0], $0xffff  }
0x1e7: {  	v22 =	vadd.s32 v22, v29;
	v17 =	vsub.f32 v30, v8;
	v10 =	vadd.s32 $0x13EC, v15;
	v30 =	vld.idx.msk [tilespmem:v36+s20+$0x0], $0xffff  }
0x1e8: {  	v18 =	vsub.f32 v18, v8;
	v15 =	vsub.f32 v33, v7;
	v33 =	vadd.s32 $0x13EC, v22;
	v29 =	vld.idx.msk [tilespmem:v36+s19+$0x0], $0xffff  }
0x1e9: {  	v11 =	vadd.s32 v13, v11;
	v22 =	vmax.f32 v17, $-5.000000000e+01;
	v17 =	vsub.f32 v12, v7;
	v35 =	vld.idx.msk [tilespmem:v32+s16+$0x0], $0xffff  }
0x1ea: {  	v12 =	vmax.f32 v18, $-5.000000000e+01;
	v13 =	vmax.f32 v15, $-5.000000000e+01;
	v41 =	vadd.f32 v21, v14;
	v36 =	vld.idx.msk [tilespmem:v27+s20+$0x0], $0xffff  }
0x1eb: {  	v13 =	vmin.f32 v13, $5.000000000e+01;
	v14 =	vsub.f32 v37, v8;
	v15 =	vmax.f32 v17, $-5.000000000e+01;
	v17 =	vld.idx.msk [tilespmem:v32+s17+$0x0], $0xffff  }
0x1ec: {  	v18 =	vsub.f32 v31, v7;
	v13 =	vtrunc.f32 v13;
	v31 =	vmin.f32 v15, $5.000000000e+01;
	v21 =	vld.idx.msk [tilespmem:v39+s19+$0x0], $0xffff  }
0x1ed: {  	v14 =	vmax.f32 v14, $-5.000000000e+01;
	v32 =	vcvt.f32.s32 v13;
	v30 =	vsub.f32 v30, v8;
	v15 =	vld.idx.msk [tilespmem:v38+s20+$0x0], $0xffff  }
0x1ee: {  	v13 =	vmin.f32 v14, $5.000000000e+01;
	v29 =	vsub.f32 v29, v7;
	v14 =	vadd.s32 $0x13EC, v11;
	v37 =	vld.idx.msk [tilespmem:v33+s15+$0x0], $0xffff  }
0x1ef: {  	v38 =	vmax.f32 v18, $-5.000000000e+01;
	v11 =	vtrunc.f32 v13;
	v35 =	vadd.f32 v35, v16;
	v39 =	vld.idx.msk [tilespmem:v40+s20+$0x0], $0xffff  }
0x1f0: {  	v19 =	vsub.f32 v19, v8;
	v40 =	vcvt.f32.s32 v11;
	v13 =	vmax.f32 v29, $-5.000000000e+01;
	v29 =	vld.idx.msk [tilespmem:v33+s16+$0x0], $0xffff  }
0x1f1: {  	v28 =	vsub.f32 v28, v7;
	v42 =	vmul.u32 $0x65, v32;
	v18 =	vadd.f32 v17, v34;
	v16 =	vld.idx.msk [tilespmem:v9+s16+$0x0], $0xffff  }
0x1f2: {  	v11 =	vmax.f32 v30, $-5.000000000e+01;
	v17 =	vmax.f32 v19, $-5.000000000e+01;
	v19 =	vsub.f32 v21, v7;
	v30 =	vld.idx.msk [tilespmem:v26+s16+$0x0], $0xffff  }
0x1f3: {  	v28 =	vmax.f32 v28, $-5.000000000e+01;
	v21 =	vmin.f32 v38, $5.000000000e+01;
	v27 =	vld.idx.msk [tilespmem:v27+s19+$0x0], $0xffff  }
0x1f4: {  	v17 =	vmin.f32 v17, $5.000000000e+01;
	v21 =	vtrunc.f32 v21;
	v19 =	vmax.f32 v19, $-5.000000000e+01;
	v34 =	vld.idx.msk [tilespmem:v24+s16+$0x0], $0xffff  }
0x1f5: {  	v32 =	vcvt.f32.s32 v21;
	v21 =	vsub.f32 v39, v8;
	v38 =	vmin.f32 v19, $5.000000000e+01;
	v39 =	vld.idx.msk [tilespmem:v23+s15+$0x0], $0xffff  }
0x1f6: {  	v43 =	vsub.f32 v15, v8;
	v15 =	vtrunc.f32 v17;
	v29 =	vadd.f32 v29, v35;
	v17 =	vld.idx.msk [tilespmem:v14+s16+$0x0], $0xffff  }
0x1f7: {  	v15 =	vcvt.f32.s32 v15;
	v35 =	vmax.f32 v21, $-5.000000000e+01;
	v21 =	vtrunc.f32 v31;
	v19 =	vld.idx.msk [tilespmem:v10+s15+$0x0], $0xffff  }
0x1f8: {  	v22 =	vmin.f32 v22, $5.000000000e+01;
	v31 =	vsub.f32 v36, v8;
	v25 =	vadd.f32 v25, v29  }
0x1f9: {  	v28 =	vmin.f32 v28, $5.000000000e+01;
	v29 =	vadd.f32 v37, v41;
	v27 =	vsub.f32 v27, v7  }
0x1fa: {  	v36 =	vtrunc.f32 v22;
	v31 =	vmax.f32 v31, $-5.000000000e+01  }
0x1fb: {  	v22 =	vtrunc.f32 v28;
	v37 =	vmax.f32 v43, $-5.000000000e+01;
	v27 =	vmax.f32 v27, $-5.000000000e+01;
	v41 =	vld.idx.msk [tilespmem:v26+s15+$0x0], $0xffff  }
0x1fc: {  	v28 =	vmin.f32 v35, $5.000000000e+01;
	v22 =	vcvt.f32.s32 v22;
	v35 =	vld.idx.msk [tilespmem:v20+s19+$0x0], $0xffff;
	v20 =	vtrunc.f32 v38  }
0x1fd: {  	v31 =	vmin.f32 v31, $5.000000000e+01;
	v29 =	vadd.f32 v39, v29;
	v38 =	vmul.u32 $0x65, v32;
	v39 =	vld.idx.msk [tilespmem:v10+s16+$0x0], $0xffff  }
0x1fe: {  	v43 =	vtrunc.f32 v28;
	v22 =	vmul.u32 $0x65, v22;
	v28 =	vmin.f32 v27, $5.000000000e+01;
	v27 =	vld.idx.msk [tilespmem:v33+s17+$0x0], $0xffff  }
0x1ff: {  	v32 =	vmin.f32 v37, $5.000000000e+01;
	v37 =	vtrunc.f32 v31;
	v33 =	vtrunc.f32 v28;
	v28 =	vld.idx.msk [tilespmem:v24+s17+$0x0], $0xffff  }
.Ltmp3:
0x200: {  	v31 =	vtrunc.f32 v32;
	v32 =	vcvt.f32.s32 v33;
	v33 =	vadd.f32 v30, v25;
	(pc) =	sbr.rel @p0 .LBB2_8-.Ltmp3, $4  }
0x201: {  	v44 =	vcvt.f32.s32 v31;
	v25 =	vcvt.f32.s32 v36;
	v30 =	vadd.f32 v41, v29;
	v31 =	vld.idx.msk [tilespmem:v24+s15+$0x0], $0xffff  }
0x202: {  	v37 =	vcvt.f32.s32 v37;
	v41 =	vmul.u32 $0x65, v32;
	v34 =	vadd.f32 v34, v33;
	v32 =	vld.idx.msk [tilespmem:v23+s17+$0x0], $0xffff  }
0x203: {  	v29 =	vcvt.f32.s32 v43;
	v36 =	vsub.f32 v35, v7;
	v24 =	vadd.s32 v42, v40;
	v23 =	vld.idx.msk [tilespmem:v26+s17+$0x0], $0xffff  }
0x204: {  	s26 =	sadd.s32 $0x8, s26;
	v35 =	vadd.s32 v38, v44;
	v33 =	vadd.s32 v41, v37;
	v34 =	vadd.f32 v39, v34;
	v26 =	vld.idx.msk [tilespmem:v9+s17+$0x0], $0xffff  }
0x205: {  	_ =	sdelay $0x2  }
0x206: {  	v7 =	vmax.f32 v36, $-5.000000000e+01;
	v8 =	vadd.s32 $0x13EC, v35;
	v12 =	vmin.f32 v12, $5.000000000e+01  }
0x207: {  	v9 =	vld.idx.msk [tilespmem:v9+s15+$0x0], $0xffff;
	v21 =	vcvt.f32.s32 v21;
	v33 =	vadd.s32 $0x13EC, v33;
	v22 =	vadd.s32 v22, v29  }
0x208: {  	v53 =	vld.idx.msk [tilespmem:v14+s17+$0x0], $0xffff;
	v18 =	vadd.f32 v27, v18;
	v20 =	vcvt.f32.s32 v20;
	v12 =	vtrunc.f32 v12  }
0x209: {  	v14 =	vld.idx.msk [tilespmem:v14+s15+$0x0], $0xffff;
	v13 =	vmin.f32 v13, $5.000000000e+01;
	v12 =	vcvt.f32.s32 v12;
	v21 =	vmul.u32 $0x65, v21  }
0x20a: {  	v10 =	vld.idx.msk [tilespmem:v10+s17+$0x0], $0xffff;
	v11 =	vmin.f32 v11, $5.000000000e+01;
	v7 =	vmin.f32 v7, $5.000000000e+01;
	v22 =	vadd.s32 $0x13EC, v22  }
0x20b: {  	v13 =	vtrunc.f32 v13;
	v18 =	vadd.f32 v32, v18;
	v12 =	vadd.s32 v21, v12;
	v21 =	vld.idx.msk [tilespmem:v8+s15+$0x0], $0xffff  }
0x20c: {  	v16 =	vadd.f32 v16, v34;
	v11 =	vtrunc.f32 v11;
	v7 =	vtrunc.f32 v7;
	v27 =	vld.idx.msk [tilespmem:v8+s16+$0x0], $0xffff  }
0x20d: {  	v7 =	vcvt.f32.s32 v7;
	v18 =	vadd.f32 v23, v18;
	v23 =	vadd.s32 $0x13EC, v24;
	v8 =	vld.idx.msk [tilespmem:v8+s17+$0x0], $0xffff  }
0x20e: {  	v20 =	vmul.u32 $0x65, v20;
	v16 =	vadd.f32 v17, v16;
	v24 =	vadd.f32 v31, v30;
	v17 =	vld.idx.msk [tilespmem:v33+s17+$0x0], $0xffff  }
0x20f: {  	v13 =	vcvt.f32.s32 v13;
	v7 =	vmul.u32 $0x65, v7;
	v12 =	vadd.s32 $0x13EC, v12;
	v29 =	vld.idx.msk [tilespmem:v22+s15+$0x0], $0xffff  }
0x210: {  	v20 =	vadd.s32 v20, v25;
	v18 =	vadd.f32 v28, v18;
	v25 =	vld.idx.msk [tilespmem:v22+s16+$0x0], $0xffff;
	v19 =	vadd.f32 v19, v24  }
0x211: {  	v11 =	vcvt.f32.s32 v11;
	v13 =	vmul.u32 $0x65, v13;
	v7 =	vadd.s32 v7, v15;
	v15 =	vld.idx.msk [tilespmem:v33+s16+$0x0], $0xffff  }
0x212: {  	v7 =	vadd.s32 $0x13EC, v7;
	v10 =	vadd.f32 v10, v18;
	v9 =	vadd.f32 v9, v19;
	v19 =	vld.idx.msk [tilespmem:v23+s16+$0x0], $0xffff  }
0x213: {  	v11 =	vadd.s32 v13, v11;
	v13 =	vld.idx.msk [tilespmem:v23+s17+$0x0], $0xffff  }
0x214: {  	v24 =	vld.idx.msk [tilespmem:v12+s16+$0x0], $0xffff;
	v10 =	vadd.f32 v26, v10  }
0x215: {  	v20 =	vadd.s32 $0x13EC, v20;
	v9 =	vadd.f32 v14, v9;
	v14 =	vld.idx.msk [tilespmem:v22+s17+$0x0], $0xffff  }
0x216: {  	v26 =	vld.idx.msk [tilespmem:v33+s15+$0x0], $0xffff;
	v10 =	vadd.f32 v53, v10  }
0x217: {  	v18 =	vld.idx.msk [tilespmem:v7+s16+$0x0], $0xffff  }
0x218: {  	v9 =	vadd.f32 v21, v9;
	v8 =	vadd.f32 v8, v10;
	v10 =	vld.idx.msk [tilespmem:v7+s15+$0x0], $0xffff  }
0x219: {  	v16 =	vadd.f32 v27, v16;
	v7 =	vld.idx.msk [tilespmem:v7+s17+$0x0], $0xffff  }
0x21a: {  	v22 =	vld.idx.msk [tilespmem:v20+s15+$0x0], $0xffff;
	v9 =	vadd.f32 v29, v9;
	v8 =	vadd.f32 v14, v8  }
0x21b: {  	v11 =	vadd.s32 $0x13EC, v11;
	v14 =	vadd.f32 v25, v16;
	v16 =	vld.idx.msk [tilespmem:v23+s15+$0x0], $0xffff  }
0x21c: {  	v21 =	vld.idx.msk [tilespmem:v20+s16+$0x0], $0xffff;
	v9 =	vadd.f32 v26, v9;
	v8 =	vadd.f32 v17, v8  }
0x21d: {  	v14 =	vadd.f32 v15, v14;
	v15 =	vld.idx.msk [tilespmem:v20+s17+$0x0], $0xffff  }
0x21e: {  	v9 =	vadd.f32 v10, v9;
	v10 =	vld.idx.msk [tilespmem:v12+s17+$0x0], $0xffff;
	v7 =	vadd.f32 v7, v8  }
0x21f: {  	v12 =	vld.idx.msk [tilespmem:v12+s15+$0x0], $0xffff;
	v8 =	vadd.f32 v18, v14  }
0x220: {  	v14 =	vld.idx.msk [tilespmem:v11+s17+$0x0], $0xffff;
	v9 =	vadd.f32 v16, v9;
	v7 =	vadd.f32 v13, v7  }
0x221: {  	v8 =	vadd.f32 v19, v8;
	v13 =	vld.idx.msk [tilespmem:v11+s15+$0x0], $0xffff  }
0x222: {  	v11 =	vld.idx.msk [tilespmem:v11+s16+$0x0], $0xffff;
	v9 =	vadd.f32 v22, v9;
	v7 =	vadd.f32 v15, v7  }
0x223: {  	v8 =	vadd.f32 v21, v8  }
0x224: {  	v9 =	vadd.f32 v12, v9;
	v7 =	vadd.f32 v10, v7  }
0x225: {  	v8 =	vadd.f32 v24, v8  }
0x226: {  	v10 =	vor.u32 $0x1801, v0;
	v9 =	vadd.f32 v13, v9;
	v7 =	vadd.f32 v14, v7  }
0x227: {  	s25 =	simm.s32 $0x4;
	v12 =	vor.u32 $0x1800, v0;
	v8 =	vadd.f32 v11, v8  }
0x228: {  	v13 =	vmov s25;
	v11 =	vimm.f32 $0.0e+00;
	[tilespmem:$0xD820] =	vst v9;
	vm0 =	vge.f32 v7, $1.000000000e+01  }
0x229: {  	v14 =	vor.u32 $0x2, v13;
	[tilespmem:$0xD8A0] =	vst v8;
	v7 =	vsel vm0, $0x3F800000, v11  }
0x22a: {  	[tilespmem:$0xD920] =	vst v7  }
0x22b: {  	v7 =	vld.idx.msk [tilespmem:v10+s18+$0x0], $0xffff  }
0x22c: {  	v16 =	vor.u32 $0x3, v13;
	v8 =	vld.idx.msk [tilespmem:v12+s18+$0x0], $0xffff  }
0x22d: {  	v15 =	vld.idx.msk [tilespmem:v13+s19+$0x0], $0xffff  }
0x22e: {  	v9 =	vor.u32 $0x1, v13;
	v17 =	vld.idx.msk [tilespmem:v14+s20+$0x0], $0xffff  }
0x22f: {  	v14 =	vld.idx.msk [tilespmem:v14+s19+$0x0], $0xffff  }
0x230: {  	v13 =	vld.idx.msk [tilespmem:v13+s20+$0x0], $0xffff  }
0x231: {  	v21 =	vld.idx.msk [tilespmem:v16+s20+$0x0], $0xffff  }
0x232: {  	s30 =	simm.s32 $0x0;
	v16 =	vld.idx.msk [tilespmem:v16+s19+$0x0], $0xffff  }
0x233: {  	v10 =	vmov s30;
	v12 =	vld.idx.msk [tilespmem:v9+s20+$0x0], $0xffff  }
0x234: {  	v9 =	vld.idx.msk [tilespmem:v9+s19+$0x0], $0xffff  }
0x235: {  	v18 =	vor.u32 $0x3, v10  }
0x236: {  	v19 =	vor.u32 $0x1, v10;
	v15 =	vsub.f32 v15, v7;
	v17 =	vsub.f32 v17, v8  }
0x237: {  	v14 =	vsub.f32 v14, v7;
	v13 =	vsub.f32 v13, v8  }
0x238: {  	v22 =	vor.u32 $0x2, v10;
	v20 =	vld.idx.msk [tilespmem:v10+s19+$0x0], $0xffff;
	v21 =	vsub.f32 v21, v8;
	v16 =	vsub.f32 v16, v7  }
0x239: {  	v10 =	vld.idx.msk [tilespmem:v10+s20+$0x0], $0xffff;
	v12 =	vsub.f32 v12, v8;
	v9 =	vsub.f32 v9, v7;
	v15 =	vmax.f32 v15, $-5.000000000e+01  }
0x23a: {  	v23 =	vld.idx.msk [tilespmem:v18+s20+$0x0], $0xffff;
	v17 =	vmax.f32 v17, $-5.000000000e+01;
	v14 =	vmax.f32 v14, $-5.000000000e+01;
	v13 =	vmax.f32 v13, $-5.000000000e+01  }
0x23b: {  	v24 =	vld.idx.msk [tilespmem:v19+s19+$0x0], $0xffff;
	v16 =	vmax.f32 v16, $-5.000000000e+01;
	v21 =	vmax.f32 v21, $-5.000000000e+01;
	v12 =	vmax.f32 v12, $-5.000000000e+01  }
0x23c: {  	v19 =	vld.idx.msk [tilespmem:v19+s20+$0x0], $0xffff;
	v15 =	vmin.f32 v15, $5.000000000e+01;
	v14 =	vmin.f32 v14, $5.000000000e+01;
	v13 =	vmin.f32 v13, $5.000000000e+01  }
0x23d: {  	v25 =	vld.idx.msk [tilespmem:v22+s20+$0x0], $0xffff;
	v9 =	vmax.f32 v9, $-5.000000000e+01;
	v17 =	vmin.f32 v17, $5.000000000e+01;
	v16 =	vmin.f32 v16, $5.000000000e+01  }
0x23e: {  	v22 =	vld.idx.msk [tilespmem:v22+s19+$0x0], $0xffff;
	v21 =	vmin.f32 v21, $5.000000000e+01;
	v15 =	vtrunc.f32 v15;
	v13 =	vtrunc.f32 v13  }
0x23f: {  	v18 =	vld.idx.msk [tilespmem:v18+s19+$0x0], $0xffff;
	v9 =	vmin.f32 v9, $5.000000000e+01;
	v14 =	vtrunc.f32 v14;
	v12 =	vmin.f32 v12, $5.000000000e+01  }
0x240: {  	v21 =	vtrunc.f32 v21;
	v20 =	vsub.f32 v20, v7;
	v15 =	vcvt.f32.s32 v15  }
0x241: {  	v13 =	vcvt.f32.s32 v13;
	v10 =	vsub.f32 v10, v8;
	v12 =	vtrunc.f32 v12  }
0x242: {  	v9 =	vtrunc.f32 v9;
	v23 =	vsub.f32 v23, v8;
	v24 =	vsub.f32 v24, v7  }
0x243: {  	v14 =	vcvt.f32.s32 v14;
	v19 =	vsub.f32 v19, v8;
	v25 =	vsub.f32 v25, v8  }
0x244: {  	v21 =	vcvt.f32.s32 v21;
	v22 =	vsub.f32 v22, v7;
	v18 =	vsub.f32 v18, v7  }
0x245: {  	v20 =	vmax.f32 v20, $-5.000000000e+01;
	v15 =	vmul.u32 $0x65, v15;
	v10 =	vmax.f32 v10, $-5.000000000e+01  }
0x246: {  	v14 =	vmul.u32 $0x65, v14;
	v20 =	vmin.f32 v20, $5.000000000e+01;
	v23 =	vmax.f32 v23, $-5.000000000e+01  }
0x247: {  	v24 =	vmax.f32 v24, $-5.000000000e+01;
	v19 =	vmax.f32 v19, $-5.000000000e+01;
	v25 =	vmax.f32 v25, $-5.000000000e+01  }
0x248: {  	v22 =	vmax.f32 v22, $-5.000000000e+01;
	v10 =	vmin.f32 v10, $5.000000000e+01;
	v18 =	vmax.f32 v18, $-5.000000000e+01  }
0x249: {  	v20 =	vtrunc.f32 v20;
	v23 =	vmin.f32 v23, $5.000000000e+01;
	v24 =	vmin.f32 v24, $5.000000000e+01  }
0x24a: {  	v19 =	vmin.f32 v19, $5.000000000e+01;
	v25 =	vmin.f32 v25, $5.000000000e+01;
	v10 =	vtrunc.f32 v10  }
0x24b: {  	v22 =	vmin.f32 v22, $5.000000000e+01;
	v20 =	vcvt.f32.s32 v20;
	v23 =	vtrunc.f32 v23  }
0x24c: {  	s31 =	simm.s32 $0xC;
	v13 =	vadd.s32 v15, v13;
	v24 =	vtrunc.f32 v24;
	v19 =	vtrunc.f32 v19  }
0x24d: {  	v15 =	vmov s31;
	v22 =	vtrunc.f32 v22;
	v25 =	vtrunc.f32 v25  }
0x24e: {  	v18 =	vmin.f32 v18, $5.000000000e+01;
	v10 =	vcvt.f32.s32 v10;
	v22 =	vcvt.f32.s32 v22  }
0x24f: {  	v27 =	vor.u32 $0x2, v15;
	v18 =	vtrunc.f32 v18;
	v23 =	vcvt.f32.s32 v23  }
0x250: {  	v25 =	vcvt.f32.s32 v25;
	v20 =	vmul.u32 $0x65, v20;
	v22 =	vmul.u32 $0x65, v22  }
0x251: {  	v55 =	vadd.s32 $0x13EC, v13;
	v24 =	vcvt.f32.s32 v24;
	v19 =	vcvt.f32.s32 v19  }
0x252: {  	v10 =	vadd.s32 v20, v10;
	v20 =	vadd.s32 v22, v25;
	v25 =	vor.u32 $0x1, v15  }
0x253: {  	s26 =	simm.s32 $0x8;
	v18 =	vcvt.f32.s32 v18;
	v13 =	vld.idx.msk [tilespmem:v15+s19+$0x0], $0xffff;
	v29 =	vadd.s32 $0x13EC, v10;
	v10 =	vtrunc.f32 v17  }
0x254: {  	v24 =	vmul.u32 $0x65, v24;
	v22 =	vmov s26;
	v31 =	vld.idx.msk [tilespmem:v27+s20+$0x0], $0xffff;
	v10 =	vcvt.f32.s32 v10  }
0x255: {  	v18 =	vmul.u32 $0x65, v18;
	v54 =	vadd.s32 $0x13EC, v20;
	v20 =	vor.u32 $0x3, v15;
	v15 =	vld.idx.msk [tilespmem:v15+s20+$0x0], $0xffff  }
0x256: {  	v9 =	vcvt.f32.s32 v9;
	v30 =	vor.u32 $0x3, v22;
	v10 =	vadd.s32 v14, v10;
	v14 =	vld.idx.msk [tilespmem:v27+s19+$0x0], $0xffff  }
0x257: {  	v12 =	vcvt.f32.s32 v12;
	v18 =	vadd.s32 v18, v23;
	v19 =	vadd.s32 v24, v19;
	v17 =	vld.idx.msk [tilespmem:v25+s20+$0x0], $0xffff  }
0x258: {  	v27 =	vmul.u32 $0x65, v9;
	v9 =	vadd.s32 $0x13EC, v10;
	v10 =	vtrunc.f32 v16;
	v16 =	vld.idx.msk [tilespmem:v29+s15+$0x0], $0xffff  }
0x259: {  	v26 =	vor.u32 $0x1, v22;
	v56 =	vadd.s32 $0x13EC, v18;
	v10 =	vcvt.f32.s32 v10;
	v18 =	vld.idx.msk [tilespmem:v22+s19+$0x0], $0xffff  }
0x25a: {  	v28 =	vor.u32 $0x2, v22;
	v12 =	vadd.s32 v27, v12;
	v24 =	vsub.f32 v31, v8;
	v22 =	vld.idx.msk [tilespmem:v22+s20+$0x0], $0xffff  }
0x25b: {  	v27 =	vld.idx.msk [tilespmem:v30+s20+$0x0], $0xffff;
	v23 =	vmul.u32 $0x65, v10;
	v10 =	vadd.s32 $0x13EC, v12;
	v12 =	vsub.f32 v13, v7  }
0x25c: {  	v31 =	vadd.s32 $0x13EC, v19;
	v19 =	vld.idx.msk [tilespmem:v20+s19+$0x0], $0xffff;
	v15 =	vsub.f32 v15, v8;
	v14 =	vsub.f32 v14, v7  }
0x25d: {  	v13 =	vld.idx.msk [tilespmem:v20+s20+$0x0], $0xffff;
	v20 =	vadd.s32 v23, v21;
	v21 =	vmax.f32 v12, $-5.000000000e+01;
	v12 =	vmax.f32 v24, $-5.000000000e+01  }
0x25e: {  	v17 =	vsub.f32 v17, v8;
	v24 =	vadd.f32 v16, v11;
	v21 =	vmin.f32 v21, $5.000000000e+01  }
0x25f: {  	v23 =	vld.idx.msk [tilespmem:v29+s16+$0x0], $0xffff;
	v14 =	vmax.f32 v14, $-5.000000000e+01;
	v18 =	vsub.f32 v18, v7;
	v22 =	vsub.f32 v22, v8  }
0x260: {  	v29 =	vld.idx.msk [tilespmem:v29+s17+$0x0], $0xffff;
	v21 =	vtrunc.f32 v21;
	v57 =	vmin.f32 v14, $5.000000000e+01;
	v14 =	vmax.f32 v15, $-5.000000000e+01  }
0x261: {  	v16 =	vld.idx.msk [tilespmem:v26+s19+$0x0], $0xffff;
	v19 =	vsub.f32 v19, v7;
	v27 =	vsub.f32 v27, v8;
	v17 =	vmax.f32 v17, $-5.000000000e+01  }
0x262: {  	v15 =	vld.idx.msk [tilespmem:v25+s19+$0x0], $0xffff;
	v21 =	vcvt.f32.s32 v21;
	v25 =	vsub.f32 v13, v8;
	v13 =	vmin.f32 v14, $5.000000000e+01  }
0x263: {  	v41 =	vld.idx.msk [tilespmem:v55+s16+$0x0], $0xffff;
	v14 =	vadd.s32 $0x13EC, v20;
	v20 =	vmax.f32 v18, $-5.000000000e+01;
	v22 =	vmax.f32 v22, $-5.000000000e+01  }
0x264: {  	v58 =	vld.idx.msk [tilespmem:v54+s16+$0x0], $0xffff;
	v13 =	vtrunc.f32 v13;
	v20 =	vmin.f32 v20, $5.000000000e+01;
	v59 =	vmin.f32 v17, $5.000000000e+01  }
0x265: {  	v26 =	vld.idx.msk [tilespmem:v26+s20+$0x0], $0xffff;
	v22 =	vmin.f32 v22, $5.000000000e+01;
	v23 =	vadd.f32 v23, v11;
	v37 =	vcvt.f32.s32 v13  }
0x266: {  	v13 =	vmax.f32 v19, $-5.000000000e+01;
	v19 =	vld.idx.msk [tilespmem:v31+s16+$0x0], $0xffff;
	v38 =	vmul.u32 $0x65, v21;
	v18 =	vadd.f32 v29, v11  }
0x267: {  	v21 =	vmax.f32 v27, $-5.000000000e+01;
	v27 =	vld.idx.msk [tilespmem:v28+s20+$0x0], $0xffff;
	v22 =	vtrunc.f32 v22;
	v16 =	vsub.f32 v16, v7  }
0x268: {  	v11 =	vmax.f32 v25, $-5.000000000e+01;
	v29 =	vld.idx.msk [tilespmem:v31+s15+$0x0], $0xffff;
	v61 =	vcvt.f32.s32 v22;
	v15 =	vsub.f32 v15, v7  }
0x269: {  	v28 =	vld.idx.msk [tilespmem:v28+s19+$0x0], $0xffff;
	v25 =	vmax.f32 v16, $-5.000000000e+01;
	v16 =	vtrunc.f32 v20;
	v20 =	vmin.f32 v21, $5.000000000e+01  }
0x26a: {  	v40 =	vld.idx.msk [tilespmem:v56+s16+$0x0], $0xffff;
	v21 =	vsub.f32 v26, v8;
	v15 =	vmax.f32 v15, $-5.000000000e+01;
	v39 =	vcvt.f32.s32 v16  }
0x26b: {  	v60 =	vld.idx.msk [tilespmem:v56+s15+$0x0], $0xffff;
	v25 =	vmin.f32 v25, $5.000000000e+01;
	v26 =	vmin.f32 v15, $5.000000000e+01;
	v15 =	vtrunc.f32 v20  }
0x26c: {  	v19 =	vadd.f32 v19, v23;
	v20 =	vmax.f32 v21, $-5.000000000e+01;
	v23 =	vld.idx.msk [tilespmem:v54+s15+$0x0], $0xffff;
	v21 =	vtrunc.f32 v57  }
0x26d: {  	v32 =	vld.idx.msk [tilespmem:v54+s17+$0x0], $0xffff;
	v27 =	vsub.f32 v27, v8;
	v24 =	vadd.f32 v29, v24;
	v29 =	vtrunc.f32 v59  }
0x26e: {  	v43 =	vld.idx.msk [tilespmem:v10+s16+$0x0], $0xffff;
	v28 =	vsub.f32 v28, v7;
	v25 =	vtrunc.f32 v25;
	v15 =	vcvt.f32.s32 v15  }
0x26f: {  	v22 =	vld.idx.msk [tilespmem:v56+s17+$0x0], $0xffff;
	v42 =	vmin.f32 v20, $5.000000000e+01;
	v25 =	vcvt.f32.s32 v25;
	v20 =	vtrunc.f32 v26  }
0x270: {  	v26 =	vld.idx.msk [tilespmem:v30+s19+$0x0], $0xffff;
	v36 =	vadd.f32 v58, v19;
	v27 =	vmax.f32 v27, $-5.000000000e+01;
	v28 =	vmax.f32 v28, $-5.000000000e+01  }
0x271: {  	v17 =	vld.idx.msk [tilespmem:v14+s16+$0x0], $0xffff;
	v24 =	vadd.f32 v23, v24;
	v23 =	vmul.u32 $0x65, v25;
	v25 =	vmin.f32 v28, $5.000000000e+01  }
0x272: {  	v16 =	vld.idx.msk [tilespmem:v9+s16+$0x0], $0xffff;
	v39 =	vmul.u32 $0x65, v39;
	v30 =	vmin.f32 v27, $5.000000000e+01;
	v25 =	vtrunc.f32 v25  }
0x273: {  	v27 =	vld.idx.msk [tilespmem:v31+s17+$0x0], $0xffff;
	v44 =	vtrunc.f32 v30;
	v36 =	vadd.f32 v40, v36;
	v45 =	vcvt.f32.s32 v25  }
0x274: {  	v19 =	vld.idx.msk [tilespmem:v10+s15+$0x0], $0xffff;
	v42 =	vtrunc.f32 v42;
	v35 =	vadd.s32 v39, v61;
	v62 =	vcvt.f32.s32 v44  }
0x275: {  	v31 =	vld.idx.msk [tilespmem:v55+s15+$0x0], $0xffff;
	v41 =	vadd.f32 v41, v36;
	v36 =	vsub.f32 v26, v7;
	v63 =	vmul.u32 $0x65, v45  }
0x276: {  	v28 =	vld.idx.msk [tilespmem:v55+s17+$0x0], $0xffff;
	v25 =	vcvt.f32.s32 v29;
	v30 =	vadd.f32 v60, v24;
	v29 =	vcvt.f32.s32 v42  }
0x277: {  	s25 =	simm.s32 $0x2;
	s26 =	simm.s32 $0x14;
	v26 =	vld.idx.msk [tilespmem:v9+s17+$0x0], $0xffff;
	v24 =	vadd.s32 v38, v37;
	v34 =	vadd.f32 v43, v41;
	v33 =	vadd.s32 v63, v62  }
.LBB2_10:
0x278: {  	s28 =	sadd.s32 $0xFFFFFFFC, s26;
	v37 =	vmov s26;
	s25 =	sadd.s32 $0x2, s25;
	v36 =	vmax.f32 v36, $-5.000000000e+01;
	v18 =	vadd.f32 v27, v18;
	v9 =	vld.idx.msk [tilespmem:v9+s15+$0x0], $0xffff  }
0x279: {  	v38 =	vmov s28;
	v39 =	vor.u32 $0x1, v37;
	p0 =	slt.u32 s25, $0x3FE;
	v16 =	vadd.f32 v16, v34;
	v34 =	vld.idx.msk [tilespmem:v14+s17+$0x0], $0xffff  }
0x27a: {  	v41 =	vcvt.f32.s32 v20;
	v40 =	vor.u32 $0x1, v38;
	v27 =	vor.u32 $0x2, v38;
	v14 =	vld.idx.msk [tilespmem:v14+s15+$0x0], $0xffff  }
0x27b: {  	v36 =	vmin.f32 v36, $5.000000000e+01;
	v20 =	vor.u32 $0x3, v38;
	v18 =	vadd.f32 v32, v18;
	v10 =	vld.idx.msk [tilespmem:v10+s17+$0x0], $0xffff  }
0x27c: {  	v30 =	vadd.f32 v31, v30;
	v32 =	vtrunc.f32 v36;
	v16 =	vadd.f32 v17, v16  }
0x27d: {  	v12 =	vmin.f32 v12, $5.000000000e+01;
	v17 =	vor.u32 $0x2, v37;
	v18 =	vadd.f32 v22, v18  }
0x27e: {  	v13 =	vmin.f32 v13, $5.000000000e+01;
	v19 =	vadd.f32 v19, v30;
	v22 =	vcvt.f32.s32 v32;
	v31 =	vld.idx.msk [tilespmem:v38+s19+$0x0], $0xffff  }
0x27f: {  	v21 =	vcvt.f32.s32 v21;
	v32 =	vadd.s32 $0x13EC, v35;
	v18 =	vadd.f32 v28, v18;
	v30 =	vld.idx.msk [tilespmem:v39+s20+$0x0], $0xffff  }
0x280: {  	v12 =	vtrunc.f32 v12;
	v9 =	vadd.f32 v9, v19;
	v35 =	vmul.u32 $0x65, v22;
	v28 =	vld.idx.msk [tilespmem:v40+s19+$0x0], $0xffff  }
0x281: {  	v12 =	vcvt.f32.s32 v12;
	v21 =	vmul.u32 $0x65, v21;
	v10 =	vadd.f32 v10, v18;
	v19 =	vld.idx.msk [tilespmem:v20+s20+$0x0], $0xffff  }
0x282: {  	v24 =	vadd.s32 $0x13EC, v24;
	v22 =	vadd.s32 $0x13EC, v33;
	v14 =	vadd.f32 v14, v9;
	v18 =	vld.idx.msk [tilespmem:v17+s20+$0x0], $0xffff  }
0x283: {  	v36 =	vor.u32 $0x3, v37;
	v9 =	vadd.s32 v21, v12;
	v10 =	vadd.f32 v26, v10;
	v33 =	vld.idx.msk [tilespmem:v37+s19+$0x0], $0xffff  }
0x284: {  	v13 =	vtrunc.f32 v13;
	v9 =	vadd.s32 $0x13EC, v9;
	v12 =	vld.idx.msk [tilespmem:v17+s19+$0x0], $0xffff;
	v17 =	vmul.u32 $0x65, v41  }
0x285: {  	v11 =	vmin.f32 v11, $5.000000000e+01;
	v13 =	vcvt.f32.s32 v13;
	v34 =	vadd.f32 v34, v10;
	v21 =	vld.idx.msk [tilespmem:v32+s15+$0x0], $0xffff  }
0x286: {  	v11 =	vtrunc.f32 v11;
	v10 =	vadd.s32 v35, v15;
	v37 =	vld.idx.msk [tilespmem:v37+s20+$0x0], $0xffff;
	v15 =	vadd.s32 v17, v25  }
0x287: {  	v11 =	vcvt.f32.s32 v11;
	v13 =	vmul.u32 $0x65, v13;
	v26 =	vadd.s32 $0x13EC, v10;
	v25 =	vld.idx.msk [tilespmem:v22+s16+$0x0], $0xffff  }
0x288: {  	v23 =	vadd.s32 v23, v29;
	v17 =	vsub.f32 v30, v8;
	v10 =	vadd.s32 $0x13EC, v15;
	v30 =	vld.idx.msk [tilespmem:v36+s20+$0x0], $0xffff  }
0x289: {  	v18 =	vsub.f32 v18, v8;
	v15 =	vsub.f32 v33, v7;
	v33 =	vadd.s32 $0x13EC, v23;
	v29 =	vld.idx.msk [tilespmem:v36+s19+$0x0], $0xffff  }
0x28a: {  	v11 =	vadd.s32 v13, v11;
	v23 =	vmax.f32 v17, $-5.000000000e+01;
	v17 =	vsub.f32 v12, v7;
	v35 =	vld.idx.msk [tilespmem:v32+s16+$0x0], $0xffff  }
0x28b: {  	v12 =	vmax.f32 v18, $-5.000000000e+01;
	v13 =	vmax.f32 v15, $-5.000000000e+01;
	v41 =	vadd.f32 v21, v14;
	v36 =	vld.idx.msk [tilespmem:v27+s20+$0x0], $0xffff  }
0x28c: {  	v13 =	vmin.f32 v13, $5.000000000e+01;
	v14 =	vsub.f32 v37, v8;
	v15 =	vmax.f32 v17, $-5.000000000e+01;
	v17 =	vld.idx.msk [tilespmem:v32+s17+$0x0], $0xffff  }
0x28d: {  	v18 =	vsub.f32 v31, v7;
	v13 =	vtrunc.f32 v13;
	v31 =	vmin.f32 v15, $5.000000000e+01;
	v21 =	vld.idx.msk [tilespmem:v39+s19+$0x0], $0xffff  }
0x28e: {  	v14 =	vmax.f32 v14, $-5.000000000e+01;
	v32 =	vcvt.f32.s32 v13;
	v30 =	vsub.f32 v30, v8;
	v15 =	vld.idx.msk [tilespmem:v38+s20+$0x0], $0xffff  }
0x28f: {  	v13 =	vmin.f32 v14, $5.000000000e+01;
	v29 =	vsub.f32 v29, v7;
	v14 =	vadd.s32 $0x13EC, v11;
	v37 =	vld.idx.msk [tilespmem:v33+s15+$0x0], $0xffff  }
0x290: {  	v38 =	vmax.f32 v18, $-5.000000000e+01;
	v11 =	vtrunc.f32 v13;
	v35 =	vadd.f32 v35, v16;
	v39 =	vld.idx.msk [tilespmem:v40+s20+$0x0], $0xffff  }
0x291: {  	v19 =	vsub.f32 v19, v8;
	v40 =	vcvt.f32.s32 v11;
	v13 =	vmax.f32 v29, $-5.000000000e+01;
	v29 =	vld.idx.msk [tilespmem:v33+s16+$0x0], $0xffff  }
0x292: {  	v28 =	vsub.f32 v28, v7;
	v42 =	vmul.u32 $0x65, v32;
	v18 =	vadd.f32 v17, v34;
	v16 =	vld.idx.msk [tilespmem:v9+s16+$0x0], $0xffff  }
0x293: {  	v11 =	vmax.f32 v30, $-5.000000000e+01;
	v17 =	vmax.f32 v19, $-5.000000000e+01;
	v19 =	vsub.f32 v21, v7;
	v30 =	vld.idx.msk [tilespmem:v26+s16+$0x0], $0xffff  }
0x294: {  	v28 =	vmax.f32 v28, $-5.000000000e+01;
	v21 =	vmin.f32 v38, $5.000000000e+01;
	v27 =	vld.idx.msk [tilespmem:v27+s19+$0x0], $0xffff  }
0x295: {  	v17 =	vmin.f32 v17, $5.000000000e+01;
	v21 =	vtrunc.f32 v21;
	v19 =	vmax.f32 v19, $-5.000000000e+01;
	v34 =	vld.idx.msk [tilespmem:v24+s16+$0x0], $0xffff  }
0x296: {  	v32 =	vcvt.f32.s32 v21;
	v21 =	vsub.f32 v39, v8;
	v38 =	vmin.f32 v19, $5.000000000e+01;
	v39 =	vld.idx.msk [tilespmem:v22+s15+$0x0], $0xffff  }
0x297: {  	v43 =	vsub.f32 v15, v8;
	v15 =	vtrunc.f32 v17;
	v29 =	vadd.f32 v29, v35;
	v17 =	vld.idx.msk [tilespmem:v14+s16+$0x0], $0xffff  }
0x298: {  	v15 =	vcvt.f32.s32 v15;
	v35 =	vmax.f32 v21, $-5.000000000e+01;
	v21 =	vtrunc.f32 v31;
	v19 =	vld.idx.msk [tilespmem:v10+s15+$0x0], $0xffff  }
0x299: {  	v23 =	vmin.f32 v23, $5.000000000e+01;
	v31 =	vsub.f32 v36, v8;
	v25 =	vadd.f32 v25, v29  }
0x29a: {  	v28 =	vmin.f32 v28, $5.000000000e+01;
	v29 =	vadd.f32 v37, v41;
	v27 =	vsub.f32 v27, v7  }
0x29b: {  	v36 =	vtrunc.f32 v23;
	v31 =	vmax.f32 v31, $-5.000000000e+01  }
0x29c: {  	v23 =	vtrunc.f32 v28;
	v37 =	vmax.f32 v43, $-5.000000000e+01;
	v27 =	vmax.f32 v27, $-5.000000000e+01;
	v41 =	vld.idx.msk [tilespmem:v26+s15+$0x0], $0xffff  }
0x29d: {  	v28 =	vmin.f32 v35, $5.000000000e+01;
	v23 =	vcvt.f32.s32 v23;
	v35 =	vld.idx.msk [tilespmem:v20+s19+$0x0], $0xffff;
	v20 =	vtrunc.f32 v38  }
0x29e: {  	v31 =	vmin.f32 v31, $5.000000000e+01;
	v29 =	vadd.f32 v39, v29;
	v38 =	vmul.u32 $0x65, v32;
	v39 =	vld.idx.msk [tilespmem:v10+s16+$0x0], $0xffff  }
0x29f: {  	v43 =	vtrunc.f32 v28;
	v23 =	vmul.u32 $0x65, v23;
	v28 =	vmin.f32 v27, $5.000000000e+01;
	v27 =	vld.idx.msk [tilespmem:v33+s17+$0x0], $0xffff  }
0x2a0: {  	v32 =	vmin.f32 v37, $5.000000000e+01;
	v37 =	vtrunc.f32 v31;
	v33 =	vtrunc.f32 v28;
	v28 =	vld.idx.msk [tilespmem:v24+s17+$0x0], $0xffff  }
.Ltmp4:
0x2a1: {  	v31 =	vtrunc.f32 v32;
	v32 =	vcvt.f32.s32 v33;
	v33 =	vadd.f32 v30, v25;
	(pc) =	sbr.rel @p0 .LBB2_10-.Ltmp4, $4  }
0x2a2: {  	v44 =	vcvt.f32.s32 v31;
	v25 =	vcvt.f32.s32 v36;
	v30 =	vadd.f32 v41, v29;
	v31 =	vld.idx.msk [tilespmem:v24+s15+$0x0], $0xffff  }
0x2a3: {  	v37 =	vcvt.f32.s32 v37;
	v41 =	vmul.u32 $0x65, v32;
	v34 =	vadd.f32 v34, v33;
	v32 =	vld.idx.msk [tilespmem:v22+s17+$0x0], $0xffff  }
0x2a4: {  	v29 =	vcvt.f32.s32 v43;
	v36 =	vsub.f32 v35, v7;
	v24 =	vadd.s32 v42, v40;
	v22 =	vld.idx.msk [tilespmem:v26+s17+$0x0], $0xffff  }
0x2a5: {  	s26 =	sadd.s32 $0x8, s26;
	v35 =	vadd.s32 v38, v44;
	v33 =	vadd.s32 v41, v37;
	v34 =	vadd.f32 v39, v34;
	v26 =	vld.idx.msk [tilespmem:v9+s17+$0x0], $0xffff  }
0x2a6: {  	_ =	sdelay $0x2  }
0x2a7: {  	v8 =	vadd.s32 $0x13EC, v35  }
0x2a8: {  	v9 =	vld.idx.msk [tilespmem:v9+s15+$0x0], $0xffff;
	v33 =	vadd.s32 $0x13EC, v33  }
0x2a9: {  	v39 =	vld.idx.msk [tilespmem:v14+s17+$0x0], $0xffff  }
0x2aa: {  	v40 =	vld.idx.msk [tilespmem:v14+s15+$0x0], $0xffff  }
0x2ab: {  	v7 =	vmax.f32 v36, $-5.000000000e+01;
	v18 =	vadd.f32 v27, v18;
	v10 =	vld.idx.msk [tilespmem:v10+s17+$0x0], $0xffff;
	v44 =	vadd.s32 $0x13EC, v24  }
0x2ac: {  	v12 =	vmin.f32 v12, $5.000000000e+01;
	v7 =	vmin.f32 v7, $5.000000000e+01;
	v41 =	vld.idx.msk [tilespmem:v8+s15+$0x0], $0xffff  }
0x2ad: {  	v21 =	vcvt.f32.s32 v21;
	v7 =	vtrunc.f32 v7;
	v18 =	vadd.f32 v32, v18;
	v42 =	vld.idx.msk [tilespmem:v33+s16+$0x0], $0xffff  }
0x2ae: {  	v23 =	vadd.s32 v23, v29;
	v20 =	vcvt.f32.s32 v20;
	v7 =	vcvt.f32.s32 v7;
	v43 =	vld.idx.msk [tilespmem:v8+s16+$0x0], $0xffff  }
0x2af: {  	v13 =	vmin.f32 v13, $5.000000000e+01;
	v11 =	vmin.f32 v11, $5.000000000e+01;
	v18 =	vadd.f32 v22, v18;
	v8 =	vld.idx.msk [tilespmem:v8+s17+$0x0], $0xffff  }
0x2b0: {  	v23 =	vadd.s32 $0x13EC, v23;
	v45 =	vadd.f32 v31, v30;
	v7 =	vmul.u32 $0x65, v7;
	v50 =	vld.idx.msk [tilespmem:v44+s16+$0x0], $0xffff  }
0x2b1: {  	v12 =	vtrunc.f32 v12;
	v16 =	vadd.f32 v16, v34;
	v51 =	vld.idx.msk [tilespmem:v33+s15+$0x0], $0xffff;
	v18 =	vadd.f32 v28, v18  }
0x2b2: {  	v12 =	vcvt.f32.s32 v12;
	v21 =	vmul.u32 $0x65, v21;
	v54 =	vld.idx.msk [tilespmem:v33+s17+$0x0], $0xffff;
	v7 =	vadd.s32 v7, v15  }
0x2b3: {  	v19 =	vadd.f32 v19, v45;
	v56 =	vld.idx.msk [tilespmem:v44+s17+$0x0], $0xffff;
	v7 =	vadd.s32 $0x13EC, v7;
	v10 =	vadd.f32 v10, v18  }
0x2b4: {  	v13 =	vtrunc.f32 v13;
	v11 =	vtrunc.f32 v11;
	v20 =	vmul.u32 $0x65, v20;
	v58 =	vld.idx.msk [tilespmem:v44+s15+$0x0], $0xffff  }
0x2b5: {  	v12 =	vadd.s32 v21, v12;
	v9 =	vadd.f32 v9, v19;
	v46 =	vld.idx.msk [tilespmem:v23+s15+$0x0], $0xffff;
	v10 =	vadd.f32 v26, v10  }
0x2b6: {  	v13 =	vcvt.f32.s32 v13;
	v20 =	vadd.s32 v20, v25;
	v12 =	vadd.s32 $0x13EC, v12;
	v52 =	vld.idx.msk [tilespmem:v23+s17+$0x0], $0xffff  }
0x2b7: {  	v20 =	vadd.s32 $0x13EC, v20;
	v47 =	vld.idx.msk [tilespmem:v23+s16+$0x0], $0xffff;
	v9 =	vadd.f32 v40, v9;
	v10 =	vadd.f32 v39, v10  }
0x2b8: {  	v11 =	vcvt.f32.s32 v11;
	v16 =	vadd.f32 v17, v16;
	v49 =	vld.idx.msk [tilespmem:v7+s16+$0x0], $0xffff  }
0x2b9: {  	v13 =	vmul.u32 $0x65, v13;
	v9 =	vadd.f32 v41, v9;
	v55 =	vld.idx.msk [tilespmem:v7+s15+$0x0], $0xffff;
	v8 =	vadd.f32 v8, v10  }
0x2ba: {  	v16 =	vadd.f32 v43, v16;
	v7 =	vld.idx.msk [tilespmem:v7+s17+$0x0], $0xffff  }
0x2bb: {  	v11 =	vadd.s32 v13, v11;
	v48 =	vld.idx.msk [tilespmem:v12+s16+$0x0], $0xffff;
	v9 =	vadd.f32 v46, v9;
	v8 =	vadd.f32 v52, v8  }
0x2bc: {  	v11 =	vadd.s32 $0x13EC, v11;
	v53 =	vld.idx.msk [tilespmem:v20+s15+$0x0], $0xffff;
	v57 =	vadd.f32 v47, v16  }
0x2bd: {  	v59 =	vld.idx.msk [tilespmem:v20+s16+$0x0], $0xffff;
	v9 =	vadd.f32 v51, v9;
	v8 =	vadd.f32 v54, v8  }
0x2be: {  	v60 =	vld.idx.msk [tilespmem:v20+s17+$0x0], $0xffff;
	v14 =	vadd.f32 v42, v57  }
0x2bf: {  	v61 =	vld.idx.msk [tilespmem:v12+s17+$0x0], $0xffff;
	v9 =	vadd.f32 v55, v9;
	v7 =	vadd.f32 v7, v8  }
0x2c0: {  	v12 =	vld.idx.msk [tilespmem:v12+s15+$0x0], $0xffff;
	v8 =	vadd.f32 v49, v14  }
0x2c1: {  	v62 =	vld.idx.msk [tilespmem:v11+s17+$0x0], $0xffff;
	v9 =	vadd.f32 v58, v9;
	v7 =	vadd.f32 v56, v7  }
0x2c2: {  	v63 =	vld.idx.msk [tilespmem:v11+s15+$0x0], $0xffff;
	v8 =	vadd.f32 v50, v8  }
0x2c3: {  	v11 =	vld.idx.msk [tilespmem:v11+s16+$0x0], $0xffff;
	v9 =	vadd.f32 v53, v9;
	v7 =	vadd.f32 v60, v7  }
0x2c4: {  	v8 =	vadd.f32 v59, v8  }
0x2c5: {  	v9 =	vadd.f32 v12, v9;
	v7 =	vadd.f32 v61, v7  }
0x2c6: {  	v8 =	vadd.f32 v48, v8  }
0x2c7: {  	v9 =	vadd.f32 v63, v9;
	v7 =	vadd.f32 v62, v7  }
0x2c8: {  	v8 =	vadd.f32 v11, v8  }
0x2c9: {  	[tilespmem:$0xD830] =	vst v9;
	vm0 =	vge.f32 v7, $1.000000000e+01  }
0x2ca: {  	[tilespmem:$0xD8B0] =	vst v8;
	v7 =	vsel vm0, $0x3F800000, v6  }
0x2cb: {  	[tilespmem:$0xD930] =	vst v7  }
0x2cc: {  	[hbm4b:s9+s4] =	stream.linear.scatter [tilespmem:s21], [sflag:$0x1], $0x40, $0x38;
	[tilespmem:$0xD980] =	vst v63  }
0x2cd: {  	_ =	swait.ge [sflag:s13], $0x40  }
0x2ce: {  	[sflag:s13] =	ssyncset.done $0x0  }
0x2cf: {  	[sflag:s13] =	ssyncadd.s32 $0xFFFFFFC0  }
0x2d0: {  	[hbm4b:s10+s4] =	stream.linear.scatter [tilespmem:s22], [sflag:$0x1], $0x40, $0x38;
	[tilespmem:$0xD980] =	vst v63  }
0x2d1: {  	s24 =	sadd.s32 $0x1, s24;
	_ =	swait.ge [sflag:s13], $0x40  }
0x2d2: {  	p0 =	sne.s32 s24, s12;
	[sflag:s13] =	ssyncset.done $0x0  }
.Ltmp5:
0x2d3: {  	[sflag:s13] =	ssyncadd.s32 $0xFFFFFFC0;
	(pc) =	sbr.rel @p0 .LBB2_1-.Ltmp5, $4  }
0x2d4: {  	[hbm4b:s11+s4] =	stream.linear.scatter [tilespmem:s23], [sflag:$0x1], $0x40, $0x38;
	[tilespmem:$0xD980] =	vst v63  }
0x2d5: {  	_ =	swait.ge [sflag:s13], $0x40  }
0x2d6: {  	[sflag:s13] =	ssyncset.done $0x0  }
0x2d7: {  	[sflag:s13] =	ssyncadd.s32 $0xFFFFFFC0  }
0x2d8: {  	_ =	sfence.sel $0x180000  }
0x2d9: {  	[bflag:$0x0] =	sbarrier.arrive $0xFFFF  }
0x2da: {  	p0 =	sne.s32 s0, $0x0;
	_ =	strace $0x90000047  }
0x2db: {  	s0 =	sadd.s32 @!p0 $0x100000, s3;
	[bflag:$0x2] =	sbarrier.arrive $0xFFFF  }
0x2dc: {  	[sflag:s0] =	ssyncadd.tile.s32 @!p0 $0x1;
	_ =	shalt  }
.Lfunc_end2:
_tile_overlayer_lowered:
.L_overlay_start_2:
0x2dd: {  	(tag) =	ssettag $0x2  }
0x2de: {  	s0 =	rddreg [dreg:$0x0];
	s2 =	stileid.u32  }
0x2df: {  	s1 =	rddreg [dreg:$0x1];
	p0 =	sne.s32 s2, $0x0  }
0x2e0: {  	s3 =	rddreg [dreg:$0x2];
	[bflag:$0x3] =	sbarrier.arrive $0xFFFF;
	s2 =	simm.s32 @!p0 $0x1C01  }
0x2e1: {  	[timem:s3], [sflag:s2] =	dma.local @!p0 [hbm:s0], s1  }
0x2e2: {  	s0 =	simm.s32 @!p0 $0x1  }
0x2e3: {  	_ =	swait.ge @!p0 [sflag:s0], s1  }
0x2e4: {  	s1 =	ssub.s32 @!p0 $0x0, s1;
	[sflag:s0] =	ssyncset.done @!p0 $0x0  }
0x2e5: {  	[sflag:s0] =	ssyncadd.s32 @!p0 s1  }
0x2e6: {  	[bflag:$0x3] =	sbarrier.arrive $0xFFFF  }
0x2e7: {  	_ =	shalt  }

</sc_bundles>
